<compile_context>
chip_gen: v7x
topology: tpu7x:2x2x1
jax: 0.10.2.dev20260603
libtpu: 0.0.44.dev20260713+nightly
codegen_flags: <defaults>
</compile_context>

<pallas_src>
import functools

import numpy as np
import jax
import jax.numpy as jnp
from jax import lax
from jax.experimental import pallas as pl
from jax.experimental.pallas import tpu as pltpu
from jax.experimental.pallas import tpu_sc as plsc

_RATIO = 0.75
_XB = 128
_PCHUNK = 59


def _block_mask_indexes(T, B):
    n = int(T ** 0.5)
    bs = int((T * _RATIO) ** 0.5)
    bs = max(1, min(bs, n))
    rng = np.random.RandomState(0)
    fwd_list, bwd_list = [], []
    for _ in range(B):
        mask = np.zeros((n, n), dtype=np.float32)
        hi = n - bs
        i = rng.randint(0, hi + 1)
        j = rng.randint(0, hi + 1)
        mask[i:i + bs, j:j + bs] = 1
        mask = mask.flatten()
        f = np.where(mask == 0)[0]
        bwd = np.argsort(np.concatenate((f, np.where(mask == 1)[0])))
        fwd_list.append(f)
        bwd_list.append(bwd)
    fwd = np.stack(fwd_list, axis=-1).astype(np.int32)
    bwd = np.stack(bwd_list, axis=-1).astype(np.int32)
    return fwd, bwd


def _keep_runs(T, B):
    n = int(T ** 0.5)
    bs = int((T * _RATIO) ** 0.5)
    bs = max(1, min(bs, n))
    hi = n - bs
    keep = []
    for t in range(T):
        r, q = divmod(t, n)
        if not (hi <= r < bs and hi <= q < bs):
            keep.append(t)
    runs = []
    s = p = keep[0]
    for t in keep[1:]:
        if t == p + 1:
            p = t
            continue
        runs.append((s, p - s + 1))
        s = p = t
    runs.append((s, p - s + 1))
    return runs, keep


_IDX_CACHE = {}


def _setup(T, B):
    key = (T, B)
    if key not in _IDX_CACHE:
        fwd, bwd = _block_mask_indexes(T, B)
        runs, keep = _keep_runs(T, B)
        remap = np.zeros(T, dtype=np.int32)
        for i, t in enumerate(keep):
            remap[t] = i
        Tv = fwd.shape[0]
        nq = B // _XB
        F = remap[fwd]
        F = F.reshape(Tv, nq, _XB // 32, 2, 16)
        F = F.transpose(1, 0, 2, 4, 3)
        F = (F[..., 0] | (F[..., 1] << 16)).reshape(nq, -1).astype(np.int32)
        _IDX_CACHE[key] = (fwd, bwd, tuple(runs), len(keep), F)
    return _IDX_CACHE[key]


@functools.lru_cache(maxsize=None)
def _make_gather(T, C, B, Tv, nkeep, runs, nc, ns):
    nw = nc * ns
    nq = B // _XB
    n_units = C * nq // nw
    assert C * nq == n_units * nw and Tv % _PCHUNK == 0
    n_chunks = Tv // _PCHUNK
    ngr = _XB // 16
    mesh = plsc.VectorSubcoreMesh(core_axis_name="c", subcore_axis_name="s")

    offs = []
    o = 0
    for _, ln in runs:
        offs.append(o)
        o += ln
    assert o == nkeep

    @functools.partial(
        pl.kernel,
        mesh=mesh,
        out_type=jax.ShapeDtypeStruct((Tv, C, B), jnp.float32),
        scratch_types=[
            pltpu.VMEM((ngr * Tv * 8,), jnp.int32),
            pltpu.VMEM((nkeep, _XB), jnp.float32),
            pltpu.VMEM((_PCHUNK, _XB), jnp.float32),
            pltpu.VMEM((_PCHUNK, _XB), jnp.float32),
            pltpu.SemaphoreType.DMA,
            pltpu.SemaphoreType.DMA,
            pltpu.SemaphoreType.DMA,
            pltpu.SemaphoreType.DMA,
        ],
        compiler_params=pltpu.CompilerParams(
            use_tc_tiling_on_sc=True, needs_layout_passes=False
        ),
    )
    def gather(pt_hbm, fidx_hbm, out_hbm, fv, in_v, out_a, out_b, gsem, ws0, ws1, fsem):
        tid = lax.axis_index("s") * nc + lax.axis_index("c")
        q = lax.rem(tid, nq)
        c_base = lax.div(tid, nq)
        b0 = q * _XB
        wsem = [ws0, ws1]
        outs = [out_a, out_b]
        fcopy = pltpu.make_async_copy(fidx_hbm.at[q], fv, fsem)
        fcopy.start()
        jvec = [jg * 16 + lax.iota(jnp.int32, 16) for jg in range(ngr)]

        def wdesc(buf, c):
            return pltpu.make_async_copy(
                outs[buf],
                out_hbm.at[pl.ds(0, _PCHUNK), c, pl.ds(b0, _XB)],
                wsem[buf],
            )

        def unit(k, carry):
            c = c_base + (nw // nq) * k
            for (t0, ln), off in zip(runs, offs):
                pltpu.async_copy(
                    pt_hbm.at[pl.ds(t0, ln), c, pl.ds(b0, _XB)],
                    in_v.at[pl.ds(off, ln), :],
                    gsem,
                )

            @pl.when(k == 0)
            def _():
                pltpu.make_async_copy(fidx_hbm.at[q], fv, fsem).wait()

            for (t0, ln), off in zip(runs, offs):
                pltpu.make_async_copy(
                    pt_hbm.at[pl.ds(t0, ln), c, pl.ds(b0, _XB)],
                    in_v.at[pl.ds(off, ln), :],
                    gsem,
                ).wait()

            for chunk in range(n_chunks):
                buf = chunk % 2
                if chunk >= 2:
                    wdesc(buf, c).wait()
                else:

                    @pl.when(k >= 1)
                    def _():
                        wdesc(buf, c).wait()

                @plsc.parallel_loop(0, _PCHUNK, unroll=2)
                def _(i):
                    base = (chunk * _PCHUNK + i) * (_XB // 2)
                    for h in range(ngr // 2):
                        fvu = plsc.bitcast(fv[pl.ds(base + h * 16, 16)], jnp.uint16)
                        fa, fb = plsc.unpack(
                            fvu,
                            format=plsc.PackFormat.INTERLEAVED,
                            preferred_element_type=jnp.int32,
                        )
                        va = plsc.load_gather(in_v, [fa, jvec[2 * h]])
                        vb = plsc.load_gather(in_v, [fb, jvec[2 * h + 1]])
                        outs[buf][i, pl.ds(2 * h * 16, 16)] = va
                        outs[buf][i, pl.ds((2 * h + 1) * 16, 16)] = vb
                pltpu.async_copy(
                    outs[buf],
                    out_hbm.at[pl.ds(chunk * _PCHUNK, _PCHUNK), c, pl.ds(b0, _XB)],
                    wsem[buf],
                )
            return carry

        lax.fori_loop(0, n_units, unit, 0)
        for buf in (0, 1):
            wdesc(buf, c_base).wait()

    return gather


def kernel(patches):
    T, B, C = patches.shape
    fwd, bwd, runs, nkeep, F = _setup(T, B)
    Tv = fwd.shape[0]

    info = plsc.get_sparse_core_info()
    pt = jnp.transpose(patches, (0, 2, 1))
    g = _make_gather(
        T, C, B, Tv, nkeep, runs, info.num_cores, info.num_subcores
    )
    m3 = g(pt, jnp.asarray(F))
    masked = jnp.transpose(m3, (0, 2, 1))
    return masked, jnp.asarray(fwd), jnp.asarray(bwd)

# --- scband reference (transcript-rebuilt; emitter-appended) ---
"""Pipeline reference for scband-patch-shuffle-56100862820594 (READ-ONLY COPY).

The authoritative reference and input builder live on the scoring server;
editing this copy changes nothing except your own understanding.
"""

import jax, jax.numpy as jnp
import numpy as np

RATIO = 0.75

def _block_indexes(rng, num_patches_per_side, block_size):
    mask = np.zeros((num_patches_per_side, num_patches_per_side), dtype=np.float32)
    max_i = num_patches_per_side - block_size
    max_j = num_patches_per_side - block_size
    i = rng.randint(0, max_i + 1)
    j = rng.randint(0, max_j + 1)
    mask[i:i + block_size, j:j + block_size] = 1
    mask = mask.flatten()
    forward_indexes = np.where(mask == 0)[0]
    backward_indexes = np.argsort(np.concatenate((forward_indexes, np.where(mask == 1)[0])))
    return forward_indexes, backward_indexes

def setup_inputs(seed: int = 0) -> dict:
    key = jax.random.key(seed)
    patches = jax.random.normal(key, (1024, 256, 96), dtype=jnp.float32)
    return {"patches": patches}

def reference(patches):
    T, B, C = patches.shape
    num_patches_per_side = int(T ** 0.5)
    assert T == num_patches_per_side ** 2
    block_size = int((T * RATIO) ** 0.5)
    block_size = max(1, min(block_size, num_patches_per_side))
    rng = np.random.RandomState(0)
    idx_pairs = [_block_indexes(rng, num_patches_per_side, block_size) for _ in range(B)]
    forward_indexes = jnp.asarray(np.stack([p[0] for p in idx_pairs], axis=-1), dtype=jnp.int32)
    backward_indexes = jnp.asarray(np.stack([p[1] for p in idx_pairs], axis=-1), dtype=jnp.int32)
    Tv = forward_indexes.shape[0]
    idx_exp = jnp.broadcast_to(forward_indexes[:, :, None], (Tv, B, C))
    masked = jnp.take_along_axis(patches, idx_exp, axis=0)
    return (masked, forward_indexes, backward_indexes)

if __name__ == "__main__":
    import jax
    _d = setup_inputs()
    print(jax.jit(kernel)(*tuple(_d.values())))

</pallas_src>

<mosaic_0001>
#map = affine_map<(d0, d1) -> (0, 0, 0)>
#map1 = affine_map<(d0, d1) -> (0, 0)>
module attributes {stable_mosaic.version = 14 : i64} {
  func.func @gather(%arg0: i32, %arg1: i32, %arg2: memref<1024x96x256xf32, #tpu.memory_space<hbm>>, %arg3: memref<2x18880xi32, #tpu.memory_space<hbm>>, %arg4: memref<295x96x256xf32, #tpu.memory_space<hbm>>, %arg5: memref<18880xi32, #tpu.memory_space<vmem>>, %arg6: memref<540x128xf32, #tpu.memory_space<vmem>>, %arg7: memref<59x128xf32, #tpu.memory_space<vmem>>, %arg8: memref<59x128xf32, #tpu.memory_space<vmem>>, %arg9: memref<!tpu.dma_semaphore, #tpu.memory_space<semaphore_mem>>, %arg10: memref<!tpu.dma_semaphore, #tpu.memory_space<semaphore_mem>>, %arg11: memref<!tpu.dma_semaphore, #tpu.memory_space<semaphore_mem>>, %arg12: memref<!tpu.dma_semaphore, #tpu.memory_space<semaphore_mem>>) attributes {dimension_semantics = [#tpu.dimension_semantics<core_parallel>, #tpu.dimension_semantics<subcore_parallel>], iteration_bounds = array<i64: 2, 16>, scalar_prefetch = 0 : i64, scratch_operands = 8 : i64, tpu.core_type = #tpu.core_type<sc_vector_subcore>, window_params = [{transform_indices = #map}, {transform_indices = #map1}, {transform_indices = #map}]} {
    %mul3A = arith.constant 2 : i32
    %mul3A_0 = arith.muli %arg1, %mul3A : i32
    %add3A = arith.addi %mul3A_0, %arg0 : i32
    %rem3A = arith.constant 2 : i32
    %rem3A_1 = arith.remsi %add3A, %rem3A : i32
    %div3A = arith.constant 2 : i32
    %div3A_2 = arith.divsi %add3A, %div3A : i32
    %mul3A_3 = arith.constant 128 : i32
    %mul3A_4 = arith.muli %rem3A_1, %mul3A_3 : i32
    %dma_start3A = arith.constant 0 : i32
    %dma_start3A_5 = tpu.memref_slice %arg3[%rem3A_1, %dma_start3A] : memref<2x18880xi32, #tpu.memory_space<hbm>> -> memref<1x18880xi32, #tpu.memory_space<hbm>>
    %dma_start3A_6 = tpu.memref_squeeze %dma_start3A_5 : memref<1x18880xi32, #tpu.memory_space<hbm>> -> memref<18880xi32, #tpu.memory_space<hbm>>
    %dma_start3A_7 = arith.constant 0 : i32
    %dma_start3A_8 = tpu.memref_slice %arg3[%rem3A_1, %dma_start3A_7] : memref<2x18880xi32, #tpu.memory_space<hbm>> -> memref<1x18880xi32, #tpu.memory_space<hbm>>
    %dma_start3A_9 = tpu.memref_squeeze %dma_start3A_8 : memref<1x18880xi32, #tpu.memory_space<hbm>> -> memref<18880xi32, #tpu.memory_space<hbm>>
    tpu.enqueue_dma source(%dma_start3A_9 : memref<18880xi32, #tpu.memory_space<hbm>>) target(%arg5 : memref<18880xi32, #tpu.memory_space<vmem>>) target_semaphore(%arg12 : memref<!tpu.dma_semaphore, #tpu.memory_space<semaphore_mem>>)
    %iota3A = tpu.iota {dimensions = array<i32: 0>} : vector<16xi32>
    %add3A_10 = arith.constant 0 : i32
    %add3A_11 = vector.broadcast %add3A_10 : i32 to vector<16xi32>
    %add3A_12 = arith.addi %add3A_11, %iota3A : vector<16xi32>
    %iota3A_13 = tpu.iota {dimensions = array<i32: 0>} : vector<16xi32>
    %add3A_14 = arith.constant 16 : i32
    %add3A_15 = vector.broadcast %add3A_14 : i32 to vector<16xi32>
    %add3A_16 = arith.addi %add3A_15, %iota3A_13 : vector<16xi32>
    %iota3A_17 = tpu.iota {dimensions = array<i32: 0>} : vector<16xi32>
    %add3A_18 = arith.constant 32 : i32
    %add3A_19 = vector.broadcast %add3A_18 : i32 to vector<16xi32>
    %add3A_20 = arith.addi %add3A_19, %iota3A_17 : vector<16xi32>
    %iota3A_21 = tpu.iota {dimensions = array<i32: 0>} : vector<16xi32>
    %add3A_22 = arith.constant 48 : i32
    %add3A_23 = vector.broadcast %add3A_22 : i32 to vector<16xi32>
    %add3A_24 = arith.addi %add3A_23, %iota3A_21 : vector<16xi32>
    %iota3A_25 = tpu.iota {dimensions = array<i32: 0>} : vector<16xi32>
    %add3A_26 = arith.constant 64 : i32
    %add3A_27 = vector.broadcast %add3A_26 : i32 to vector<16xi32>
    %add3A_28 = arith.addi %add3A_27, %iota3A_25 : vector<16xi32>
    %iota3A_29 = tpu.iota {dimensions = array<i32: 0>} : vector<16xi32>
    %add3A_30 = arith.constant 80 : i32
    %add3A_31 = vector.broadcast %add3A_30 : i32 to vector<16xi32>
    %add3A_32 = arith.addi %add3A_31, %iota3A_29 : vector<16xi32>
    %iota3A_33 = tpu.iota {dimensions = array<i32: 0>} : vector<16xi32>
    %add3A_34 = arith.constant 96 : i32
    %add3A_35 = vector.broadcast %add3A_34 : i32 to vector<16xi32>
    %add3A_36 = arith.addi %add3A_35, %iota3A_33 : vector<16xi32>
    %iota3A_37 = tpu.iota {dimensions = array<i32: 0>} : vector<16xi32>
    %add3A_38 = arith.constant 112 : i32
    %add3A_39 = vector.broadcast %add3A_38 : i32 to vector<16xi32>
    %add3A_40 = arith.addi %add3A_39, %iota3A_37 : vector<16xi32>
    %scan3A = arith.constant 0 : i32
    %scan3A_41 = arith.constant 0 : i32
    %scan3A_42 = arith.constant 6 : i32
    %scan3A_43 = arith.addi %scan3A_41, %scan3A_42 : i32
    %scan3A_44 = arith.constant 1 : i32
    scf.for %scan3A_57 = %scan3A_41 to %scan3A_43 step %scan3A_44  : i32 {
      %mul3A_58 = arith.constant 16 : i32
      %mul3A_59 = arith.muli %mul3A_58, %scan3A_57 : i32
      %add3A_60 = arith.addi %div3A_2, %mul3A_59 : i32
      %dma_start3A_61 = arith.constant 0 : i32
      %dma_start3A_62 = arith.constant 0 : i32
      %dma_start3A_63 = tpu.memref_slice %arg6[%dma_start3A_61, %dma_start3A_62] : memref<540x128xf32, #tpu.memory_space<vmem>> -> memref<165x128xf32, #tpu.memory_space<vmem>>
      %dma_start3A_64 = arith.constant 0 : i32
      %dma_start3A_65 = tpu.memref_slice %arg2[%dma_start3A_64, %add3A_60, %mul3A_4] : memref<1024x96x256xf32, #tpu.memory_space<hbm>> -> memref<165x1x128xf32, #tpu.memory_space<hbm>>
      %dma_start3A_66 = tpu.memref_squeeze %dma_start3A_65 : memref<165x1x128xf32, #tpu.memory_space<hbm>> -> memref<165x128xf32, #tpu.memory_space<hbm>>
      %dma_start3A_67 = arith.constant 0 : i32
      %dma_start3A_68 = arith.constant 0 : i32
      %dma_start3A_69 = tpu.memref_slice %arg6[%dma_start3A_67, %dma_start3A_68] : memref<540x128xf32, #tpu.memory_space<vmem>> -> memref<165x128xf32, #tpu.memory_space<vmem>>
      %dma_start3A_70 = arith.constant 0 : i32
      %dma_start3A_71 = tpu.memref_slice %arg2[%dma_start3A_70, %add3A_60, %mul3A_4] : memref<1024x96x256xf32, #tpu.memory_space<hbm>> -> memref<165x1x128xf32, #tpu.memory_space<hbm>>
      %dma_start3A_72 = tpu.memref_squeeze %dma_start3A_71 : memref<165x1x128xf32, #tpu.memory_space<hbm>> -> memref<165x128xf32, #tpu.memory_space<hbm>>
      tpu.enqueue_dma source(%dma_start3A_72 : memref<165x128xf32, #tpu.memory_space<hbm>>) target(%dma_start3A_69 : memref<165x128xf32, #tpu.memory_space<vmem>>) target_semaphore(%arg9 : memref<!tpu.dma_semaphore, #tpu.memory_space<semaphore_mem>>)
      %dma_start3A_73 = arith.constant 165 : i32
      %dma_start3A_74 = arith.constant 0 : i32
      %dma_start3A_75 = tpu.memref_slice %arg6[%dma_start3A_73, %dma_start3A_74] : memref<540x128xf32, #tpu.memory_space<vmem>> -> memref<10x128xf32, #tpu.memory_space<vmem>>
      %dma_start3A_76 = arith.constant 187 : i32
      %dma_start3A_77 = tpu.memref_slice %arg2[%dma_start3A_76, %add3A_60, %mul3A_4] : memref<1024x96x256xf32, #tpu.memory_space<hbm>> -> memref<10x1x128xf32, #tpu.memory_space<hbm>>
      %dma_start3A_78 = tpu.memref_squeeze %dma_start3A_77 : memref<10x1x128xf32, #tpu.memory_space<hbm>> -> memref<10x128xf32, #tpu.memory_space<hbm>>
      %dma_start3A_79 = arith.constant 165 : i32
      %dma_start3A_80 = arith.constant 0 : i32
      %dma_start3A_81 = tpu.memref_slice %arg6[%dma_start3A_79, %dma_start3A_80] : memref<540x128xf32, #tpu.memory_space<vmem>> -> memref<10x128xf32, #tpu.memory_space<vmem>>
      %dma_start3A_82 = arith.constant 187 : i32
      %dma_start3A_83 = tpu.memref_slice %arg2[%dma_start3A_82, %add3A_60, %mul3A_4] : memref<1024x96x256xf32, #tpu.memory_space<hbm>> -> memref<10x1x128xf32, #tpu.memory_space<hbm>>
      %dma_start3A_84 = tpu.memref_squeeze %dma_start3A_83 : memref<10x1x128xf32, #tpu.memory_space<hbm>> -> memref<10x128xf32, #tpu.memory_space<hbm>>
      tpu.enqueue_dma source(%dma_start3A_84 : memref<10x128xf32, #tpu.memory_space<hbm>>) target(%dma_start3A_81 : memref<10x128xf32, #tpu.memory_space<vmem>>) target_semaphore(%arg9 : memref<!tpu.dma_semaphore, #tpu.memory_space<semaphore_mem>>)
      %dma_start3A_85 = arith.constant 175 : i32
      %dma_start3A_86 = arith.constant 0 : i32
      %dma_start3A_87 = tpu.memref_slice %arg6[%dma_start3A_85, %dma_start3A_86] : memref<540x128xf32, #tpu.memory_space<vmem>> -> memref<10x128xf32, #tpu.memory_space<vmem>>
      %dma_start3A_88 = arith.constant 219 : i32
      %dma_start3A_89 = tpu.memref_slice %arg2[%dma_start3A_88, %add3A_60, %mul3A_4] : memref<1024x96x256xf32, #tpu.memory_space<hbm>> -> memref<10x1x128xf32, #tpu.memory_space<hbm>>
      %dma_start3A_90 = tpu.memref_squeeze %dma_start3A_89 : memref<10x1x128xf32, #tpu.memory_space<hbm>> -> memref<10x128xf32, #tpu.memory_space<hbm>>
      %dma_start3A_91 = arith.constant 175 : i32
      %dma_start3A_92 = arith.constant 0 : i32
      %dma_start3A_93 = tpu.memref_slice %arg6[%dma_start3A_91, %dma_start3A_92] : memref<540x128xf32, #tpu.memory_space<vmem>> -> memref<10x128xf32, #tpu.memory_space<vmem>>
      %dma_start3A_94 = arith.constant 219 : i32
      %dma_start3A_95 = tpu.memref_slice %arg2[%dma_start3A_94, %add3A_60, %mul3A_4] : memref<1024x96x256xf32, #tpu.memory_space<hbm>> -> memref<10x1x128xf32, #tpu.memory_space<hbm>>
      %dma_start3A_96 = tpu.memref_squeeze %dma_start3A_95 : memref<10x1x128xf32, #tpu.memory_space<hbm>> -> memref<10x128xf32, #tpu.memory_space<hbm>>
      tpu.enqueue_dma source(%dma_start3A_96 : memref<10x128xf32, #tpu.memory_space<hbm>>) target(%dma_start3A_93 : memref<10x128xf32, #tpu.memory_space<vmem>>) target_semaphore(%arg9 : memref<!tpu.dma_semaphore, #tpu.memory_space<semaphore_mem>>)
      %dma_start3A_97 = arith.constant 185 : i32
      %dma_start3A_98 = arith.constant 0 : i32
      %dma_start3A_99 = tpu.memref_slice %arg6[%dma_start3A_97, %dma_start3A_98] : memref<540x128xf32, #tpu.memory_space<vmem>> -> memref<10x128xf32, #tpu.memory_space<vmem>>
      %dma_start3A_100 = arith.constant 251 : i32
      %dma_start3A_101 = tpu.memref_slice %arg2[%dma_start3A_100, %add3A_60, %mul3A_4] : memref<1024x96x256xf32, #tpu.memory_space<hbm>> -> memref<10x1x128xf32, #tpu.memory_space<hbm>>
      %dma_start3A_102 = tpu.memref_squeeze %dma_start3A_101 : memref<10x1x128xf32, #tpu.memory_space<hbm>> -> memref<10x128xf32, #tpu.memory_space<hbm>>
      %dma_start3A_103 = arith.constant 185 : i32
      %dma_start3A_104 = arith.constant 0 : i32
      %dma_start3A_105 = tpu.memref_slice %arg6[%dma_start3A_103, %dma_start3A_104] : memref<540x128xf32, #tpu.memory_space<vmem>> -> memref<10x128xf32, #tpu.memory_space<vmem>>
      %dma_start3A_106 = arith.constant 251 : i32
      %dma_start3A_107 = tpu.memref_slice %arg2[%dma_start3A_106, %add3A_60, %mul3A_4] : memref<1024x96x256xf32, #tpu.memory_space<hbm>> -> memref<10x1x128xf32, #tpu.memory_space<hbm>>
      %dma_start3A_108 = tpu.memref_squeeze %dma_start3A_107 : memref<10x1x128xf32, #tpu.memory_space<hbm>> -> memref<10x128xf32, #tpu.memory_space<hbm>>
      tpu.enqueue_dma source(%dma_start3A_108 : memref<10x128xf32, #tpu.memory_space<hbm>>) target(%dma_start3A_105 : memref<10x128xf32, #tpu.memory_space<vmem>>) target_semaphore(%arg9 : memref<!tpu.dma_semaphore, #tpu.memory_space<semaphore_mem>>)
      %dma_start3A_109 = arith.constant 195 : i32
      %dma_start3A_110 = arith.constant 0 : i32
      %dma_start3A_111 = tpu.memref_slice %arg6[%dma_start3A_109, %dma_start3A_110] : memref<540x128xf32, #tpu.memory_space<vmem>> -> memref<10x128xf32, #tpu.memory_space<vmem>>
      %dma_start3A_112 = arith.constant 283 : i32
      %dma_start3A_113 = tpu.memref_slice %arg2[%dma_start3A_112, %add3A_60, %mul3A_4] : memref<1024x96x256xf32, #tpu.memory_space<hbm>> -> memref<10x1x128xf32, #tpu.memory_space<hbm>>
      %dma_start3A_114 = tpu.memref_squeeze %dma_start3A_113 : memref<10x1x128xf32, #tpu.memory_space<hbm>> -> memref<10x128xf32, #tpu.memory_space<hbm>>
      %dma_start3A_115 = arith.constant 195 : i32
      %dma_start3A_116 = arith.constant 0 : i32
      %dma_start3A_117 = tpu.memref_slice %arg6[%dma_start3A_115, %dma_start3A_116] : memref<540x128xf32, #tpu.memory_space<vmem>> -> memref<10x128xf32, #tpu.memory_space<vmem>>
      %dma_start3A_118 = arith.constant 283 : i32
      %dma_start3A_119 = tpu.memref_slice %arg2[%dma_start3A_118, %add3A_60, %mul3A_4] : memref<1024x96x256xf32, #tpu.memory_space<hbm>> -> memref<10x1x128xf32, #tpu.memory_space<hbm>>
      %dma_start3A_120 = tpu.memref_squeeze %dma_start3A_119 : memref<10x1x128xf32, #tpu.memory_space<hbm>> -> memref<10x128xf32, #tpu.memory_space<hbm>>
      tpu.enqueue_dma source(%dma_start3A_120 : memref<10x128xf32, #tpu.memory_space<hbm>>) target(%dma_start3A_117 : memref<10x128xf32, #tpu.memory_space<vmem>>) target_semaphore(%arg9 : memref<!tpu.dma_semaphore, #tpu.memory_space<semaphore_mem>>)
      %dma_start3A_121 = arith.constant 205 : i32
      %dma_start3A_122 = arith.constant 0 : i32
      %dma_start3A_123 = tpu.memref_slice %arg6[%dma_start3A_121, %dma_start3A_122] : memref<540x128xf32, #tpu.memory_space<vmem>> -> memref<10x128xf32, #tpu.memory_space<vmem>>
      %dma_start3A_124 = arith.constant 315 : i32
      %dma_start3A_125 = tpu.memref_slice %arg2[%dma_start3A_124, %add3A_60, %mul3A_4] : memref<1024x96x256xf32, #tpu.memory_space<hbm>> -> memref<10x1x128xf32, #tpu.memory_space<hbm>>
      %dma_start3A_126 = tpu.memref_squeeze %dma_start3A_125 : memref<10x1x128xf32, #tpu.memory_space<hbm>> -> memref<10x128xf32, #tpu.memory_space<hbm>>
      %dma_start3A_127 = arith.constant 205 : i32
      %dma_start3A_128 = arith.constant 0 : i32
      %dma_start3A_129 = tpu.memref_slice %arg6[%dma_start3A_127, %dma_start3A_128] : memref<540x128xf32, #tpu.memory_space<vmem>> -> memref<10x128xf32, #tpu.memory_space<vmem>>
      %dma_start3A_130 = arith.constant 315 : i32
      %dma_start3A_131 = tpu.memref_slice %arg2[%dma_start3A_130, %add3A_60, %mul3A_4] : memref<1024x96x256xf32, #tpu.memory_space<hbm>> -> memref<10x1x128xf32, #tpu.memory_space<hbm>>
      %dma_start3A_132 = tpu.memref_squeeze %dma_start3A_131 : memref<10x1x128xf32, #tpu.memory_space<hbm>> -> memref<10x128xf32, #tpu.memory_space<hbm>>
      tpu.enqueue_dma source(%dma_start3A_132 : memref<10x128xf32, #tpu.memory_space<hbm>>) target(%dma_start3A_129 : memref<10x128xf32, #tpu.memory_space<vmem>>) target_semaphore(%arg9 : memref<!tpu.dma_semaphore, #tpu.memory_space<semaphore_mem>>)
      %dma_start3A_133 = arith.constant 215 : i32
      %dma_start3A_134 = arith.constant 0 : i32
      %dma_start3A_135 = tpu.memref_slice %arg6[%dma_start3A_133, %dma_start3A_134] : memref<540x128xf32, #tpu.memory_space<vmem>> -> memref<10x128xf32, #tpu.memory_space<vmem>>
      %dma_start3A_136 = arith.constant 347 : i32
      %dma_start3A_137 = tpu.memref_slice %arg2[%dma_start3A_136, %add3A_60, %mul3A_4] : memref<1024x96x256xf32, #tpu.memory_space<hbm>> -> memref<10x1x128xf32, #tpu.memory_space<hbm>>
      %dma_start3A_138 = tpu.memref_squeeze %dma_start3A_137 : memref<10x1x128xf32, #tpu.memory_space<hbm>> -> memref<10x128xf32, #tpu.memory_space<hbm>>
      %dma_start3A_139 = arith.constant 215 : i32
      %dma_start3A_140 = arith.constant 0 : i32
      %dma_start3A_141 = tpu.memref_slice %arg6[%dma_start3A_139, %dma_start3A_140] : memref<540x128xf32, #tpu.memory_space<vmem>> -> memref<10x128xf32, #tpu.memory_space<vmem>>
      %dma_start3A_142 = arith.constant 347 : i32
      %dma_start3A_143 = tpu.memref_slice %arg2[%dma_start3A_142, %add3A_60, %mul3A_4] : memref<1024x96x256xf32, #tpu.memory_space<hbm>> -> memref<10x1x128xf32, #tpu.memory_space<hbm>>
      %dma_start3A_144 = tpu.memref_squeeze %dma_start3A_143 : memref<10x1x128xf32, #tpu.memory_space<hbm>> -> memref<10x128xf32, #tpu.memory_space<hbm>>
      tpu.enqueue_dma source(%dma_start3A_144 : memref<10x128xf32, #tpu.memory_space<hbm>>) target(%dma_start3A_141 : memref<10x128xf32, #tpu.memory_space<vmem>>) target_semaphore(%arg9 : memref<!tpu.dma_semaphore, #tpu.memory_space<semaphore_mem>>)
      %dma_start3A_145 = arith.constant 225 : i32
      %dma_start3A_146 = arith.constant 0 : i32
      %dma_start3A_147 = tpu.memref_slice %arg6[%dma_start3A_145, %dma_start3A_146] : memref<540x128xf32, #tpu.memory_space<vmem>> -> memref<10x128xf32, #tpu.memory_space<vmem>>
      %dma_start3A_148 = arith.constant 379 : i32
      %dma_start3A_149 = tpu.memref_slice %arg2[%dma_start3A_148, %add3A_60, %mul3A_4] : memref<1024x96x256xf32, #tpu.memory_space<hbm>> -> memref<10x1x128xf32, #tpu.memory_space<hbm>>
      %dma_start3A_150 = tpu.memref_squeeze %dma_start3A_149 : memref<10x1x128xf32, #tpu.memory_space<hbm>> -> memref<10x128xf32, #tpu.memory_space<hbm>>
      %dma_start3A_151 = arith.constant 225 : i32
      %dma_start3A_152 = arith.constant 0 : i32
      %dma_start3A_153 = tpu.memref_slice %arg6[%dma_start3A_151, %dma_start3A_152] : memref<540x128xf32, #tpu.memory_space<vmem>> -> memref<10x128xf32, #tpu.memory_space<vmem>>
      %dma_start3A_154 = arith.constant 379 : i32
      %dma_start3A_155 = tpu.memref_slice %arg2[%dma_start3A_154, %add3A_60, %mul3A_4] : memref<1024x96x256xf32, #tpu.memory_space<hbm>> -> memref<10x1x128xf32, #tpu.memory_space<hbm>>
      %dma_start3A_156 = tpu.memref_squeeze %dma_start3A_155 : memref<10x1x128xf32, #tpu.memory_space<hbm>> -> memref<10x128xf32, #tpu.memory_space<hbm>>
      tpu.enqueue_dma source(%dma_start3A_156 : memref<10x128xf32, #tpu.memory_space<hbm>>) target(%dma_start3A_153 : memref<10x128xf32, #tpu.memory_space<vmem>>) target_semaphore(%arg9 : memref<!tpu.dma_semaphore, #tpu.memory_space<semaphore_mem>>)
      %dma_start3A_157 = arith.constant 235 : i32
      %dma_start3A_158 = arith.constant 0 : i32
      %dma_start3A_159 = tpu.memref_slice %arg6[%dma_start3A_157, %dma_start3A_158] : memref<540x128xf32, #tpu.memory_space<vmem>> -> memref<10x128xf32, #tpu.memory_space<vmem>>
      %dma_start3A_160 = arith.constant 411 : i32
      %dma_start3A_161 = tpu.memref_slice %arg2[%dma_start3A_160, %add3A_60, %mul3A_4] : memref<1024x96x256xf32, #tpu.memory_space<hbm>> -> memref<10x1x128xf32, #tpu.memory_space<hbm>>
      %dma_start3A_162 = tpu.memref_squeeze %dma_start3A_161 : memref<10x1x128xf32, #tpu.memory_space<hbm>> -> memref<10x128xf32, #tpu.memory_space<hbm>>
      %dma_start3A_163 = arith.constant 235 : i32
      %dma_start3A_164 = arith.constant 0 : i32
      %dma_start3A_165 = tpu.memref_slice %arg6[%dma_start3A_163, %dma_start3A_164] : memref<540x128xf32, #tpu.memory_space<vmem>> -> memref<10x128xf32, #tpu.memory_space<vmem>>
      %dma_start3A_166 = arith.constant 411 : i32
      %dma_start3A_167 = tpu.memref_slice %arg2[%dma_start3A_166, %add3A_60, %mul3A_4] : memref<1024x96x256xf32, #tpu.memory_space<hbm>> -> memref<10x1x128xf32, #tpu.memory_space<hbm>>
      %dma_start3A_168 = tpu.memref_squeeze %dma_start3A_167 : memref<10x1x128xf32, #tpu.memory_space<hbm>> -> memref<10x128xf32, #tpu.memory_space<hbm>>
      tpu.enqueue_dma source(%dma_start3A_168 : memref<10x128xf32, #tpu.memory_space<hbm>>) target(%dma_start3A_165 : memref<10x128xf32, #tpu.memory_space<vmem>>) target_semaphore(%arg9 : memref<!tpu.dma_semaphore, #tpu.memory_space<semaphore_mem>>)
      %dma_start3A_169 = arith.constant 245 : i32
      %dma_start3A_170 = arith.constant 0 : i32
      %dma_start3A_171 = tpu.memref_slice %arg6[%dma_start3A_169, %dma_start3A_170] : memref<540x128xf32, #tpu.memory_space<vmem>> -> memref<10x128xf32, #tpu.memory_space<vmem>>
      %dma_start3A_172 = arith.constant 443 : i32
      %dma_start3A_173 = tpu.memref_slice %arg2[%dma_start3A_172, %add3A_60, %mul3A_4] : memref<1024x96x256xf32, #tpu.memory_space<hbm>> -> memref<10x1x128xf32, #tpu.memory_space<hbm>>
      %dma_start3A_174 = tpu.memref_squeeze %dma_start3A_173 : memref<10x1x128xf32, #tpu.memory_space<hbm>> -> memref<10x128xf32, #tpu.memory_space<hbm>>
      %dma_start3A_175 = arith.constant 245 : i32
      %dma_start3A_176 = arith.constant 0 : i32
      %dma_start3A_177 = tpu.memref_slice %arg6[%dma_start3A_175, %dma_start3A_176] : memref<540x128xf32, #tpu.memory_space<vmem>> -> memref<10x128xf32, #tpu.memory_space<vmem>>
      %dma_start3A_178 = arith.constant 443 : i32
      %dma_start3A_179 = tpu.memref_slice %arg2[%dma_start3A_178, %add3A_60, %mul3A_4] : memref<1024x96x256xf32, #tpu.memory_space<hbm>> -> memref<10x1x128xf32, #tpu.memory_space<hbm>>
      %dma_start3A_180 = tpu.memref_squeeze %dma_start3A_179 : memref<10x1x128xf32, #tpu.memory_space<hbm>> -> memref<10x128xf32, #tpu.memory_space<hbm>>
      tpu.enqueue_dma source(%dma_start3A_180 : memref<10x128xf32, #tpu.memory_space<hbm>>) target(%dma_start3A_177 : memref<10x128xf32, #tpu.memory_space<vmem>>) target_semaphore(%arg9 : memref<!tpu.dma_semaphore, #tpu.memory_space<semaphore_mem>>)
      %dma_start3A_181 = arith.constant 255 : i32
      %dma_start3A_182 = arith.constant 0 : i32
      %dma_start3A_183 = tpu.memref_slice %arg6[%dma_start3A_181, %dma_start3A_182] : memref<540x128xf32, #tpu.memory_space<vmem>> -> memref<10x128xf32, #tpu.memory_space<vmem>>
      %dma_start3A_184 = arith.constant 475 : i32
      %dma_start3A_185 = tpu.memref_slice %arg2[%dma_start3A_184, %add3A_60, %mul3A_4] : memref<1024x96x256xf32, #tpu.memory_space<hbm>> -> memref<10x1x128xf32, #tpu.memory_space<hbm>>
      %dma_start3A_186 = tpu.memref_squeeze %dma_start3A_185 : memref<10x1x128xf32, #tpu.memory_space<hbm>> -> memref<10x128xf32, #tpu.memory_space<hbm>>
      %dma_start3A_187 = arith.constant 255 : i32
      %dma_start3A_188 = arith.constant 0 : i32
      %dma_start3A_189 = tpu.memref_slice %arg6[%dma_start3A_187, %dma_start3A_188] : memref<540x128xf32, #tpu.memory_space<vmem>> -> memref<10x128xf32, #tpu.memory_space<vmem>>
      %dma_start3A_190 = arith.constant 475 : i32
      %dma_start3A_191 = tpu.memref_slice %arg2[%dma_start3A_190, %add3A_60, %mul3A_4] : memref<1024x96x256xf32, #tpu.memory_space<hbm>> -> memref<10x1x128xf32, #tpu.memory_space<hbm>>
      %dma_start3A_192 = tpu.memref_squeeze %dma_start3A_191 : memref<10x1x128xf32, #tpu.memory_space<hbm>> -> memref<10x128xf32, #tpu.memory_space<hbm>>
      tpu.enqueue_dma source(%dma_start3A_192 : memref<10x128xf32, #tpu.memory_space<hbm>>) target(%dma_start3A_189 : memref<10x128xf32, #tpu.memory_space<vmem>>) target_semaphore(%arg9 : memref<!tpu.dma_semaphore, #tpu.memory_space<semaphore_mem>>)
      %dma_start3A_193 = arith.constant 265 : i32
      %dma_start3A_194 = arith.constant 0 : i32
      %dma_start3A_195 = tpu.memref_slice %arg6[%dma_start3A_193, %dma_start3A_194] : memref<540x128xf32, #tpu.memory_space<vmem>> -> memref<10x128xf32, #tpu.memory_space<vmem>>
      %dma_start3A_196 = arith.constant 507 : i32
      %dma_start3A_197 = tpu.memref_slice %arg2[%dma_start3A_196, %add3A_60, %mul3A_4] : memref<1024x96x256xf32, #tpu.memory_space<hbm>> -> memref<10x1x128xf32, #tpu.memory_space<hbm>>
      %dma_start3A_198 = tpu.memref_squeeze %dma_start3A_197 : memref<10x1x128xf32, #tpu.memory_space<hbm>> -> memref<10x128xf32, #tpu.memory_space<hbm>>
      %dma_start3A_199 = arith.constant 265 : i32
      %dma_start3A_200 = arith.constant 0 : i32
      %dma_start3A_201 = tpu.memref_slice %arg6[%dma_start3A_199, %dma_start3A_200] : memref<540x128xf32, #tpu.memory_space<vmem>> -> memref<10x128xf32, #tpu.memory_space<vmem>>
      %dma_start3A_202 = arith.constant 507 : i32
      %dma_start3A_203 = tpu.memref_slice %arg2[%dma_start3A_202, %add3A_60, %mul3A_4] : memref<1024x96x256xf32, #tpu.memory_space<hbm>> -> memref<10x1x128xf32, #tpu.memory_space<hbm>>
      %dma_start3A_204 = tpu.memref_squeeze %dma_start3A_203 : memref<10x1x128xf32, #tpu.memory_space<hbm>> -> memref<10x128xf32, #tpu.memory_space<hbm>>
      tpu.enqueue_dma source(%dma_start3A_204 : memref<10x128xf32, #tpu.memory_space<hbm>>) target(%dma_start3A_201 : memref<10x128xf32, #tpu.memory_space<vmem>>) target_semaphore(%arg9 : memref<!tpu.dma_semaphore, #tpu.memory_space<semaphore_mem>>)
      %dma_start3A_205 = arith.constant 275 : i32
      %dma_start3A_206 = arith.constant 0 : i32
      %dma_start3A_207 = tpu.memref_slice %arg6[%dma_start3A_205, %dma_start3A_206] : memref<540x128xf32, #tpu.memory_space<vmem>> -> memref<10x128xf32, #tpu.memory_space<vmem>>
      %dma_start3A_208 = arith.constant 539 : i32
      %dma_start3A_209 = tpu.memref_slice %arg2[%dma_start3A_208, %add3A_60, %mul3A_4] : memref<1024x96x256xf32, #tpu.memory_space<hbm>> -> memref<10x1x128xf32, #tpu.memory_space<hbm>>
      %dma_start3A_210 = tpu.memref_squeeze %dma_start3A_209 : memref<10x1x128xf32, #tpu.memory_space<hbm>> -> memref<10x128xf32, #tpu.memory_space<hbm>>
      %dma_start3A_211 = arith.constant 275 : i32
      %dma_start3A_212 = arith.constant 0 : i32
      %dma_start3A_213 = tpu.memref_slice %arg6[%dma_start3A_211, %dma_start3A_212] : memref<540x128xf32, #tpu.memory_space<vmem>> -> memref<10x128xf32, #tpu.memory_space<vmem>>
      %dma_start3A_214 = arith.constant 539 : i32
      %dma_start3A_215 = tpu.memref_slice %arg2[%dma_start3A_214, %add3A_60, %mul3A_4] : memref<1024x96x256xf32, #tpu.memory_space<hbm>> -> memref<10x1x128xf32, #tpu.memory_space<hbm>>
      %dma_start3A_216 = tpu.memref_squeeze %dma_start3A_215 : memref<10x1x128xf32, #tpu.memory_space<hbm>> -> memref<10x128xf32, #tpu.memory_space<hbm>>
      tpu.enqueue_dma source(%dma_start3A_216 : memref<10x128xf32, #tpu.memory_space<hbm>>) target(%dma_start3A_213 : memref<10x128xf32, #tpu.memory_space<vmem>>) target_semaphore(%arg9 : memref<!tpu.dma_semaphore, #tpu.memory_space<semaphore_mem>>)
      %dma_start3A_217 = arith.constant 285 : i32
      %dma_start3A_218 = arith.constant 0 : i32
      %dma_start3A_219 = tpu.memref_slice %arg6[%dma_start3A_217, %dma_start3A_218] : memref<540x128xf32, #tpu.memory_space<vmem>> -> memref<10x128xf32, #tpu.memory_space<vmem>>
      %dma_start3A_220 = arith.constant 571 : i32
      %dma_start3A_221 = tpu.memref_slice %arg2[%dma_start3A_220, %add3A_60, %mul3A_4] : memref<1024x96x256xf32, #tpu.memory_space<hbm>> -> memref<10x1x128xf32, #tpu.memory_space<hbm>>
      %dma_start3A_222 = tpu.memref_squeeze %dma_start3A_221 : memref<10x1x128xf32, #tpu.memory_space<hbm>> -> memref<10x128xf32, #tpu.memory_space<hbm>>
      %dma_start3A_223 = arith.constant 285 : i32
      %dma_start3A_224 = arith.constant 0 : i32
      %dma_start3A_225 = tpu.memref_slice %arg6[%dma_start3A_223, %dma_start3A_224] : memref<540x128xf32, #tpu.memory_space<vmem>> -> memref<10x128xf32, #tpu.memory_space<vmem>>
      %dma_start3A_226 = arith.constant 571 : i32
      %dma_start3A_227 = tpu.memref_slice %arg2[%dma_start3A_226, %add3A_60, %mul3A_4] : memref<1024x96x256xf32, #tpu.memory_space<hbm>> -> memref<10x1x128xf32, #tpu.memory_space<hbm>>
      %dma_start3A_228 = tpu.memref_squeeze %dma_start3A_227 : memref<10x1x128xf32, #tpu.memory_space<hbm>> -> memref<10x128xf32, #tpu.memory_space<hbm>>
      tpu.enqueue_dma source(%dma_start3A_228 : memref<10x128xf32, #tpu.memory_space<hbm>>) target(%dma_start3A_225 : memref<10x128xf32, #tpu.memory_space<vmem>>) target_semaphore(%arg9 : memref<!tpu.dma_semaphore, #tpu.memory_space<semaphore_mem>>)
      %dma_start3A_229 = arith.constant 295 : i32
      %dma_start3A_230 = arith.constant 0 : i32
      %dma_start3A_231 = tpu.memref_slice %arg6[%dma_start3A_229, %dma_start3A_230] : memref<540x128xf32, #tpu.memory_space<vmem>> -> memref<10x128xf32, #tpu.memory_space<vmem>>
      %dma_start3A_232 = arith.constant 603 : i32
      %dma_start3A_233 = tpu.memref_slice %arg2[%dma_start3A_232, %add3A_60, %mul3A_4] : memref<1024x96x256xf32, #tpu.memory_space<hbm>> -> memref<10x1x128xf32, #tpu.memory_space<hbm>>
      %dma_start3A_234 = tpu.memref_squeeze %dma_start3A_233 : memref<10x1x128xf32, #tpu.memory_space<hbm>> -> memref<10x128xf32, #tpu.memory_space<hbm>>
      %dma_start3A_235 = arith.constant 295 : i32
      %dma_start3A_236 = arith.constant 0 : i32
      %dma_start3A_237 = tpu.memref_slice %arg6[%dma_start3A_235, %dma_start3A_236] : memref<540x128xf32, #tpu.memory_space<vmem>> -> memref<10x128xf32, #tpu.memory_space<vmem>>
      %dma_start3A_238 = arith.constant 603 : i32
      %dma_start3A_239 = tpu.memref_slice %arg2[%dma_start3A_238, %add3A_60, %mul3A_4] : memref<1024x96x256xf32, #tpu.memory_space<hbm>> -> memref<10x1x128xf32, #tpu.memory_space<hbm>>
      %dma_start3A_240 = tpu.memref_squeeze %dma_start3A_239 : memref<10x1x128xf32, #tpu.memory_space<hbm>> -> memref<10x128xf32, #tpu.memory_space<hbm>>
      tpu.enqueue_dma source(%dma_start3A_240 : memref<10x128xf32, #tpu.memory_space<hbm>>) target(%dma_start3A_237 : memref<10x128xf32, #tpu.memory_space<vmem>>) target_semaphore(%arg9 : memref<!tpu.dma_semaphore, #tpu.memory_space<semaphore_mem>>)
      %dma_start3A_241 = arith.constant 305 : i32
      %dma_start3A_242 = arith.constant 0 : i32
      %dma_start3A_243 = tpu.memref_slice %arg6[%dma_start3A_241, %dma_start3A_242] : memref<540x128xf32, #tpu.memory_space<vmem>> -> memref<10x128xf32, #tpu.memory_space<vmem>>
      %dma_start3A_244 = arith.constant 635 : i32
      %dma_start3A_245 = tpu.memref_slice %arg2[%dma_start3A_244, %add3A_60, %mul3A_4] : memref<1024x96x256xf32, #tpu.memory_space<hbm>> -> memref<10x1x128xf32, #tpu.memory_space<hbm>>
      %dma_start3A_246 = tpu.memref_squeeze %dma_start3A_245 : memref<10x1x128xf32, #tpu.memory_space<hbm>> -> memref<10x128xf32, #tpu.memory_space<hbm>>
      %dma_start3A_247 = arith.constant 305 : i32
      %dma_start3A_248 = arith.constant 0 : i32
      %dma_start3A_249 = tpu.memref_slice %arg6[%dma_start3A_247, %dma_start3A_248] : memref<540x128xf32, #tpu.memory_space<vmem>> -> memref<10x128xf32, #tpu.memory_space<vmem>>
      %dma_start3A_250 = arith.constant 635 : i32
      %dma_start3A_251 = tpu.memref_slice %arg2[%dma_start3A_250, %add3A_60, %mul3A_4] : memref<1024x96x256xf32, #tpu.memory_space<hbm>> -> memref<10x1x128xf32, #tpu.memory_space<hbm>>
      %dma_start3A_252 = tpu.memref_squeeze %dma_start3A_251 : memref<10x1x128xf32, #tpu.memory_space<hbm>> -> memref<10x128xf32, #tpu.memory_space<hbm>>
      tpu.enqueue_dma source(%dma_start3A_252 : memref<10x128xf32, #tpu.memory_space<hbm>>) target(%dma_start3A_249 : memref<10x128xf32, #tpu.memory_space<vmem>>) target_semaphore(%arg9 : memref<!tpu.dma_semaphore, #tpu.memory_space<semaphore_mem>>)
      %dma_start3A_253 = arith.constant 315 : i32
      %dma_start3A_254 = arith.constant 0 : i32
      %dma_start3A_255 = tpu.memref_slice %arg6[%dma_start3A_253, %dma_start3A_254] : memref<540x128xf32, #tpu.memory_space<vmem>> -> memref<10x128xf32, #tpu.memory_space<vmem>>
      %dma_start3A_256 = arith.constant 667 : i32
      %dma_start3A_257 = tpu.memref_slice %arg2[%dma_start3A_256, %add3A_60, %mul3A_4] : memref<1024x96x256xf32, #tpu.memory_space<hbm>> -> memref<10x1x128xf32, #tpu.memory_space<hbm>>
      %dma_start3A_258 = tpu.memref_squeeze %dma_start3A_257 : memref<10x1x128xf32, #tpu.memory_space<hbm>> -> memref<10x128xf32, #tpu.memory_space<hbm>>
      %dma_start3A_259 = arith.constant 315 : i32
      %dma_start3A_260 = arith.constant 0 : i32
      %dma_start3A_261 = tpu.memref_slice %arg6[%dma_start3A_259, %dma_start3A_260] : memref<540x128xf32, #tpu.memory_space<vmem>> -> memref<10x128xf32, #tpu.memory_space<vmem>>
      %dma_start3A_262 = arith.constant 667 : i32
      %dma_start3A_263 = tpu.memref_slice %arg2[%dma_start3A_262, %add3A_60, %mul3A_4] : memref<1024x96x256xf32, #tpu.memory_space<hbm>> -> memref<10x1x128xf32, #tpu.memory_space<hbm>>
      %dma_start3A_264 = tpu.memref_squeeze %dma_start3A_263 : memref<10x1x128xf32, #tpu.memory_space<hbm>> -> memref<10x128xf32, #tpu.memory_space<hbm>>
      tpu.enqueue_dma source(%dma_start3A_264 : memref<10x128xf32, #tpu.memory_space<hbm>>) target(%dma_start3A_261 : memref<10x128xf32, #tpu.memory_space<vmem>>) target_semaphore(%arg9 : memref<!tpu.dma_semaphore, #tpu.memory_space<semaphore_mem>>)
      %dma_start3A_265 = arith.constant 325 : i32
      %dma_start3A_266 = arith.constant 0 : i32
      %dma_start3A_267 = tpu.memref_slice %arg6[%dma_start3A_265, %dma_start3A_266] : memref<540x128xf32, #tpu.memory_space<vmem>> -> memref<10x128xf32, #tpu.memory_space<vmem>>
      %dma_start3A_268 = arith.constant 699 : i32
      %dma_start3A_269 = tpu.memref_slice %arg2[%dma_start3A_268, %add3A_60, %mul3A_4] : memref<1024x96x256xf32, #tpu.memory_space<hbm>> -> memref<10x1x128xf32, #tpu.memory_space<hbm>>
      %dma_start3A_270 = tpu.memref_squeeze %dma_start3A_269 : memref<10x1x128xf32, #tpu.memory_space<hbm>> -> memref<10x128xf32, #tpu.memory_space<hbm>>
      %dma_start3A_271 = arith.constant 325 : i32
      %dma_start3A_272 = arith.constant 0 : i32
      %dma_start3A_273 = tpu.memref_slice %arg6[%dma_start3A_271, %dma_start3A_272] : memref<540x128xf32, #tpu.memory_space<vmem>> -> memref<10x128xf32, #tpu.memory_space<vmem>>
      %dma_start3A_274 = arith.constant 699 : i32
      %dma_start3A_275 = tpu.memref_slice %arg2[%dma_start3A_274, %add3A_60, %mul3A_4] : memref<1024x96x256xf32, #tpu.memory_space<hbm>> -> memref<10x1x128xf32, #tpu.memory_space<hbm>>
      %dma_start3A_276 = tpu.memref_squeeze %dma_start3A_275 : memref<10x1x128xf32, #tpu.memory_space<hbm>> -> memref<10x128xf32, #tpu.memory_space<hbm>>
      tpu.enqueue_dma source(%dma_start3A_276 : memref<10x128xf32, #tpu.memory_space<hbm>>) target(%dma_start3A_273 : memref<10x128xf32, #tpu.memory_space<vmem>>) target_semaphore(%arg9 : memref<!tpu.dma_semaphore, #tpu.memory_space<semaphore_mem>>)
      %dma_start3A_277 = arith.constant 335 : i32
      %dma_start3A_278 = arith.constant 0 : i32
      %dma_start3A_279 = tpu.memref_slice %arg6[%dma_start3A_277, %dma_start3A_278] : memref<540x128xf32, #tpu.memory_space<vmem>> -> memref<10x128xf32, #tpu.memory_space<vmem>>
      %dma_start3A_280 = arith.constant 731 : i32
      %dma_start3A_281 = tpu.memref_slice %arg2[%dma_start3A_280, %add3A_60, %mul3A_4] : memref<1024x96x256xf32, #tpu.memory_space<hbm>> -> memref<10x1x128xf32, #tpu.memory_space<hbm>>
      %dma_start3A_282 = tpu.memref_squeeze %dma_start3A_281 : memref<10x1x128xf32, #tpu.memory_space<hbm>> -> memref<10x128xf32, #tpu.memory_space<hbm>>
      %dma_start3A_283 = arith.constant 335 : i32
      %dma_start3A_284 = arith.constant 0 : i32
      %dma_start3A_285 = tpu.memref_slice %arg6[%dma_start3A_283, %dma_start3A_284] : memref<540x128xf32, #tpu.memory_space<vmem>> -> memref<10x128xf32, #tpu.memory_space<vmem>>
      %dma_start3A_286 = arith.constant 731 : i32
      %dma_start3A_287 = tpu.memref_slice %arg2[%dma_start3A_286, %add3A_60, %mul3A_4] : memref<1024x96x256xf32, #tpu.memory_space<hbm>> -> memref<10x1x128xf32, #tpu.memory_space<hbm>>
      %dma_start3A_288 = tpu.memref_squeeze %dma_start3A_287 : memref<10x1x128xf32, #tpu.memory_space<hbm>> -> memref<10x128xf32, #tpu.memory_space<hbm>>
      tpu.enqueue_dma source(%dma_start3A_288 : memref<10x128xf32, #tpu.memory_space<hbm>>) target(%dma_start3A_285 : memref<10x128xf32, #tpu.memory_space<vmem>>) target_semaphore(%arg9 : memref<!tpu.dma_semaphore, #tpu.memory_space<semaphore_mem>>)
      %dma_start3A_289 = arith.constant 345 : i32
      %dma_start3A_290 = arith.constant 0 : i32
      %dma_start3A_291 = tpu.memref_slice %arg6[%dma_start3A_289, %dma_start3A_290] : memref<540x128xf32, #tpu.memory_space<vmem>> -> memref<10x128xf32, #tpu.memory_space<vmem>>
      %dma_start3A_292 = arith.constant 763 : i32
      %dma_start3A_293 = tpu.memref_slice %arg2[%dma_start3A_292, %add3A_60, %mul3A_4] : memref<1024x96x256xf32, #tpu.memory_space<hbm>> -> memref<10x1x128xf32, #tpu.memory_space<hbm>>
      %dma_start3A_294 = tpu.memref_squeeze %dma_start3A_293 : memref<10x1x128xf32, #tpu.memory_space<hbm>> -> memref<10x128xf32, #tpu.memory_space<hbm>>
      %dma_start3A_295 = arith.constant 345 : i32
      %dma_start3A_296 = arith.constant 0 : i32
      %dma_start3A_297 = tpu.memref_slice %arg6[%dma_start3A_295, %dma_start3A_296] : memref<540x128xf32, #tpu.memory_space<vmem>> -> memref<10x128xf32, #tpu.memory_space<vmem>>
      %dma_start3A_298 = arith.constant 763 : i32
      %dma_start3A_299 = tpu.memref_slice %arg2[%dma_start3A_298, %add3A_60, %mul3A_4] : memref<1024x96x256xf32, #tpu.memory_space<hbm>> -> memref<10x1x128xf32, #tpu.memory_space<hbm>>
      %dma_start3A_300 = tpu.memref_squeeze %dma_start3A_299 : memref<10x1x128xf32, #tpu.memory_space<hbm>> -> memref<10x128xf32, #tpu.memory_space<hbm>>
      tpu.enqueue_dma source(%dma_start3A_300 : memref<10x128xf32, #tpu.memory_space<hbm>>) target(%dma_start3A_297 : memref<10x128xf32, #tpu.memory_space<vmem>>) target_semaphore(%arg9 : memref<!tpu.dma_semaphore, #tpu.memory_space<semaphore_mem>>)
      %dma_start3A_301 = arith.constant 355 : i32
      %dma_start3A_302 = arith.constant 0 : i32
      %dma_start3A_303 = tpu.memref_slice %arg6[%dma_start3A_301, %dma_start3A_302] : memref<540x128xf32, #tpu.memory_space<vmem>> -> memref<10x128xf32, #tpu.memory_space<vmem>>
      %dma_start3A_304 = arith.constant 795 : i32
      %dma_start3A_305 = tpu.memref_slice %arg2[%dma_start3A_304, %add3A_60, %mul3A_4] : memref<1024x96x256xf32, #tpu.memory_space<hbm>> -> memref<10x1x128xf32, #tpu.memory_space<hbm>>
      %dma_start3A_306 = tpu.memref_squeeze %dma_start3A_305 : memref<10x1x128xf32, #tpu.memory_space<hbm>> -> memref<10x128xf32, #tpu.memory_space<hbm>>
      %dma_start3A_307 = arith.constant 355 : i32
      %dma_start3A_308 = arith.constant 0 : i32
      %dma_start3A_309 = tpu.memref_slice %arg6[%dma_start3A_307, %dma_start3A_308] : memref<540x128xf32, #tpu.memory_space<vmem>> -> memref<10x128xf32, #tpu.memory_space<vmem>>
      %dma_start3A_310 = arith.constant 795 : i32
      %dma_start3A_311 = tpu.memref_slice %arg2[%dma_start3A_310, %add3A_60, %mul3A_4] : memref<1024x96x256xf32, #tpu.memory_space<hbm>> -> memref<10x1x128xf32, #tpu.memory_space<hbm>>
      %dma_start3A_312 = tpu.memref_squeeze %dma_start3A_311 : memref<10x1x128xf32, #tpu.memory_space<hbm>> -> memref<10x128xf32, #tpu.memory_space<hbm>>
      tpu.enqueue_dma source(%dma_start3A_312 : memref<10x128xf32, #tpu.memory_space<hbm>>) target(%dma_start3A_309 : memref<10x128xf32, #tpu.memory_space<vmem>>) target_semaphore(%arg9 : memref<!tpu.dma_semaphore, #tpu.memory_space<semaphore_mem>>)
      %dma_start3A_313 = arith.constant 365 : i32
      %dma_start3A_314 = arith.constant 0 : i32
      %dma_start3A_315 = tpu.memref_slice %arg6[%dma_start3A_313, %dma_start3A_314] : memref<540x128xf32, #tpu.memory_space<vmem>> -> memref<10x128xf32, #tpu.memory_space<vmem>>
      %dma_start3A_316 = arith.constant 827 : i32
      %dma_start3A_317 = tpu.memref_slice %arg2[%dma_start3A_316, %add3A_60, %mul3A_4] : memref<1024x96x256xf32, #tpu.memory_space<hbm>> -> memref<10x1x128xf32, #tpu.memory_space<hbm>>
      %dma_start3A_318 = tpu.memref_squeeze %dma_start3A_317 : memref<10x1x128xf32, #tpu.memory_space<hbm>> -> memref<10x128xf32, #tpu.memory_space<hbm>>
      %dma_start3A_319 = arith.constant 365 : i32
      %dma_start3A_320 = arith.constant 0 : i32
      %dma_start3A_321 = tpu.memref_slice %arg6[%dma_start3A_319, %dma_start3A_320] : memref<540x128xf32, #tpu.memory_space<vmem>> -> memref<10x128xf32, #tpu.memory_space<vmem>>
      %dma_start3A_322 = arith.constant 827 : i32
      %dma_start3A_323 = tpu.memref_slice %arg2[%dma_start3A_322, %add3A_60, %mul3A_4] : memref<1024x96x256xf32, #tpu.memory_space<hbm>> -> memref<10x1x128xf32, #tpu.memory_space<hbm>>
      %dma_start3A_324 = tpu.memref_squeeze %dma_start3A_323 : memref<10x1x128xf32, #tpu.memory_space<hbm>> -> memref<10x128xf32, #tpu.memory_space<hbm>>
      tpu.enqueue_dma source(%dma_start3A_324 : memref<10x128xf32, #tpu.memory_space<hbm>>) target(%dma_start3A_321 : memref<10x128xf32, #tpu.memory_space<vmem>>) target_semaphore(%arg9 : memref<!tpu.dma_semaphore, #tpu.memory_space<semaphore_mem>>)
      %dma_start3A_325 = arith.constant 375 : i32
      %dma_start3A_326 = arith.constant 0 : i32
      %dma_start3A_327 = tpu.memref_slice %arg6[%dma_start3A_325, %dma_start3A_326] : memref<540x128xf32, #tpu.memory_space<vmem>> -> memref<165x128xf32, #tpu.memory_space<vmem>>
      %dma_start3A_328 = arith.constant 859 : i32
      %dma_start3A_329 = tpu.memref_slice %arg2[%dma_start3A_328, %add3A_60, %mul3A_4] : memref<1024x96x256xf32, #tpu.memory_space<hbm>> -> memref<165x1x128xf32, #tpu.memory_space<hbm>>
      %dma_start3A_330 = tpu.memref_squeeze %dma_start3A_329 : memref<165x1x128xf32, #tpu.memory_space<hbm>> -> memref<165x128xf32, #tpu.memory_space<hbm>>
      %dma_start3A_331 = arith.constant 375 : i32
      %dma_start3A_332 = arith.constant 0 : i32
      %dma_start3A_333 = tpu.memref_slice %arg6[%dma_start3A_331, %dma_start3A_332] : memref<540x128xf32, #tpu.memory_space<vmem>> -> memref<165x128xf32, #tpu.memory_space<vmem>>
      %dma_start3A_334 = arith.constant 859 : i32
      %dma_start3A_335 = tpu.memref_slice %arg2[%dma_start3A_334, %add3A_60, %mul3A_4] : memref<1024x96x256xf32, #tpu.memory_space<hbm>> -> memref<165x1x128xf32, #tpu.memory_space<hbm>>
      %dma_start3A_336 = tpu.memref_squeeze %dma_start3A_335 : memref<165x1x128xf32, #tpu.memory_space<hbm>> -> memref<165x128xf32, #tpu.memory_space<hbm>>
      tpu.enqueue_dma source(%dma_start3A_336 : memref<165x128xf32, #tpu.memory_space<hbm>>) target(%dma_start3A_333 : memref<165x128xf32, #tpu.memory_space<vmem>>) target_semaphore(%arg9 : memref<!tpu.dma_semaphore, #tpu.memory_space<semaphore_mem>>)
      %eq3A = arith.constant 0 : i32
      %eq3A_337 = arith.cmpi eq, %scan3A_57, %eq3A : i32
      %convert_element_type3A = arith.extui %eq3A_337 : i1 to i32
      %cond3A = arith.constant 0 : i32
      %cond3A_338 = arith.cmpi ne, %convert_element_type3A, %cond3A : i32
      scf.if %cond3A_338 {
        %dma_wait3A_686 = arith.constant 0 : i32
        %dma_wait3A_687 = tpu.memref_slice %arg3[%rem3A_1, %dma_wait3A_686] : memref<2x18880xi32, #tpu.memory_space<hbm>> -> memref<1x18880xi32, #tpu.memory_space<hbm>>
        %dma_wait3A_688 = tpu.memref_squeeze %dma_wait3A_687 : memref<1x18880xi32, #tpu.memory_space<hbm>> -> memref<18880xi32, #tpu.memory_space<hbm>>
        %dma_wait3A_689 = arith.constant 0 : i32
        %dma_wait3A_690 = tpu.memref_slice %arg3[%rem3A_1, %dma_wait3A_689] : memref<2x18880xi32, #tpu.memory_space<hbm>> -> memref<1x18880xi32, #tpu.memory_space<hbm>>
        %dma_wait3A_691 = tpu.memref_squeeze %dma_wait3A_690 : memref<1x18880xi32, #tpu.memory_space<hbm>> -> memref<18880xi32, #tpu.memory_space<hbm>>
        tpu.wait_dma2 semaphore(%arg12 : memref<!tpu.dma_semaphore, #tpu.memory_space<semaphore_mem>>) src(%dma_wait3A_691 : memref<18880xi32, #tpu.memory_space<hbm>>) dst(%arg5 : memref<18880xi32, #tpu.memory_space<vmem>>)
      } else {
      }
      %dma_wait3A_339 = arith.constant 0 : i32
      %dma_wait3A_340 = arith.constant 0 : i32
      %dma_wait3A_341 = tpu.memref_slice %arg6[%dma_wait3A_339, %dma_wait3A_340] : memref<540x128xf32, #tpu.memory_space<vmem>> -> memref<165x128xf32, #tpu.memory_space<vmem>>
      %dma_wait3A_342 = arith.constant 0 : i32
      %dma_wait3A_343 = tpu.memref_slice %arg2[%dma_wait3A_342, %add3A_60, %mul3A_4] : memref<1024x96x256xf32, #tpu.memory_space<hbm>> -> memref<165x1x128xf32, #tpu.memory_space<hbm>>
      %dma_wait3A_344 = tpu.memref_squeeze %dma_wait3A_343 : memref<165x1x128xf32, #tpu.memory_space<hbm>> -> memref<165x128xf32, #tpu.memory_space<hbm>>
      %dma_wait3A_345 = arith.constant 0 : i32
      %dma_wait3A_346 = arith.constant 0 : i32
      %dma_wait3A_347 = tpu.memref_slice %arg6[%dma_wait3A_345, %dma_wait3A_346] : memref<540x128xf32, #tpu.memory_space<vmem>> -> memref<165x128xf32, #tpu.memory_space<vmem>>
      %dma_wait3A_348 = arith.constant 0 : i32
      %dma_wait3A_349 = tpu.memref_slice %arg2[%dma_wait3A_348, %add3A_60, %mul3A_4] : memref<1024x96x256xf32, #tpu.memory_space<hbm>> -> memref<165x1x128xf32, #tpu.memory_space<hbm>>
      %dma_wait3A_350 = tpu.memref_squeeze %dma_wait3A_349 : memref<165x1x128xf32, #tpu.memory_space<hbm>> -> memref<165x128xf32, #tpu.memory_space<hbm>>
      tpu.wait_dma2 semaphore(%arg9 : memref<!tpu.dma_semaphore, #tpu.memory_space<semaphore_mem>>) src(%dma_wait3A_350 : memref<165x128xf32, #tpu.memory_space<hbm>>) dst(%dma_wait3A_347 : memref<165x128xf32, #tpu.memory_space<vmem>>)
      %dma_wait3A_351 = arith.constant 165 : i32
      %dma_wait3A_352 = arith.constant 0 : i32
      %dma_wait3A_353 = tpu.memref_slice %arg6[%dma_wait3A_351, %dma_wait3A_352] : memref<540x128xf32, #tpu.memory_space<vmem>> -> memref<10x128xf32, #tpu.memory_space<vmem>>
      %dma_wait3A_354 = arith.constant 187 : i32
      %dma_wait3A_355 = tpu.memref_slice %arg2[%dma_wait3A_354, %add3A_60, %mul3A_4] : memref<1024x96x256xf32, #tpu.memory_space<hbm>> -> memref<10x1x128xf32, #tpu.memory_space<hbm>>
      %dma_wait3A_356 = tpu.memref_squeeze %dma_wait3A_355 : memref<10x1x128xf32, #tpu.memory_space<hbm>> -> memref<10x128xf32, #tpu.memory_space<hbm>>
      %dma_wait3A_357 = arith.constant 165 : i32
      %dma_wait3A_358 = arith.constant 0 : i32
      %dma_wait3A_359 = tpu.memref_slice %arg6[%dma_wait3A_357, %dma_wait3A_358] : memref<540x128xf32, #tpu.memory_space<vmem>> -> memref<10x128xf32, #tpu.memory_space<vmem>>
      %dma_wait3A_360 = arith.constant 187 : i32
      %dma_wait3A_361 = tpu.memref_slice %arg2[%dma_wait3A_360, %add3A_60, %mul3A_4] : memref<1024x96x256xf32, #tpu.memory_space<hbm>> -> memref<10x1x128xf32, #tpu.memory_space<hbm>>
      %dma_wait3A_362 = tpu.memref_squeeze %dma_wait3A_361 : memref<10x1x128xf32, #tpu.memory_space<hbm>> -> memref<10x128xf32, #tpu.memory_space<hbm>>
      tpu.wait_dma2 semaphore(%arg9 : memref<!tpu.dma_semaphore, #tpu.memory_space<semaphore_mem>>) src(%dma_wait3A_362 : memref<10x128xf32, #tpu.memory_space<hbm>>) dst(%dma_wait3A_359 : memref<10x128xf32, #tpu.memory_space<vmem>>)
      %dma_wait3A_363 = arith.constant 175 : i32
      %dma_wait3A_364 = arith.constant 0 : i32
      %dma_wait3A_365 = tpu.memref_slice %arg6[%dma_wait3A_363, %dma_wait3A_364] : memref<540x128xf32, #tpu.memory_space<vmem>> -> memref<10x128xf32, #tpu.memory_space<vmem>>
      %dma_wait3A_366 = arith.constant 219 : i32
      %dma_wait3A_367 = tpu.memref_slice %arg2[%dma_wait3A_366, %add3A_60, %mul3A_4] : memref<1024x96x256xf32, #tpu.memory_space<hbm>> -> memref<10x1x128xf32, #tpu.memory_space<hbm>>
      %dma_wait3A_368 = tpu.memref_squeeze %dma_wait3A_367 : memref<10x1x128xf32, #tpu.memory_space<hbm>> -> memref<10x128xf32, #tpu.memory_space<hbm>>
      %dma_wait3A_369 = arith.constant 175 : i32
      %dma_wait3A_370 = arith.constant 0 : i32
      %dma_wait3A_371 = tpu.memref_slice %arg6[%dma_wait3A_369, %dma_wait3A_370] : memref<540x128xf32, #tpu.memory_space<vmem>> -> memref<10x128xf32, #tpu.memory_space<vmem>>
      %dma_wait3A_372 = arith.constant 219 : i32
      %dma_wait3A_373 = tpu.memref_slice %arg2[%dma_wait3A_372, %add3A_60, %mul3A_4] : memref<1024x96x256xf32, #tpu.memory_space<hbm>> -> memref<10x1x128xf32, #tpu.memory_space<hbm>>
      %dma_wait3A_374 = tpu.memref_squeeze %dma_wait3A_373 : memref<10x1x128xf32, #tpu.memory_space<hbm>> -> memref<10x128xf32, #tpu.memory_space<hbm>>
      tpu.wait_dma2 semaphore(%arg9 : memref<!tpu.dma_semaphore, #tpu.memory_space<semaphore_mem>>) src(%dma_wait3A_374 : memref<10x128xf32, #tpu.memory_space<hbm>>) dst(%dma_wait3A_371 : memref<10x128xf32, #tpu.memory_space<vmem>>)
      %dma_wait3A_375 = arith.constant 185 : i32
      %dma_wait3A_376 = arith.constant 0 : i32
      %dma_wait3A_377 = tpu.memref_slice %arg6[%dma_wait3A_375, %dma_wait3A_376] : memref<540x128xf32, #tpu.memory_space<vmem>> -> memref<10x128xf32, #tpu.memory_space<vmem>>
      %dma_wait3A_378 = arith.constant 251 : i32
      %dma_wait3A_379 = tpu.memref_slice %arg2[%dma_wait3A_378, %add3A_60, %mul3A_4] : memref<1024x96x256xf32, #tpu.memory_space<hbm>> -> memref<10x1x128xf32, #tpu.memory_space<hbm>>
      %dma_wait3A_380 = tpu.memref_squeeze %dma_wait3A_379 : memref<10x1x128xf32, #tpu.memory_space<hbm>> -> memref<10x128xf32, #tpu.memory_space<hbm>>
      %dma_wait3A_381 = arith.constant 185 : i32
      %dma_wait3A_382 = arith.constant 0 : i32
      %dma_wait3A_383 = tpu.memref_slice %arg6[%dma_wait3A_381, %dma_wait3A_382] : memref<540x128xf32, #tpu.memory_space<vmem>> -> memref<10x128xf32, #tpu.memory_space<vmem>>
      %dma_wait3A_384 = arith.constant 251 : i32
      %dma_wait3A_385 = tpu.memref_slice %arg2[%dma_wait3A_384, %add3A_60, %mul3A_4] : memref<1024x96x256xf32, #tpu.memory_space<hbm>> -> memref<10x1x128xf32, #tpu.memory_space<hbm>>
      %dma_wait3A_386 = tpu.memref_squeeze %dma_wait3A_385 : memref<10x1x128xf32, #tpu.memory_space<hbm>> -> memref<10x128xf32, #tpu.memory_space<hbm>>
      tpu.wait_dma2 semaphore(%arg9 : memref<!tpu.dma_semaphore, #tpu.memory_space<semaphore_mem>>) src(%dma_wait3A_386 : memref<10x128xf32, #tpu.memory_space<hbm>>) dst(%dma_wait3A_383 : memref<10x128xf32, #tpu.memory_space<vmem>>)
      %dma_wait3A_387 = arith.constant 195 : i32
      %dma_wait3A_388 = arith.constant 0 : i32
      %dma_wait3A_389 = tpu.memref_slice %arg6[%dma_wait3A_387, %dma_wait3A_388] : memref<540x128xf32, #tpu.memory_space<vmem>> -> memref<10x128xf32, #tpu.memory_space<vmem>>
      %dma_wait3A_390 = arith.constant 283 : i32
      %dma_wait3A_391 = tpu.memref_slice %arg2[%dma_wait3A_390, %add3A_60, %mul3A_4] : memref<1024x96x256xf32, #tpu.memory_space<hbm>> -> memref<10x1x128xf32, #tpu.memory_space<hbm>>
      %dma_wait3A_392 = tpu.memref_squeeze %dma_wait3A_391 : memref<10x1x128xf32, #tpu.memory_space<hbm>> -> memref<10x128xf32, #tpu.memory_space<hbm>>
      %dma_wait3A_393 = arith.constant 195 : i32
      %dma_wait3A_394 = arith.constant 0 : i32
      %dma_wait3A_395 = tpu.memref_slice %arg6[%dma_wait3A_393, %dma_wait3A_394] : memref<540x128xf32, #tpu.memory_space<vmem>> -> memref<10x128xf32, #tpu.memory_space<vmem>>
      %dma_wait3A_396 = arith.constant 283 : i32
      %dma_wait3A_397 = tpu.memref_slice %arg2[%dma_wait3A_396, %add3A_60, %mul3A_4] : memref<1024x96x256xf32, #tpu.memory_space<hbm>> -> memref<10x1x128xf32, #tpu.memory_space<hbm>>
      %dma_wait3A_398 = tpu.memref_squeeze %dma_wait3A_397 : memref<10x1x128xf32, #tpu.memory_space<hbm>> -> memref<10x128xf32, #tpu.memory_space<hbm>>
      tpu.wait_dma2 semaphore(%arg9 : memref<!tpu.dma_semaphore, #tpu.memory_space<semaphore_mem>>) src(%dma_wait3A_398 : memref<10x128xf32, #tpu.memory_space<hbm>>) dst(%dma_wait3A_395 : memref<10x128xf32, #tpu.memory_space<vmem>>)
      %dma_wait3A_399 = arith.constant 205 : i32
      %dma_wait3A_400 = arith.constant 0 : i32
      %dma_wait3A_401 = tpu.memref_slice %arg6[%dma_wait3A_399, %dma_wait3A_400] : memref<540x128xf32, #tpu.memory_space<vmem>> -> memref<10x128xf32, #tpu.memory_space<vmem>>
      %dma_wait3A_402 = arith.constant 315 : i32
      %dma_wait3A_403 = tpu.memref_slice %arg2[%dma_wait3A_402, %add3A_60, %mul3A_4] : memref<1024x96x256xf32, #tpu.memory_space<hbm>> -> memref<10x1x128xf32, #tpu.memory_space<hbm>>
      %dma_wait3A_404 = tpu.memref_squeeze %dma_wait3A_403 : memref<10x1x128xf32, #tpu.memory_space<hbm>> -> memref<10x128xf32, #tpu.memory_space<hbm>>
      %dma_wait3A_405 = arith.constant 205 : i32
      %dma_wait3A_406 = arith.constant 0 : i32
      %dma_wait3A_407 = tpu.memref_slice %arg6[%dma_wait3A_405, %dma_wait3A_406] : memref<540x128xf32, #tpu.memory_space<vmem>> -> memref<10x128xf32, #tpu.memory_space<vmem>>
      %dma_wait3A_408 = arith.constant 315 : i32
      %dma_wait3A_409 = tpu.memref_slice %arg2[%dma_wait3A_408, %add3A_60, %mul3A_4] : memref<1024x96x256xf32, #tpu.memory_space<hbm>> -> memref<10x1x128xf32, #tpu.memory_space<hbm>>
      %dma_wait3A_410 = tpu.memref_squeeze %dma_wait3A_409 : memref<10x1x128xf32, #tpu.memory_space<hbm>> -> memref<10x128xf32, #tpu.memory_space<hbm>>
      tpu.wait_dma2 semaphore(%arg9 : memref<!tpu.dma_semaphore, #tpu.memory_space<semaphore_mem>>) src(%dma_wait3A_410 : memref<10x128xf32, #tpu.memory_space<hbm>>) dst(%dma_wait3A_407 : memref<10x128xf32, #tpu.memory_space<vmem>>)
      %dma_wait3A_411 = arith.constant 215 : i32
      %dma_wait3A_412 = arith.constant 0 : i32
      %dma_wait3A_413 = tpu.memref_slice %arg6[%dma_wait3A_411, %dma_wait3A_412] : memref<540x128xf32, #tpu.memory_space<vmem>> -> memref<10x128xf32, #tpu.memory_space<vmem>>
      %dma_wait3A_414 = arith.constant 347 : i32
      %dma_wait3A_415 = tpu.memref_slice %arg2[%dma_wait3A_414, %add3A_60, %mul3A_4] : memref<1024x96x256xf32, #tpu.memory_space<hbm>> -> memref<10x1x128xf32, #tpu.memory_space<hbm>>
      %dma_wait3A_416 = tpu.memref_squeeze %dma_wait3A_415 : memref<10x1x128xf32, #tpu.memory_space<hbm>> -> memref<10x128xf32, #tpu.memory_space<hbm>>
      %dma_wait3A_417 = arith.constant 215 : i32
      %dma_wait3A_418 = arith.constant 0 : i32
      %dma_wait3A_419 = tpu.memref_slice %arg6[%dma_wait3A_417, %dma_wait3A_418] : memref<540x128xf32, #tpu.memory_space<vmem>> -> memref<10x128xf32, #tpu.memory_space<vmem>>
      %dma_wait3A_420 = arith.constant 347 : i32
      %dma_wait3A_421 = tpu.memref_slice %arg2[%dma_wait3A_420, %add3A_60, %mul3A_4] : memref<1024x96x256xf32, #tpu.memory_space<hbm>> -> memref<10x1x128xf32, #tpu.memory_space<hbm>>
      %dma_wait3A_422 = tpu.memref_squeeze %dma_wait3A_421 : memref<10x1x128xf32, #tpu.memory_space<hbm>> -> memref<10x128xf32, #tpu.memory_space<hbm>>
      tpu.wait_dma2 semaphore(%arg9 : memref<!tpu.dma_semaphore, #tpu.memory_space<semaphore_mem>>) src(%dma_wait3A_422 : memref<10x128xf32, #tpu.memory_space<hbm>>) dst(%dma_wait3A_419 : memref<10x128xf32, #tpu.memory_space<vmem>>)
      %dma_wait3A_423 = arith.constant 225 : i32
      %dma_wait3A_424 = arith.constant 0 : i32
      %dma_wait3A_425 = tpu.memref_slice %arg6[%dma_wait3A_423, %dma_wait3A_424] : memref<540x128xf32, #tpu.memory_space<vmem>> -> memref<10x128xf32, #tpu.memory_space<vmem>>
      %dma_wait3A_426 = arith.constant 379 : i32
      %dma_wait3A_427 = tpu.memref_slice %arg2[%dma_wait3A_426, %add3A_60, %mul3A_4] : memref<1024x96x256xf32, #tpu.memory_space<hbm>> -> memref<10x1x128xf32, #tpu.memory_space<hbm>>
      %dma_wait3A_428 = tpu.memref_squeeze %dma_wait3A_427 : memref<10x1x128xf32, #tpu.memory_space<hbm>> -> memref<10x128xf32, #tpu.memory_space<hbm>>
      %dma_wait3A_429 = arith.constant 225 : i32
      %dma_wait3A_430 = arith.constant 0 : i32
      %dma_wait3A_431 = tpu.memref_slice %arg6[%dma_wait3A_429, %dma_wait3A_430] : memref<540x128xf32, #tpu.memory_space<vmem>> -> memref<10x128xf32, #tpu.memory_space<vmem>>
      %dma_wait3A_432 = arith.constant 379 : i32
      %dma_wait3A_433 = tpu.memref_slice %arg2[%dma_wait3A_432, %add3A_60, %mul3A_4] : memref<1024x96x256xf32, #tpu.memory_space<hbm>> -> memref<10x1x128xf32, #tpu.memory_space<hbm>>
      %dma_wait3A_434 = tpu.memref_squeeze %dma_wait3A_433 : memref<10x1x128xf32, #tpu.memory_space<hbm>> -> memref<10x128xf32, #tpu.memory_space<hbm>>
      tpu.wait_dma2 semaphore(%arg9 : memref<!tpu.dma_semaphore, #tpu.memory_space<semaphore_mem>>) src(%dma_wait3A_434 : memref<10x128xf32, #tpu.memory_space<hbm>>) dst(%dma_wait3A_431 : memref<10x128xf32, #tpu.memory_space<vmem>>)
      %dma_wait3A_435 = arith.constant 235 : i32
      %dma_wait3A_436 = arith.constant 0 : i32
      %dma_wait3A_437 = tpu.memref_slice %arg6[%dma_wait3A_435, %dma_wait3A_436] : memref<540x128xf32, #tpu.memory_space<vmem>> -> memref<10x128xf32, #tpu.memory_space<vmem>>
      %dma_wait3A_438 = arith.constant 411 : i32
      %dma_wait3A_439 = tpu.memref_slice %arg2[%dma_wait3A_438, %add3A_60, %mul3A_4] : memref<1024x96x256xf32, #tpu.memory_space<hbm>> -> memref<10x1x128xf32, #tpu.memory_space<hbm>>
      %dma_wait3A_440 = tpu.memref_squeeze %dma_wait3A_439 : memref<10x1x128xf32, #tpu.memory_space<hbm>> -> memref<10x128xf32, #tpu.memory_space<hbm>>
      %dma_wait3A_441 = arith.constant 235 : i32
      %dma_wait3A_442 = arith.constant 0 : i32
      %dma_wait3A_443 = tpu.memref_slice %arg6[%dma_wait3A_441, %dma_wait3A_442] : memref<540x128xf32, #tpu.memory_space<vmem>> -> memref<10x128xf32, #tpu.memory_space<vmem>>
      %dma_wait3A_444 = arith.constant 411 : i32
      %dma_wait3A_445 = tpu.memref_slice %arg2[%dma_wait3A_444, %add3A_60, %mul3A_4] : memref<1024x96x256xf32, #tpu.memory_space<hbm>> -> memref<10x1x128xf32, #tpu.memory_space<hbm>>
      %dma_wait3A_446 = tpu.memref_squeeze %dma_wait3A_445 : memref<10x1x128xf32, #tpu.memory_space<hbm>> -> memref<10x128xf32, #tpu.memory_space<hbm>>
      tpu.wait_dma2 semaphore(%arg9 : memref<!tpu.dma_semaphore, #tpu.memory_space<semaphore_mem>>) src(%dma_wait3A_446 : memref<10x128xf32, #tpu.memory_space<hbm>>) dst(%dma_wait3A_443 : memref<10x128xf32, #tpu.memory_space<vmem>>)
      %dma_wait3A_447 = arith.constant 245 : i32
      %dma_wait3A_448 = arith.constant 0 : i32
      %dma_wait3A_449 = tpu.memref_slice %arg6[%dma_wait3A_447, %dma_wait3A_448] : memref<540x128xf32, #tpu.memory_space<vmem>> -> memref<10x128xf32, #tpu.memory_space<vmem>>
      %dma_wait3A_450 = arith.constant 443 : i32
      %dma_wait3A_451 = tpu.memref_slice %arg2[%dma_wait3A_450, %add3A_60, %mul3A_4] : memref<1024x96x256xf32, #tpu.memory_space<hbm>> -> memref<10x1x128xf32, #tpu.memory_space<hbm>>
      %dma_wait3A_452 = tpu.memref_squeeze %dma_wait3A_451 : memref<10x1x128xf32, #tpu.memory_space<hbm>> -> memref<10x128xf32, #tpu.memory_space<hbm>>
      %dma_wait3A_453 = arith.constant 245 : i32
      %dma_wait3A_454 = arith.constant 0 : i32
      %dma_wait3A_455 = tpu.memref_slice %arg6[%dma_wait3A_453, %dma_wait3A_454] : memref<540x128xf32, #tpu.memory_space<vmem>> -> memref<10x128xf32, #tpu.memory_space<vmem>>
      %dma_wait3A_456 = arith.constant 443 : i32
      %dma_wait3A_457 = tpu.memref_slice %arg2[%dma_wait3A_456, %add3A_60, %mul3A_4] : memref<1024x96x256xf32, #tpu.memory_space<hbm>> -> memref<10x1x128xf32, #tpu.memory_space<hbm>>
      %dma_wait3A_458 = tpu.memref_squeeze %dma_wait3A_457 : memref<10x1x128xf32, #tpu.memory_space<hbm>> -> memref<10x128xf32, #tpu.memory_space<hbm>>
      tpu.wait_dma2 semaphore(%arg9 : memref<!tpu.dma_semaphore, #tpu.memory_space<semaphore_mem>>) src(%dma_wait3A_458 : memref<10x128xf32, #tpu.memory_space<hbm>>) dst(%dma_wait3A_455 : memref<10x128xf32, #tpu.memory_space<vmem>>)
      %dma_wait3A_459 = arith.constant 255 : i32
      %dma_wait3A_460 = arith.constant 0 : i32
      %dma_wait3A_461 = tpu.memref_slice %arg6[%dma_wait3A_459, %dma_wait3A_460] : memref<540x128xf32, #tpu.memory_space<vmem>> -> memref<10x128xf32, #tpu.memory_space<vmem>>
      %dma_wait3A_462 = arith.constant 475 : i32
      %dma_wait3A_463 = tpu.memref_slice %arg2[%dma_wait3A_462, %add3A_60, %mul3A_4] : memref<1024x96x256xf32, #tpu.memory_space<hbm>> -> memref<10x1x128xf32, #tpu.memory_space<hbm>>
      %dma_wait3A_464 = tpu.memref_squeeze %dma_wait3A_463 : memref<10x1x128xf32, #tpu.memory_space<hbm>> -> memref<10x128xf32, #tpu.memory_space<hbm>>
      %dma_wait3A_465 = arith.constant 255 : i32
      %dma_wait3A_466 = arith.constant 0 : i32
      %dma_wait3A_467 = tpu.memref_slice %arg6[%dma_wait3A_465, %dma_wait3A_466] : memref<540x128xf32, #tpu.memory_space<vmem>> -> memref<10x128xf32, #tpu.memory_space<vmem>>
      %dma_wait3A_468 = arith.constant 475 : i32
      %dma_wait3A_469 = tpu.memref_slice %arg2[%dma_wait3A_468, %add3A_60, %mul3A_4] : memref<1024x96x256xf32, #tpu.memory_space<hbm>> -> memref<10x1x128xf32, #tpu.memory_space<hbm>>
      %dma_wait3A_470 = tpu.memref_squeeze %dma_wait3A_469 : memref<10x1x128xf32, #tpu.memory_space<hbm>> -> memref<10x128xf32, #tpu.memory_space<hbm>>
      tpu.wait_dma2 semaphore(%arg9 : memref<!tpu.dma_semaphore, #tpu.memory_space<semaphore_mem>>) src(%dma_wait3A_470 : memref<10x128xf32, #tpu.memory_space<hbm>>) dst(%dma_wait3A_467 : memref<10x128xf32, #tpu.memory_space<vmem>>)
      %dma_wait3A_471 = arith.constant 265 : i32
      %dma_wait3A_472 = arith.constant 0 : i32
      %dma_wait3A_473 = tpu.memref_slice %arg6[%dma_wait3A_471, %dma_wait3A_472] : memref<540x128xf32, #tpu.memory_space<vmem>> -> memref<10x128xf32, #tpu.memory_space<vmem>>
      %dma_wait3A_474 = arith.constant 507 : i32
      %dma_wait3A_475 = tpu.memref_slice %arg2[%dma_wait3A_474, %add3A_60, %mul3A_4] : memref<1024x96x256xf32, #tpu.memory_space<hbm>> -> memref<10x1x128xf32, #tpu.memory_space<hbm>>
      %dma_wait3A_476 = tpu.memref_squeeze %dma_wait3A_475 : memref<10x1x128xf32, #tpu.memory_space<hbm>> -> memref<10x128xf32, #tpu.memory_space<hbm>>
      %dma_wait3A_477 = arith.constant 265 : i32
      %dma_wait3A_478 = arith.constant 0 : i32
      %dma_wait3A_479 = tpu.memref_slice %arg6[%dma_wait3A_477, %dma_wait3A_478] : memref<540x128xf32, #tpu.memory_space<vmem>> -> memref<10x128xf32, #tpu.memory_space<vmem>>
      %dma_wait3A_480 = arith.constant 507 : i32
      %dma_wait3A_481 = tpu.memref_slice %arg2[%dma_wait3A_480, %add3A_60, %mul3A_4] : memref<1024x96x256xf32, #tpu.memory_space<hbm>> -> memref<10x1x128xf32, #tpu.memory_space<hbm>>
      %dma_wait3A_482 = tpu.memref_squeeze %dma_wait3A_481 : memref<10x1x128xf32, #tpu.memory_space<hbm>> -> memref<10x128xf32, #tpu.memory_space<hbm>>
      tpu.wait_dma2 semaphore(%arg9 : memref<!tpu.dma_semaphore, #tpu.memory_space<semaphore_mem>>) src(%dma_wait3A_482 : memref<10x128xf32, #tpu.memory_space<hbm>>) dst(%dma_wait3A_479 : memref<10x128xf32, #tpu.memory_space<vmem>>)
      %dma_wait3A_483 = arith.constant 275 : i32
      %dma_wait3A_484 = arith.constant 0 : i32
      %dma_wait3A_485 = tpu.memref_slice %arg6[%dma_wait3A_483, %dma_wait3A_484] : memref<540x128xf32, #tpu.memory_space<vmem>> -> memref<10x128xf32, #tpu.memory_space<vmem>>
      %dma_wait3A_486 = arith.constant 539 : i32
      %dma_wait3A_487 = tpu.memref_slice %arg2[%dma_wait3A_486, %add3A_60, %mul3A_4] : memref<1024x96x256xf32, #tpu.memory_space<hbm>> -> memref<10x1x128xf32, #tpu.memory_space<hbm>>
      %dma_wait3A_488 = tpu.memref_squeeze %dma_wait3A_487 : memref<10x1x128xf32, #tpu.memory_space<hbm>> -> memref<10x128xf32, #tpu.memory_space<hbm>>
      %dma_wait3A_489 = arith.constant 275 : i32
      %dma_wait3A_490 = arith.constant 0 : i32
      %dma_wait3A_491 = tpu.memref_slice %arg6[%dma_wait3A_489, %dma_wait3A_490] : memref<540x128xf32, #tpu.memory_space<vmem>> -> memref<10x128xf32, #tpu.memory_space<vmem>>
      %dma_wait3A_492 = arith.constant 539 : i32
      %dma_wait3A_493 = tpu.memref_slice %arg2[%dma_wait3A_492, %add3A_60, %mul3A_4] : memref<1024x96x256xf32, #tpu.memory_space<hbm>> -> memref<10x1x128xf32, #tpu.memory_space<hbm>>
      %dma_wait3A_494 = tpu.memref_squeeze %dma_wait3A_493 : memref<10x1x128xf32, #tpu.memory_space<hbm>> -> memref<10x128xf32, #tpu.memory_space<hbm>>
      tpu.wait_dma2 semaphore(%arg9 : memref<!tpu.dma_semaphore, #tpu.memory_space<semaphore_mem>>) src(%dma_wait3A_494 : memref<10x128xf32, #tpu.memory_space<hbm>>) dst(%dma_wait3A_491 : memref<10x128xf32, #tpu.memory_space<vmem>>)
      %dma_wait3A_495 = arith.constant 285 : i32
      %dma_wait3A_496 = arith.constant 0 : i32
      %dma_wait3A_497 = tpu.memref_slice %arg6[%dma_wait3A_495, %dma_wait3A_496] : memref<540x128xf32, #tpu.memory_space<vmem>> -> memref<10x128xf32, #tpu.memory_space<vmem>>
      %dma_wait3A_498 = arith.constant 571 : i32
      %dma_wait3A_499 = tpu.memref_slice %arg2[%dma_wait3A_498, %add3A_60, %mul3A_4] : memref<1024x96x256xf32, #tpu.memory_space<hbm>> -> memref<10x1x128xf32, #tpu.memory_space<hbm>>
      %dma_wait3A_500 = tpu.memref_squeeze %dma_wait3A_499 : memref<10x1x128xf32, #tpu.memory_space<hbm>> -> memref<10x128xf32, #tpu.memory_space<hbm>>
      %dma_wait3A_501 = arith.constant 285 : i32
      %dma_wait3A_502 = arith.constant 0 : i32
      %dma_wait3A_503 = tpu.memref_slice %arg6[%dma_wait3A_501, %dma_wait3A_502] : memref<540x128xf32, #tpu.memory_space<vmem>> -> memref<10x128xf32, #tpu.memory_space<vmem>>
      %dma_wait3A_504 = arith.constant 571 : i32
      %dma_wait3A_505 = tpu.memref_slice %arg2[%dma_wait3A_504, %add3A_60, %mul3A_4] : memref<1024x96x256xf32, #tpu.memory_space<hbm>> -> memref<10x1x128xf32, #tpu.memory_space<hbm>>
      %dma_wait3A_506 = tpu.memref_squeeze %dma_wait3A_505 : memref<10x1x128xf32, #tpu.memory_space<hbm>> -> memref<10x128xf32, #tpu.memory_space<hbm>>
      tpu.wait_dma2 semaphore(%arg9 : memref<!tpu.dma_semaphore, #tpu.memory_space<semaphore_mem>>) src(%dma_wait3A_506 : memref<10x128xf32, #tpu.memory_space<hbm>>) dst(%dma_wait3A_503 : memref<10x128xf32, #tpu.memory_space<vmem>>)
      %dma_wait3A_507 = arith.constant 295 : i32
      %dma_wait3A_508 = arith.constant 0 : i32
      %dma_wait3A_509 = tpu.memref_slice %arg6[%dma_wait3A_507, %dma_wait3A_508] : memref<540x128xf32, #tpu.memory_space<vmem>> -> memref<10x128xf32, #tpu.memory_space<vmem>>
      %dma_wait3A_510 = arith.constant 603 : i32
      %dma_wait3A_511 = tpu.memref_slice %arg2[%dma_wait3A_510, %add3A_60, %mul3A_4] : memref<1024x96x256xf32, #tpu.memory_space<hbm>> -> memref<10x1x128xf32, #tpu.memory_space<hbm>>
      %dma_wait3A_512 = tpu.memref_squeeze %dma_wait3A_511 : memref<10x1x128xf32, #tpu.memory_space<hbm>> -> memref<10x128xf32, #tpu.memory_space<hbm>>
      %dma_wait3A_513 = arith.constant 295 : i32
      %dma_wait3A_514 = arith.constant 0 : i32
      %dma_wait3A_515 = tpu.memref_slice %arg6[%dma_wait3A_513, %dma_wait3A_514] : memref<540x128xf32, #tpu.memory_space<vmem>> -> memref<10x128xf32, #tpu.memory_space<vmem>>
      %dma_wait3A_516 = arith.constant 603 : i32
      %dma_wait3A_517 = tpu.memref_slice %arg2[%dma_wait3A_516, %add3A_60, %mul3A_4] : memref<1024x96x256xf32, #tpu.memory_space<hbm>> -> memref<10x1x128xf32, #tpu.memory_space<hbm>>
      %dma_wait3A_518 = tpu.memref_squeeze %dma_wait3A_517 : memref<10x1x128xf32, #tpu.memory_space<hbm>> -> memref<10x128xf32, #tpu.memory_space<hbm>>
      tpu.wait_dma2 semaphore(%arg9 : memref<!tpu.dma_semaphore, #tpu.memory_space<semaphore_mem>>) src(%dma_wait3A_518 : memref<10x128xf32, #tpu.memory_space<hbm>>) dst(%dma_wait3A_515 : memref<10x128xf32, #tpu.memory_space<vmem>>)
      %dma_wait3A_519 = arith.constant 305 : i32
      %dma_wait3A_520 = arith.constant 0 : i32
      %dma_wait3A_521 = tpu.memref_slice %arg6[%dma_wait3A_519, %dma_wait3A_520] : memref<540x128xf32, #tpu.memory_space<vmem>> -> memref<10x128xf32, #tpu.memory_space<vmem>>
      %dma_wait3A_522 = arith.constant 635 : i32
      %dma_wait3A_523 = tpu.memref_slice %arg2[%dma_wait3A_522, %add3A_60, %mul3A_4] : memref<1024x96x256xf32, #tpu.memory_space<hbm>> -> memref<10x1x128xf32, #tpu.memory_space<hbm>>
      %dma_wait3A_524 = tpu.memref_squeeze %dma_wait3A_523 : memref<10x1x128xf32, #tpu.memory_space<hbm>> -> memref<10x128xf32, #tpu.memory_space<hbm>>
      %dma_wait3A_525 = arith.constant 305 : i32
      %dma_wait3A_526 = arith.constant 0 : i32
      %dma_wait3A_527 = tpu.memref_slice %arg6[%dma_wait3A_525, %dma_wait3A_526] : memref<540x128xf32, #tpu.memory_space<vmem>> -> memref<10x128xf32, #tpu.memory_space<vmem>>
      %dma_wait3A_528 = arith.constant 635 : i32
      %dma_wait3A_529 = tpu.memref_slice %arg2[%dma_wait3A_528, %add3A_60, %mul3A_4] : memref<1024x96x256xf32, #tpu.memory_space<hbm>> -> memref<10x1x128xf32, #tpu.memory_space<hbm>>
      %dma_wait3A_530 = tpu.memref_squeeze %dma_wait3A_529 : memref<10x1x128xf32, #tpu.memory_space<hbm>> -> memref<10x128xf32, #tpu.memory_space<hbm>>
      tpu.wait_dma2 semaphore(%arg9 : memref<!tpu.dma_semaphore, #tpu.memory_space<semaphore_mem>>) src(%dma_wait3A_530 : memref<10x128xf32, #tpu.memory_space<hbm>>) dst(%dma_wait3A_527 : memref<10x128xf32, #tpu.memory_space<vmem>>)
      %dma_wait3A_531 = arith.constant 315 : i32
      %dma_wait3A_532 = arith.constant 0 : i32
      %dma_wait3A_533 = tpu.memref_slice %arg6[%dma_wait3A_531, %dma_wait3A_532] : memref<540x128xf32, #tpu.memory_space<vmem>> -> memref<10x128xf32, #tpu.memory_space<vmem>>
      %dma_wait3A_534 = arith.constant 667 : i32
      %dma_wait3A_535 = tpu.memref_slice %arg2[%dma_wait3A_534, %add3A_60, %mul3A_4] : memref<1024x96x256xf32, #tpu.memory_space<hbm>> -> memref<10x1x128xf32, #tpu.memory_space<hbm>>
      %dma_wait3A_536 = tpu.memref_squeeze %dma_wait3A_535 : memref<10x1x128xf32, #tpu.memory_space<hbm>> -> memref<10x128xf32, #tpu.memory_space<hbm>>
      %dma_wait3A_537 = arith.constant 315 : i32
      %dma_wait3A_538 = arith.constant 0 : i32
      %dma_wait3A_539 = tpu.memref_slice %arg6[%dma_wait3A_537, %dma_wait3A_538] : memref<540x128xf32, #tpu.memory_space<vmem>> -> memref<10x128xf32, #tpu.memory_space<vmem>>
      %dma_wait3A_540 = arith.constant 667 : i32
      %dma_wait3A_541 = tpu.memref_slice %arg2[%dma_wait3A_540, %add3A_60, %mul3A_4] : memref<1024x96x256xf32, #tpu.memory_space<hbm>> -> memref<10x1x128xf32, #tpu.memory_space<hbm>>
      %dma_wait3A_542 = tpu.memref_squeeze %dma_wait3A_541 : memref<10x1x128xf32, #tpu.memory_space<hbm>> -> memref<10x128xf32, #tpu.memory_space<hbm>>
      tpu.wait_dma2 semaphore(%arg9 : memref<!tpu.dma_semaphore, #tpu.memory_space<semaphore_mem>>) src(%dma_wait3A_542 : memref<10x128xf32, #tpu.memory_space<hbm>>) dst(%dma_wait3A_539 : memref<10x128xf32, #tpu.memory_space<vmem>>)
      %dma_wait3A_543 = arith.constant 325 : i32
      %dma_wait3A_544 = arith.constant 0 : i32
      %dma_wait3A_545 = tpu.memref_slice %arg6[%dma_wait3A_543, %dma_wait3A_544] : memref<540x128xf32, #tpu.memory_space<vmem>> -> memref<10x128xf32, #tpu.memory_space<vmem>>
      %dma_wait3A_546 = arith.constant 699 : i32
      %dma_wait3A_547 = tpu.memref_slice %arg2[%dma_wait3A_546, %add3A_60, %mul3A_4] : memref<1024x96x256xf32, #tpu.memory_space<hbm>> -> memref<10x1x128xf32, #tpu.memory_space<hbm>>
      %dma_wait3A_548 = tpu.memref_squeeze %dma_wait3A_547 : memref<10x1x128xf32, #tpu.memory_space<hbm>> -> memref<10x128xf32, #tpu.memory_space<hbm>>
      %dma_wait3A_549 = arith.constant 325 : i32
      %dma_wait3A_550 = arith.constant 0 : i32
      %dma_wait3A_551 = tpu.memref_slice %arg6[%dma_wait3A_549, %dma_wait3A_550] : memref<540x128xf32, #tpu.memory_space<vmem>> -> memref<10x128xf32, #tpu.memory_space<vmem>>
      %dma_wait3A_552 = arith.constant 699 : i32
      %dma_wait3A_553 = tpu.memref_slice %arg2[%dma_wait3A_552, %add3A_60, %mul3A_4] : memref<1024x96x256xf32, #tpu.memory_space<hbm>> -> memref<10x1x128xf32, #tpu.memory_space<hbm>>
      %dma_wait3A_554 = tpu.memref_squeeze %dma_wait3A_553 : memref<10x1x128xf32, #tpu.memory_space<hbm>> -> memref<10x128xf32, #tpu.memory_space<hbm>>
      tpu.wait_dma2 semaphore(%arg9 : memref<!tpu.dma_semaphore, #tpu.memory_space<semaphore_mem>>) src(%dma_wait3A_554 : memref<10x128xf32, #tpu.memory_space<hbm>>) dst(%dma_wait3A_551 : memref<10x128xf32, #tpu.memory_space<vmem>>)
      %dma_wait3A_555 = arith.constant 335 : i32
      %dma_wait3A_556 = arith.constant 0 : i32
      %dma_wait3A_557 = tpu.memref_slice %arg6[%dma_wait3A_555, %dma_wait3A_556] : memref<540x128xf32, #tpu.memory_space<vmem>> -> memref<10x128xf32, #tpu.memory_space<vmem>>
      %dma_wait3A_558 = arith.constant 731 : i32
      %dma_wait3A_559 = tpu.memref_slice %arg2[%dma_wait3A_558, %add3A_60, %mul3A_4] : memref<1024x96x256xf32, #tpu.memory_space<hbm>> -> memref<10x1x128xf32, #tpu.memory_space<hbm>>
      %dma_wait3A_560 = tpu.memref_squeeze %dma_wait3A_559 : memref<10x1x128xf32, #tpu.memory_space<hbm>> -> memref<10x128xf32, #tpu.memory_space<hbm>>
      %dma_wait3A_561 = arith.constant 335 : i32
      %dma_wait3A_562 = arith.constant 0 : i32
      %dma_wait3A_563 = tpu.memref_slice %arg6[%dma_wait3A_561, %dma_wait3A_562] : memref<540x128xf32, #tpu.memory_space<vmem>> -> memref<10x128xf32, #tpu.memory_space<vmem>>
      %dma_wait3A_564 = arith.constant 731 : i32
      %dma_wait3A_565 = tpu.memref_slice %arg2[%dma_wait3A_564, %add3A_60, %mul3A_4] : memref<1024x96x256xf32, #tpu.memory_space<hbm>> -> memref<10x1x128xf32, #tpu.memory_space<hbm>>
      %dma_wait3A_566 = tpu.memref_squeeze %dma_wait3A_565 : memref<10x1x128xf32, #tpu.memory_space<hbm>> -> memref<10x128xf32, #tpu.memory_space<hbm>>
      tpu.wait_dma2 semaphore(%arg9 : memref<!tpu.dma_semaphore, #tpu.memory_space<semaphore_mem>>) src(%dma_wait3A_566 : memref<10x128xf32, #tpu.memory_space<hbm>>) dst(%dma_wait3A_563 : memref<10x128xf32, #tpu.memory_space<vmem>>)
      %dma_wait3A_567 = arith.constant 345 : i32
      %dma_wait3A_568 = arith.constant 0 : i32
      %dma_wait3A_569 = tpu.memref_slice %arg6[%dma_wait3A_567, %dma_wait3A_568] : memref<540x128xf32, #tpu.memory_space<vmem>> -> memref<10x128xf32, #tpu.memory_space<vmem>>
      %dma_wait3A_570 = arith.constant 763 : i32
      %dma_wait3A_571 = tpu.memref_slice %arg2[%dma_wait3A_570, %add3A_60, %mul3A_4] : memref<1024x96x256xf32, #tpu.memory_space<hbm>> -> memref<10x1x128xf32, #tpu.memory_space<hbm>>
      %dma_wait3A_572 = tpu.memref_squeeze %dma_wait3A_571 : memref<10x1x128xf32, #tpu.memory_space<hbm>> -> memref<10x128xf32, #tpu.memory_space<hbm>>
      %dma_wait3A_573 = arith.constant 345 : i32
      %dma_wait3A_574 = arith.constant 0 : i32
      %dma_wait3A_575 = tpu.memref_slice %arg6[%dma_wait3A_573, %dma_wait3A_574] : memref<540x128xf32, #tpu.memory_space<vmem>> -> memref<10x128xf32, #tpu.memory_space<vmem>>
      %dma_wait3A_576 = arith.constant 763 : i32
      %dma_wait3A_577 = tpu.memref_slice %arg2[%dma_wait3A_576, %add3A_60, %mul3A_4] : memref<1024x96x256xf32, #tpu.memory_space<hbm>> -> memref<10x1x128xf32, #tpu.memory_space<hbm>>
      %dma_wait3A_578 = tpu.memref_squeeze %dma_wait3A_577 : memref<10x1x128xf32, #tpu.memory_space<hbm>> -> memref<10x128xf32, #tpu.memory_space<hbm>>
      tpu.wait_dma2 semaphore(%arg9 : memref<!tpu.dma_semaphore, #tpu.memory_space<semaphore_mem>>) src(%dma_wait3A_578 : memref<10x128xf32, #tpu.memory_space<hbm>>) dst(%dma_wait3A_575 : memref<10x128xf32, #tpu.memory_space<vmem>>)
      %dma_wait3A_579 = arith.constant 355 : i32
      %dma_wait3A_580 = arith.constant 0 : i32
      %dma_wait3A_581 = tpu.memref_slice %arg6[%dma_wait3A_579, %dma_wait3A_580] : memref<540x128xf32, #tpu.memory_space<vmem>> -> memref<10x128xf32, #tpu.memory_space<vmem>>
      %dma_wait3A_582 = arith.constant 795 : i32
      %dma_wait3A_583 = tpu.memref_slice %arg2[%dma_wait3A_582, %add3A_60, %mul3A_4] : memref<1024x96x256xf32, #tpu.memory_space<hbm>> -> memref<10x1x128xf32, #tpu.memory_space<hbm>>
      %dma_wait3A_584 = tpu.memref_squeeze %dma_wait3A_583 : memref<10x1x128xf32, #tpu.memory_space<hbm>> -> memref<10x128xf32, #tpu.memory_space<hbm>>
      %dma_wait3A_585 = arith.constant 355 : i32
      %dma_wait3A_586 = arith.constant 0 : i32
      %dma_wait3A_587 = tpu.memref_slice %arg6[%dma_wait3A_585, %dma_wait3A_586] : memref<540x128xf32, #tpu.memory_space<vmem>> -> memref<10x128xf32, #tpu.memory_space<vmem>>
      %dma_wait3A_588 = arith.constant 795 : i32
      %dma_wait3A_589 = tpu.memref_slice %arg2[%dma_wait3A_588, %add3A_60, %mul3A_4] : memref<1024x96x256xf32, #tpu.memory_space<hbm>> -> memref<10x1x128xf32, #tpu.memory_space<hbm>>
      %dma_wait3A_590 = tpu.memref_squeeze %dma_wait3A_589 : memref<10x1x128xf32, #tpu.memory_space<hbm>> -> memref<10x128xf32, #tpu.memory_space<hbm>>
      tpu.wait_dma2 semaphore(%arg9 : memref<!tpu.dma_semaphore, #tpu.memory_space<semaphore_mem>>) src(%dma_wait3A_590 : memref<10x128xf32, #tpu.memory_space<hbm>>) dst(%dma_wait3A_587 : memref<10x128xf32, #tpu.memory_space<vmem>>)
      %dma_wait3A_591 = arith.constant 365 : i32
      %dma_wait3A_592 = arith.constant 0 : i32
      %dma_wait3A_593 = tpu.memref_slice %arg6[%dma_wait3A_591, %dma_wait3A_592] : memref<540x128xf32, #tpu.memory_space<vmem>> -> memref<10x128xf32, #tpu.memory_space<vmem>>
      %dma_wait3A_594 = arith.constant 827 : i32
      %dma_wait3A_595 = tpu.memref_slice %arg2[%dma_wait3A_594, %add3A_60, %mul3A_4] : memref<1024x96x256xf32, #tpu.memory_space<hbm>> -> memref<10x1x128xf32, #tpu.memory_space<hbm>>
      %dma_wait3A_596 = tpu.memref_squeeze %dma_wait3A_595 : memref<10x1x128xf32, #tpu.memory_space<hbm>> -> memref<10x128xf32, #tpu.memory_space<hbm>>
      %dma_wait3A_597 = arith.constant 365 : i32
      %dma_wait3A_598 = arith.constant 0 : i32
      %dma_wait3A_599 = tpu.memref_slice %arg6[%dma_wait3A_597, %dma_wait3A_598] : memref<540x128xf32, #tpu.memory_space<vmem>> -> memref<10x128xf32, #tpu.memory_space<vmem>>
      %dma_wait3A_600 = arith.constant 827 : i32
      %dma_wait3A_601 = tpu.memref_slice %arg2[%dma_wait3A_600, %add3A_60, %mul3A_4] : memref<1024x96x256xf32, #tpu.memory_space<hbm>> -> memref<10x1x128xf32, #tpu.memory_space<hbm>>
      %dma_wait3A_602 = tpu.memref_squeeze %dma_wait3A_601 : memref<10x1x128xf32, #tpu.memory_space<hbm>> -> memref<10x128xf32, #tpu.memory_space<hbm>>
      tpu.wait_dma2 semaphore(%arg9 : memref<!tpu.dma_semaphore, #tpu.memory_space<semaphore_mem>>) src(%dma_wait3A_602 : memref<10x128xf32, #tpu.memory_space<hbm>>) dst(%dma_wait3A_599 : memref<10x128xf32, #tpu.memory_space<vmem>>)
      %dma_wait3A_603 = arith.constant 375 : i32
      %dma_wait3A_604 = arith.constant 0 : i32
      %dma_wait3A_605 = tpu.memref_slice %arg6[%dma_wait3A_603, %dma_wait3A_604] : memref<540x128xf32, #tpu.memory_space<vmem>> -> memref<165x128xf32, #tpu.memory_space<vmem>>
      %dma_wait3A_606 = arith.constant 859 : i32
      %dma_wait3A_607 = tpu.memref_slice %arg2[%dma_wait3A_606, %add3A_60, %mul3A_4] : memref<1024x96x256xf32, #tpu.memory_space<hbm>> -> memref<165x1x128xf32, #tpu.memory_space<hbm>>
      %dma_wait3A_608 = tpu.memref_squeeze %dma_wait3A_607 : memref<165x1x128xf32, #tpu.memory_space<hbm>> -> memref<165x128xf32, #tpu.memory_space<hbm>>
      %dma_wait3A_609 = arith.constant 375 : i32
      %dma_wait3A_610 = arith.constant 0 : i32
      %dma_wait3A_611 = tpu.memref_slice %arg6[%dma_wait3A_609, %dma_wait3A_610] : memref<540x128xf32, #tpu.memory_space<vmem>> -> memref<165x128xf32, #tpu.memory_space<vmem>>
      %dma_wait3A_612 = arith.constant 859 : i32
      %dma_wait3A_613 = tpu.memref_slice %arg2[%dma_wait3A_612, %add3A_60, %mul3A_4] : memref<1024x96x256xf32, #tpu.memory_space<hbm>> -> memref<165x1x128xf32, #tpu.memory_space<hbm>>
      %dma_wait3A_614 = tpu.memref_squeeze %dma_wait3A_613 : memref<165x1x128xf32, #tpu.memory_space<hbm>> -> memref<165x128xf32, #tpu.memory_space<hbm>>
      tpu.wait_dma2 semaphore(%arg9 : memref<!tpu.dma_semaphore, #tpu.memory_space<semaphore_mem>>) src(%dma_wait3A_614 : memref<165x128xf32, #tpu.memory_space<hbm>>) dst(%dma_wait3A_611 : memref<165x128xf32, #tpu.memory_space<vmem>>)
      %ge3A = arith.constant 1 : i32
      %ge3A_615 = arith.cmpi sge, %scan3A_57, %ge3A : i32
      %convert_element_type3A_616 = arith.extui %ge3A_615 : i1 to i32
      %cond3A_617 = arith.constant 0 : i32
      %cond3A_618 = arith.cmpi ne, %convert_element_type3A_616, %cond3A_617 : i32
      scf.if %cond3A_618 {
        %dma_wait3A_686 = arith.constant 0 : i32
        %dma_wait3A_687 = tpu.memref_slice %arg4[%dma_wait3A_686, %add3A_60, %mul3A_4] : memref<295x96x256xf32, #tpu.memory_space<hbm>> -> memref<59x1x128xf32, #tpu.memory_space<hbm>>
        %dma_wait3A_688 = tpu.memref_squeeze %dma_wait3A_687 : memref<59x1x128xf32, #tpu.memory_space<hbm>> -> memref<59x128xf32, #tpu.memory_space<hbm>>
        %dma_wait3A_689 = arith.constant 0 : i32
        %dma_wait3A_690 = tpu.memref_slice %arg4[%dma_wait3A_689, %add3A_60, %mul3A_4] : memref<295x96x256xf32, #tpu.memory_space<hbm>> -> memref<59x1x128xf32, #tpu.memory_space<hbm>>
        %dma_wait3A_691 = tpu.memref_squeeze %dma_wait3A_690 : memref<59x1x128xf32, #tpu.memory_space<hbm>> -> memref<59x128xf32, #tpu.memory_space<hbm>>
        tpu.wait_dma2 semaphore(%arg10 : memref<!tpu.dma_semaphore, #tpu.memory_space<semaphore_mem>>) src(%arg7 : memref<59x128xf32, #tpu.memory_space<vmem>>) dst(%dma_wait3A_691 : memref<59x128xf32, #tpu.memory_space<hbm>>)
      } else {
      }
      %parallel_loop3A = arith.constant 0 : i32
      %parallel_loop3A_619 = arith.constant 59 : i32
      %parallel_loop3A_620 = arith.constant 1 : i32
      scf.for %parallel_loop3A_686 = %parallel_loop3A to %parallel_loop3A_619 step %parallel_loop3A_620  : i32 {
        %parallel_loop3A_687 = arith.constant 0 : i32
        %parallel_loop3A_688 = arith.addi %parallel_loop3A_687, %parallel_loop3A_686 : i32
        %parallel_loop3A_689 = arith.constant 64 : i32
        %parallel_loop3A_690 = arith.muli %parallel_loop3A_688, %parallel_loop3A_689 : i32
        %parallel_loop3A_691 = arith.constant 0 : i32
        %parallel_loop3A_692 = arith.addi %parallel_loop3A_690, %parallel_loop3A_691 : i32
        %parallel_loop3A_693 = arith.index_cast %parallel_loop3A_692 : i32 to index
        %parallel_loop3A_694 = tpu.vector_load %arg5[%parallel_loop3A_693] {strides = array<i32>} : memref<18880xi32, #tpu.memory_space<vmem>>, vector<16xi32>,
        %parallel_loop3A_695 = vector.bitcast %parallel_loop3A_694 : vector<16xi32> to vector<32xi16>
        %parallel_loop3A_696 = tpu.unpack_subelements %parallel_loop3A_695, 0 {pack_format = #tpu.pack_format<interleaved>} : vector<32xi16> -> vector<16xi32>
        %parallel_loop3A_697 = tpu.unpack_subelements %parallel_loop3A_695, 1 {pack_format = #tpu.pack_format<interleaved>} : vector<32xi16> -> vector<16xi32>
        %parallel_loop3A_698 = tpu.vector_load_idx %arg6[%parallel_loop3A_696, %add3A_12] : memref<540x128xf32, #tpu.memory_space<vmem>>[vector<16xi32>, vector<16xi32>], vector<16xf32>,
        %parallel_loop3A_699 = tpu.vector_load_idx %arg6[%parallel_loop3A_697, %add3A_16] : memref<540x128xf32, #tpu.memory_space<vmem>>[vector<16xi32>, vector<16xi32>], vector<16xf32>,
        %parallel_loop3A_700 = arith.index_cast %parallel_loop3A_686 : i32 to index
        %parallel_loop3A_701 = arith.constant 0 : index
        %parallel_loop3A_702 = tpu.vector_load %arg7[%parallel_loop3A_700, %parallel_loop3A_701] {strides = array<i32>} : memref<59x128xf32, #tpu.memory_space<vmem>>, vector<16xf32>,
        tpu.vector_store %arg7[%parallel_loop3A_700, %parallel_loop3A_701], %parallel_loop3A_698 {strides = array<i32>} : memref<59x128xf32, #tpu.memory_space<vmem>>, vector<16xf32>,
        %parallel_loop3A_703 = arith.index_cast %parallel_loop3A_686 : i32 to index
        %parallel_loop3A_704 = arith.constant 16 : index
        %parallel_loop3A_705 = tpu.vector_load %arg7[%parallel_loop3A_703, %parallel_loop3A_704] {strides = array<i32>} : memref<59x128xf32, #tpu.memory_space<vmem>>, vector<16xf32>,
        tpu.vector_store %arg7[%parallel_loop3A_703, %parallel_loop3A_704], %parallel_loop3A_699 {strides = array<i32>} : memref<59x128xf32, #tpu.memory_space<vmem>>, vector<16xf32>,
        %parallel_loop3A_706 = arith.constant 16 : i32
        %parallel_loop3A_707 = arith.addi %parallel_loop3A_690, %parallel_loop3A_706 : i32
        %parallel_loop3A_708 = arith.index_cast %parallel_loop3A_707 : i32 to index
        %parallel_loop3A_709 = tpu.vector_load %arg5[%parallel_loop3A_708] {strides = array<i32>} : memref<18880xi32, #tpu.memory_space<vmem>>, vector<16xi32>,
        %parallel_loop3A_710 = vector.bitcast %parallel_loop3A_709 : vector<16xi32> to vector<32xi16>
        %parallel_loop3A_711 = tpu.unpack_subelements %parallel_loop3A_710, 0 {pack_format = #tpu.pack_format<interleaved>} : vector<32xi16> -> vector<16xi32>
        %parallel_loop3A_712 = tpu.unpack_subelements %parallel_loop3A_710, 1 {pack_format = #tpu.pack_format<interleaved>} : vector<32xi16> -> vector<16xi32>
        %parallel_loop3A_713 = tpu.vector_load_idx %arg6[%parallel_loop3A_711, %add3A_20] : memref<540x128xf32, #tpu.memory_space<vmem>>[vector<16xi32>, vector<16xi32>], vector<16xf32>,
        %parallel_loop3A_714 = tpu.vector_load_idx %arg6[%parallel_loop3A_712, %add3A_24] : memref<540x128xf32, #tpu.memory_space<vmem>>[vector<16xi32>, vector<16xi32>], vector<16xf32>,
        %parallel_loop3A_715 = arith.index_cast %parallel_loop3A_686 : i32 to index
        %parallel_loop3A_716 = arith.constant 32 : index
        %parallel_loop3A_717 = tpu.vector_load %arg7[%parallel_loop3A_715, %parallel_loop3A_716] {strides = array<i32>} : memref<59x128xf32, #tpu.memory_space<vmem>>, vector<16xf32>,
        tpu.vector_store %arg7[%parallel_loop3A_715, %parallel_loop3A_716], %parallel_loop3A_713 {strides = array<i32>} : memref<59x128xf32, #tpu.memory_space<vmem>>, vector<16xf32>,
        %parallel_loop3A_718 = arith.index_cast %parallel_loop3A_686 : i32 to index
        %parallel_loop3A_719 = arith.constant 48 : index
        %parallel_loop3A_720 = tpu.vector_load %arg7[%parallel_loop3A_718, %parallel_loop3A_719] {strides = array<i32>} : memref<59x128xf32, #tpu.memory_space<vmem>>, vector<16xf32>,
        tpu.vector_store %arg7[%parallel_loop3A_718, %parallel_loop3A_719], %parallel_loop3A_714 {strides = array<i32>} : memref<59x128xf32, #tpu.memory_space<vmem>>, vector<16xf32>,
        %parallel_loop3A_721 = arith.constant 32 : i32
        %parallel_loop3A_722 = arith.addi %parallel_loop3A_690, %parallel_loop3A_721 : i32
        %parallel_loop3A_723 = arith.index_cast %parallel_loop3A_722 : i32 to index
        %parallel_loop3A_724 = tpu.vector_load %arg5[%parallel_loop3A_723] {strides = array<i32>} : memref<18880xi32, #tpu.memory_space<vmem>>, vector<16xi32>,
        %parallel_loop3A_725 = vector.bitcast %parallel_loop3A_724 : vector<16xi32> to vector<32xi16>
        %parallel_loop3A_726 = tpu.unpack_subelements %parallel_loop3A_725, 0 {pack_format = #tpu.pack_format<interleaved>} : vector<32xi16> -> vector<16xi32>
        %parallel_loop3A_727 = tpu.unpack_subelements %parallel_loop3A_725, 1 {pack_format = #tpu.pack_format<interleaved>} : vector<32xi16> -> vector<16xi32>
        %parallel_loop3A_728 = tpu.vector_load_idx %arg6[%parallel_loop3A_726, %add3A_28] : memref<540x128xf32, #tpu.memory_space<vmem>>[vector<16xi32>, vector<16xi32>], vector<16xf32>,
        %parallel_loop3A_729 = tpu.vector_load_idx %arg6[%parallel_loop3A_727, %add3A_32] : memref<540x128xf32, #tpu.memory_space<vmem>>[vector<16xi32>, vector<16xi32>], vector<16xf32>,
        %parallel_loop3A_730 = arith.index_cast %parallel_loop3A_686 : i32 to index
        %parallel_loop3A_731 = arith.constant 64 : index
        %parallel_loop3A_732 = tpu.vector_load %arg7[%parallel_loop3A_730, %parallel_loop3A_731] {strides = array<i32>} : memref<59x128xf32, #tpu.memory_space<vmem>>, vector<16xf32>,
        tpu.vector_store %arg7[%parallel_loop3A_730, %parallel_loop3A_731], %parallel_loop3A_728 {strides = array<i32>} : memref<59x128xf32, #tpu.memory_space<vmem>>, vector<16xf32>,
        %parallel_loop3A_733 = arith.index_cast %parallel_loop3A_686 : i32 to index
        %parallel_loop3A_734 = arith.constant 80 : index
        %parallel_loop3A_735 = tpu.vector_load %arg7[%parallel_loop3A_733, %parallel_loop3A_734] {strides = array<i32>} : memref<59x128xf32, #tpu.memory_space<vmem>>, vector<16xf32>,
        tpu.vector_store %arg7[%parallel_loop3A_733, %parallel_loop3A_734], %parallel_loop3A_729 {strides = array<i32>} : memref<59x128xf32, #tpu.memory_space<vmem>>, vector<16xf32>,
        %parallel_loop3A_736 = arith.constant 48 : i32
        %parallel_loop3A_737 = arith.addi %parallel_loop3A_690, %parallel_loop3A_736 : i32
        %parallel_loop3A_738 = arith.index_cast %parallel_loop3A_737 : i32 to index
        %parallel_loop3A_739 = tpu.vector_load %arg5[%parallel_loop3A_738] {strides = array<i32>} : memref<18880xi32, #tpu.memory_space<vmem>>, vector<16xi32>,
        %parallel_loop3A_740 = vector.bitcast %parallel_loop3A_739 : vector<16xi32> to vector<32xi16>
        %parallel_loop3A_741 = tpu.unpack_subelements %parallel_loop3A_740, 0 {pack_format = #tpu.pack_format<interleaved>} : vector<32xi16> -> vector<16xi32>
        %parallel_loop3A_742 = tpu.unpack_subelements %parallel_loop3A_740, 1 {pack_format = #tpu.pack_format<interleaved>} : vector<32xi16> -> vector<16xi32>
        %parallel_loop3A_743 = tpu.vector_load_idx %arg6[%parallel_loop3A_741, %add3A_36] : memref<540x128xf32, #tpu.memory_space<vmem>>[vector<16xi32>, vector<16xi32>], vector<16xf32>,
        %parallel_loop3A_744 = tpu.vector_load_idx %arg6[%parallel_loop3A_742, %add3A_40] : memref<540x128xf32, #tpu.memory_space<vmem>>[vector<16xi32>, vector<16xi32>], vector<16xf32>,
        %parallel_loop3A_745 = arith.index_cast %parallel_loop3A_686 : i32 to index
        %parallel_loop3A_746 = arith.constant 96 : index
        %parallel_loop3A_747 = tpu.vector_load %arg7[%parallel_loop3A_745, %parallel_loop3A_746] {strides = array<i32>} : memref<59x128xf32, #tpu.memory_space<vmem>>, vector<16xf32>,
        tpu.vector_store %arg7[%parallel_loop3A_745, %parallel_loop3A_746], %parallel_loop3A_743 {strides = array<i32>} : memref<59x128xf32, #tpu.memory_space<vmem>>, vector<16xf32>,
        %parallel_loop3A_748 = arith.index_cast %parallel_loop3A_686 : i32 to index
        %parallel_loop3A_749 = arith.constant 112 : index
        %parallel_loop3A_750 = tpu.vector_load %arg7[%parallel_loop3A_748, %parallel_loop3A_749] {strides = array<i32>} : memref<59x128xf32, #tpu.memory_space<vmem>>, vector<16xf32>,
        tpu.vector_store %arg7[%parallel_loop3A_748, %parallel_loop3A_749], %parallel_loop3A_744 {strides = array<i32>} : memref<59x128xf32, #tpu.memory_space<vmem>>, vector<16xf32>,
      } {sc.loop_unroll_factor = 2 : i64, sc.parallel_access}
      %dma_start3A_621 = arith.constant 0 : i32
      %dma_start3A_622 = tpu.memref_slice %arg4[%dma_start3A_621, %add3A_60, %mul3A_4] : memref<295x96x256xf32, #tpu.memory_space<hbm>> -> memref<59x1x128xf32, #tpu.memory_space<hbm>>
      %dma_start3A_623 = tpu.memref_squeeze %dma_start3A_622 : memref<59x1x128xf32, #tpu.memory_space<hbm>> -> memref<59x128xf32, #tpu.memory_space<hbm>>
      %dma_start3A_624 = arith.constant 0 : i32
      %dma_start3A_625 = tpu.memref_slice %arg4[%dma_start3A_624, %add3A_60, %mul3A_4] : memref<295x96x256xf32, #tpu.memory_space<hbm>> -> memref<59x1x128xf32, #tpu.memory_space<hbm>>
      %dma_start3A_626 = tpu.memref_squeeze %dma_start3A_625 : memref<59x1x128xf32, #tpu.memory_space<hbm>> -> memref<59x128xf32, #tpu.memory_space<hbm>>
      tpu.enqueue_dma source(%arg7 : memref<59x128xf32, #tpu.memory_space<vmem>>) target(%dma_start3A_626 : memref<59x128xf32, #tpu.memory_space<hbm>>) target_semaphore(%arg10 : memref<!tpu.dma_semaphore, #tpu.memory_space<semaphore_mem>>)
      %ge3A_627 = arith.constant 1 : i32
      %ge3A_628 = arith.cmpi sge, %scan3A_57, %ge3A_627 : i32
      %convert_element_type3A_629 = arith.extui %ge3A_628 : i1 to i32
      %cond3A_630 = arith.constant 0 : i32
      %cond3A_631 = arith.cmpi ne, %convert_element_type3A_629, %cond3A_630 : i32
      scf.if %cond3A_631 {
        %dma_wait3A_686 = arith.constant 0 : i32
        %dma_wait3A_687 = tpu.memref_slice %arg4[%dma_wait3A_686, %add3A_60, %mul3A_4] : memref<295x96x256xf32, #tpu.memory_space<hbm>> -> memref<59x1x128xf32, #tpu.memory_space<hbm>>
        %dma_wait3A_688 = tpu.memref_squeeze %dma_wait3A_687 : memref<59x1x128xf32, #tpu.memory_space<hbm>> -> memref<59x128xf32, #tpu.memory_space<hbm>>
        %dma_wait3A_689 = arith.constant 0 : i32
        %dma_wait3A_690 = tpu.memref_slice %arg4[%dma_wait3A_689, %add3A_60, %mul3A_4] : memref<295x96x256xf32, #tpu.memory_space<hbm>> -> memref<59x1x128xf32, #tpu.memory_space<hbm>>
        %dma_wait3A_691 = tpu.memref_squeeze %dma_wait3A_690 : memref<59x1x128xf32, #tpu.memory_space<hbm>> -> memref<59x128xf32, #tpu.memory_space<hbm>>
        tpu.wait_dma2 semaphore(%arg11 : memref<!tpu.dma_semaphore, #tpu.memory_space<semaphore_mem>>) src(%arg8 : memref<59x128xf32, #tpu.memory_space<vmem>>) dst(%dma_wait3A_691 : memref<59x128xf32, #tpu.memory_space<hbm>>)
      } else {
      }
      %parallel_loop3A_632 = arith.constant 0 : i32
      %parallel_loop3A_633 = arith.constant 59 : i32
      %parallel_loop3A_634 = arith.constant 1 : i32
      scf.for %parallel_loop3A_686 = %parallel_loop3A_632 to %parallel_loop3A_633 step %parallel_loop3A_634  : i32 {
        %parallel_loop3A_687 = arith.constant 59 : i32
        %parallel_loop3A_688 = arith.addi %parallel_loop3A_687, %parallel_loop3A_686 : i32
        %parallel_loop3A_689 = arith.constant 64 : i32
        %parallel_loop3A_690 = arith.muli %parallel_loop3A_688, %parallel_loop3A_689 : i32
        %parallel_loop3A_691 = arith.constant 0 : i32
        %parallel_loop3A_692 = arith.addi %parallel_loop3A_690, %parallel_loop3A_691 : i32
        %parallel_loop3A_693 = arith.index_cast %parallel_loop3A_692 : i32 to index
        %parallel_loop3A_694 = tpu.vector_load %arg5[%parallel_loop3A_693] {strides = array<i32>} : memref<18880xi32, #tpu.memory_space<vmem>>, vector<16xi32>,
        %parallel_loop3A_695 = vector.bitcast %parallel_loop3A_694 : vector<16xi32> to vector<32xi16>
        %parallel_loop3A_696 = tpu.unpack_subelements %parallel_loop3A_695, 0 {pack_format = #tpu.pack_format<interleaved>} : vector<32xi16> -> vector<16xi32>
        %parallel_loop3A_697 = tpu.unpack_subelements %parallel_loop3A_695, 1 {pack_format = #tpu.pack_format<interleaved>} : vector<32xi16> -> vector<16xi32>
        %parallel_loop3A_698 = tpu.vector_load_idx %arg6[%parallel_loop3A_696, %add3A_12] : memref<540x128xf32, #tpu.memory_space<vmem>>[vector<16xi32>, vector<16xi32>], vector<16xf32>,
        %parallel_loop3A_699 = tpu.vector_load_idx %arg6[%parallel_loop3A_697, %add3A_16] : memref<540x128xf32, #tpu.memory_space<vmem>>[vector<16xi32>, vector<16xi32>], vector<16xf32>,
        %parallel_loop3A_700 = arith.index_cast %parallel_loop3A_686 : i32 to index
        %parallel_loop3A_701 = arith.constant 0 : index
        %parallel_loop3A_702 = tpu.vector_load %arg8[%parallel_loop3A_700, %parallel_loop3A_701] {strides = array<i32>} : memref<59x128xf32, #tpu.memory_space<vmem>>, vector<16xf32>,
        tpu.vector_store %arg8[%parallel_loop3A_700, %parallel_loop3A_701], %parallel_loop3A_698 {strides = array<i32>} : memref<59x128xf32, #tpu.memory_space<vmem>>, vector<16xf32>,
        %parallel_loop3A_703 = arith.index_cast %parallel_loop3A_686 : i32 to index
        %parallel_loop3A_704 = arith.constant 16 : index
        %parallel_loop3A_705 = tpu.vector_load %arg8[%parallel_loop3A_703, %parallel_loop3A_704] {strides = array<i32>} : memref<59x128xf32, #tpu.memory_space<vmem>>, vector<16xf32>,
        tpu.vector_store %arg8[%parallel_loop3A_703, %parallel_loop3A_704], %parallel_loop3A_699 {strides = array<i32>} : memref<59x128xf32, #tpu.memory_space<vmem>>, vector<16xf32>,
        %parallel_loop3A_706 = arith.constant 16 : i32
        %parallel_loop3A_707 = arith.addi %parallel_loop3A_690, %parallel_loop3A_706 : i32
        %parallel_loop3A_708 = arith.index_cast %parallel_loop3A_707 : i32 to index
        %parallel_loop3A_709 = tpu.vector_load %arg5[%parallel_loop3A_708] {strides = array<i32>} : memref<18880xi32, #tpu.memory_space<vmem>>, vector<16xi32>,
        %parallel_loop3A_710 = vector.bitcast %parallel_loop3A_709 : vector<16xi32> to vector<32xi16>
        %parallel_loop3A_711 = tpu.unpack_subelements %parallel_loop3A_710, 0 {pack_format = #tpu.pack_format<interleaved>} : vector<32xi16> -> vector<16xi32>
        %parallel_loop3A_712 = tpu.unpack_subelements %parallel_loop3A_710, 1 {pack_format = #tpu.pack_format<interleaved>} : vector<32xi16> -> vector<16xi32>
        %parallel_loop3A_713 = tpu.vector_load_idx %arg6[%parallel_loop3A_711, %add3A_20] : memref<540x128xf32, #tpu.memory_space<vmem>>[vector<16xi32>, vector<16xi32>], vector<16xf32>,
        %parallel_loop3A_714 = tpu.vector_load_idx %arg6[%parallel_loop3A_712, %add3A_24] : memref<540x128xf32, #tpu.memory_space<vmem>>[vector<16xi32>, vector<16xi32>], vector<16xf32>,
        %parallel_loop3A_715 = arith.index_cast %parallel_loop3A_686 : i32 to index
        %parallel_loop3A_716 = arith.constant 32 : index
        %parallel_loop3A_717 = tpu.vector_load %arg8[%parallel_loop3A_715, %parallel_loop3A_716] {strides = array<i32>} : memref<59x128xf32, #tpu.memory_space<vmem>>, vector<16xf32>,
        tpu.vector_store %arg8[%parallel_loop3A_715, %parallel_loop3A_716], %parallel_loop3A_713 {strides = array<i32>} : memref<59x128xf32, #tpu.memory_space<vmem>>, vector<16xf32>,
        %parallel_loop3A_718 = arith.index_cast %parallel_loop3A_686 : i32 to index
        %parallel_loop3A_719 = arith.constant 48 : index
        %parallel_loop3A_720 = tpu.vector_load %arg8[%parallel_loop3A_718, %parallel_loop3A_719] {strides = array<i32>} : memref<59x128xf32, #tpu.memory_space<vmem>>, vector<16xf32>,
        tpu.vector_store %arg8[%parallel_loop3A_718, %parallel_loop3A_719], %parallel_loop3A_714 {strides = array<i32>} : memref<59x128xf32, #tpu.memory_space<vmem>>, vector<16xf32>,
        %parallel_loop3A_721 = arith.constant 32 : i32
        %parallel_loop3A_722 = arith.addi %parallel_loop3A_690, %parallel_loop3A_721 : i32
        %parallel_loop3A_723 = arith.index_cast %parallel_loop3A_722 : i32 to index
        %parallel_loop3A_724 = tpu.vector_load %arg5[%parallel_loop3A_723] {strides = array<i32>} : memref<18880xi32, #tpu.memory_space<vmem>>, vector<16xi32>,
        %parallel_loop3A_725 = vector.bitcast %parallel_loop3A_724 : vector<16xi32> to vector<32xi16>
        %parallel_loop3A_726 = tpu.unpack_subelements %parallel_loop3A_725, 0 {pack_format = #tpu.pack_format<interleaved>} : vector<32xi16> -> vector<16xi32>
        %parallel_loop3A_727 = tpu.unpack_subelements %parallel_loop3A_725, 1 {pack_format = #tpu.pack_format<interleaved>} : vector<32xi16> -> vector<16xi32>
        %parallel_loop3A_728 = tpu.vector_load_idx %arg6[%parallel_loop3A_726, %add3A_28] : memref<540x128xf32, #tpu.memory_space<vmem>>[vector<16xi32>, vector<16xi32>], vector<16xf32>,
        %parallel_loop3A_729 = tpu.vector_load_idx %arg6[%parallel_loop3A_727, %add3A_32] : memref<540x128xf32, #tpu.memory_space<vmem>>[vector<16xi32>, vector<16xi32>], vector<16xf32>,
        %parallel_loop3A_730 = arith.index_cast %parallel_loop3A_686 : i32 to index
        %parallel_loop3A_731 = arith.constant 64 : index
        %parallel_loop3A_732 = tpu.vector_load %arg8[%parallel_loop3A_730, %parallel_loop3A_731] {strides = array<i32>} : memref<59x128xf32, #tpu.memory_space<vmem>>, vector<16xf32>,
        tpu.vector_store %arg8[%parallel_loop3A_730, %parallel_loop3A_731], %parallel_loop3A_728 {strides = array<i32>} : memref<59x128xf32, #tpu.memory_space<vmem>>, vector<16xf32>,
        %parallel_loop3A_733 = arith.index_cast %parallel_loop3A_686 : i32 to index
        %parallel_loop3A_734 = arith.constant 80 : index
        %parallel_loop3A_735 = tpu.vector_load %arg8[%parallel_loop3A_733, %parallel_loop3A_734] {strides = array<i32>} : memref<59x128xf32, #tpu.memory_space<vmem>>, vector<16xf32>,
        tpu.vector_store %arg8[%parallel_loop3A_733, %parallel_loop3A_734], %parallel_loop3A_729 {strides = array<i32>} : memref<59x128xf32, #tpu.memory_space<vmem>>, vector<16xf32>,
        %parallel_loop3A_736 = arith.constant 48 : i32
        %parallel_loop3A_737 = arith.addi %parallel_loop3A_690, %parallel_loop3A_736 : i32
        %parallel_loop3A_738 = arith.index_cast %parallel_loop3A_737 : i32 to index
        %parallel_loop3A_739 = tpu.vector_load %arg5[%parallel_loop3A_738] {strides = array<i32>} : memref<18880xi32, #tpu.memory_space<vmem>>, vector<16xi32>,
        %parallel_loop3A_740 = vector.bitcast %parallel_loop3A_739 : vector<16xi32> to vector<32xi16>
        %parallel_loop3A_741 = tpu.unpack_subelements %parallel_loop3A_740, 0 {pack_format = #tpu.pack_format<interleaved>} : vector<32xi16> -> vector<16xi32>
        %parallel_loop3A_742 = tpu.unpack_subelements %parallel_loop3A_740, 1 {pack_format = #tpu.pack_format<interleaved>} : vector<32xi16> -> vector<16xi32>
        %parallel_loop3A_743 = tpu.vector_load_idx %arg6[%parallel_loop3A_741, %add3A_36] : memref<540x128xf32, #tpu.memory_space<vmem>>[vector<16xi32>, vector<16xi32>], vector<16xf32>,
        %parallel_loop3A_744 = tpu.vector_load_idx %arg6[%parallel_loop3A_742, %add3A_40] : memref<540x128xf32, #tpu.memory_space<vmem>>[vector<16xi32>, vector<16xi32>], vector<16xf32>,
        %parallel_loop3A_745 = arith.index_cast %parallel_loop3A_686 : i32 to index
        %parallel_loop3A_746 = arith.constant 96 : index
        %parallel_loop3A_747 = tpu.vector_load %arg8[%parallel_loop3A_745, %parallel_loop3A_746] {strides = array<i32>} : memref<59x128xf32, #tpu.memory_space<vmem>>, vector<16xf32>,
        tpu.vector_store %arg8[%parallel_loop3A_745, %parallel_loop3A_746], %parallel_loop3A_743 {strides = array<i32>} : memref<59x128xf32, #tpu.memory_space<vmem>>, vector<16xf32>,
        %parallel_loop3A_748 = arith.index_cast %parallel_loop3A_686 : i32 to index
        %parallel_loop3A_749 = arith.constant 112 : index
        %parallel_loop3A_750 = tpu.vector_load %arg8[%parallel_loop3A_748, %parallel_loop3A_749] {strides = array<i32>} : memref<59x128xf32, #tpu.memory_space<vmem>>, vector<16xf32>,
        tpu.vector_store %arg8[%parallel_loop3A_748, %parallel_loop3A_749], %parallel_loop3A_744 {strides = array<i32>} : memref<59x128xf32, #tpu.memory_space<vmem>>, vector<16xf32>,
      } {sc.loop_unroll_factor = 2 : i64, sc.parallel_access}
      %dma_start3A_635 = arith.constant 59 : i32
      %dma_start3A_636 = tpu.memref_slice %arg4[%dma_start3A_635, %add3A_60, %mul3A_4] : memref<295x96x256xf32, #tpu.memory_space<hbm>> -> memref<59x1x128xf32, #tpu.memory_space<hbm>>
      %dma_start3A_637 = tpu.memref_squeeze %dma_start3A_636 : memref<59x1x128xf32, #tpu.memory_space<hbm>> -> memref<59x128xf32, #tpu.memory_space<hbm>>
      %dma_start3A_638 = arith.constant 59 : i32
      %dma_start3A_639 = tpu.memref_slice %arg4[%dma_start3A_638, %add3A_60, %mul3A_4] : memref<295x96x256xf32, #tpu.memory_space<hbm>> -> memref<59x1x128xf32, #tpu.memory_space<hbm>>
      %dma_start3A_640 = tpu.memref_squeeze %dma_start3A_639 : memref<59x1x128xf32, #tpu.memory_space<hbm>> -> memref<59x128xf32, #tpu.memory_space<hbm>>
      tpu.enqueue_dma source(%arg8 : memref<59x128xf32, #tpu.memory_space<vmem>>) target(%dma_start3A_640 : memref<59x128xf32, #tpu.memory_space<hbm>>) target_semaphore(%arg11 : memref<!tpu.dma_semaphore, #tpu.memory_space<semaphore_mem>>)
      %dma_wait3A_641 = arith.constant 0 : i32
      %dma_wait3A_642 = tpu.memref_slice %arg4[%dma_wait3A_641, %add3A_60, %mul3A_4] : memref<295x96x256xf32, #tpu.memory_space<hbm>> -> memref<59x1x128xf32, #tpu.memory_space<hbm>>
      %dma_wait3A_643 = tpu.memref_squeeze %dma_wait3A_642 : memref<59x1x128xf32, #tpu.memory_space<hbm>> -> memref<59x128xf32, #tpu.memory_space<hbm>>
      %dma_wait3A_644 = arith.constant 0 : i32
      %dma_wait3A_645 = tpu.memref_slice %arg4[%dma_wait3A_644, %add3A_60, %mul3A_4] : memref<295x96x256xf32, #tpu.memory_space<hbm>> -> memref<59x1x128xf32, #tpu.memory_space<hbm>>
      %dma_wait3A_646 = tpu.memref_squeeze %dma_wait3A_645 : memref<59x1x128xf32, #tpu.memory_space<hbm>> -> memref<59x128xf32, #tpu.memory_space<hbm>>
      tpu.wait_dma2 semaphore(%arg10 : memref<!tpu.dma_semaphore, #tpu.memory_space<semaphore_mem>>) src(%arg7 : memref<59x128xf32, #tpu.memory_space<vmem>>) dst(%dma_wait3A_646 : memref<59x128xf32, #tpu.memory_space<hbm>>)
      %parallel_loop3A_647 = arith.constant 0 : i32
      %parallel_loop3A_648 = arith.constant 59 : i32
      %parallel_loop3A_649 = arith.constant 1 : i32
      scf.for %parallel_loop3A_686 = %parallel_loop3A_647 to %parallel_loop3A_648 step %parallel_loop3A_649  : i32 {
        %parallel_loop3A_687 = arith.constant 118 : i32
        %parallel_loop3A_688 = arith.addi %parallel_loop3A_687, %parallel_loop3A_686 : i32
        %parallel_loop3A_689 = arith.constant 64 : i32
        %parallel_loop3A_690 = arith.muli %parallel_loop3A_688, %parallel_loop3A_689 : i32
        %parallel_loop3A_691 = arith.constant 0 : i32
        %parallel_loop3A_692 = arith.addi %parallel_loop3A_690, %parallel_loop3A_691 : i32
        %parallel_loop3A_693 = arith.index_cast %parallel_loop3A_692 : i32 to index
        %parallel_loop3A_694 = tpu.vector_load %arg5[%parallel_loop3A_693] {strides = array<i32>} : memref<18880xi32, #tpu.memory_space<vmem>>, vector<16xi32>,
        %parallel_loop3A_695 = vector.bitcast %parallel_loop3A_694 : vector<16xi32> to vector<32xi16>
        %parallel_loop3A_696 = tpu.unpack_subelements %parallel_loop3A_695, 0 {pack_format = #tpu.pack_format<interleaved>} : vector<32xi16> -> vector<16xi32>
        %parallel_loop3A_697 = tpu.unpack_subelements %parallel_loop3A_695, 1 {pack_format = #tpu.pack_format<interleaved>} : vector<32xi16> -> vector<16xi32>
        %parallel_loop3A_698 = tpu.vector_load_idx %arg6[%parallel_loop3A_696, %add3A_12] : memref<540x128xf32, #tpu.memory_space<vmem>>[vector<16xi32>, vector<16xi32>], vector<16xf32>,
        %parallel_loop3A_699 = tpu.vector_load_idx %arg6[%parallel_loop3A_697, %add3A_16] : memref<540x128xf32, #tpu.memory_space<vmem>>[vector<16xi32>, vector<16xi32>], vector<16xf32>,
        %parallel_loop3A_700 = arith.index_cast %parallel_loop3A_686 : i32 to index
        %parallel_loop3A_701 = arith.constant 0 : index
        %parallel_loop3A_702 = tpu.vector_load %arg7[%parallel_loop3A_700, %parallel_loop3A_701] {strides = array<i32>} : memref<59x128xf32, #tpu.memory_space<vmem>>, vector<16xf32>,
        tpu.vector_store %arg7[%parallel_loop3A_700, %parallel_loop3A_701], %parallel_loop3A_698 {strides = array<i32>} : memref<59x128xf32, #tpu.memory_space<vmem>>, vector<16xf32>,
        %parallel_loop3A_703 = arith.index_cast %parallel_loop3A_686 : i32 to index
        %parallel_loop3A_704 = arith.constant 16 : index
        %parallel_loop3A_705 = tpu.vector_load %arg7[%parallel_loop3A_703, %parallel_loop3A_704] {strides = array<i32>} : memref<59x128xf32, #tpu.memory_space<vmem>>, vector<16xf32>,
        tpu.vector_store %arg7[%parallel_loop3A_703, %parallel_loop3A_704], %parallel_loop3A_699 {strides = array<i32>} : memref<59x128xf32, #tpu.memory_space<vmem>>, vector<16xf32>,
        %parallel_loop3A_706 = arith.constant 16 : i32
        %parallel_loop3A_707 = arith.addi %parallel_loop3A_690, %parallel_loop3A_706 : i32
        %parallel_loop3A_708 = arith.index_cast %parallel_loop3A_707 : i32 to index
        %parallel_loop3A_709 = tpu.vector_load %arg5[%parallel_loop3A_708] {strides = array<i32>} : memref<18880xi32, #tpu.memory_space<vmem>>, vector<16xi32>,
        %parallel_loop3A_710 = vector.bitcast %parallel_loop3A_709 : vector<16xi32> to vector<32xi16>
        %parallel_loop3A_711 = tpu.unpack_subelements %parallel_loop3A_710, 0 {pack_format = #tpu.pack_format<interleaved>} : vector<32xi16> -> vector<16xi32>
        %parallel_loop3A_712 = tpu.unpack_subelements %parallel_loop3A_710, 1 {pack_format = #tpu.pack_format<interleaved>} : vector<32xi16> -> vector<16xi32>
        %parallel_loop3A_713 = tpu.vector_load_idx %arg6[%parallel_loop3A_711, %add3A_20] : memref<540x128xf32, #tpu.memory_space<vmem>>[vector<16xi32>, vector<16xi32>], vector<16xf32>,
        %parallel_loop3A_714 = tpu.vector_load_idx %arg6[%parallel_loop3A_712, %add3A_24] : memref<540x128xf32, #tpu.memory_space<vmem>>[vector<16xi32>, vector<16xi32>], vector<16xf32>,
        %parallel_loop3A_715 = arith.index_cast %parallel_loop3A_686 : i32 to index
        %parallel_loop3A_716 = arith.constant 32 : index
        %parallel_loop3A_717 = tpu.vector_load %arg7[%parallel_loop3A_715, %parallel_loop3A_716] {strides = array<i32>} : memref<59x128xf32, #tpu.memory_space<vmem>>, vector<16xf32>,
        tpu.vector_store %arg7[%parallel_loop3A_715, %parallel_loop3A_716], %parallel_loop3A_713 {strides = array<i32>} : memref<59x128xf32, #tpu.memory_space<vmem>>, vector<16xf32>,
        %parallel_loop3A_718 = arith.index_cast %parallel_loop3A_686 : i32 to index
        %parallel_loop3A_719 = arith.constant 48 : index
        %parallel_loop3A_720 = tpu.vector_load %arg7[%parallel_loop3A_718, %parallel_loop3A_719] {strides = array<i32>} : memref<59x128xf32, #tpu.memory_space<vmem>>, vector<16xf32>,
        tpu.vector_store %arg7[%parallel_loop3A_718, %parallel_loop3A_719], %parallel_loop3A_714 {strides = array<i32>} : memref<59x128xf32, #tpu.memory_space<vmem>>, vector<16xf32>,
        %parallel_loop3A_721 = arith.constant 32 : i32
        %parallel_loop3A_722 = arith.addi %parallel_loop3A_690, %parallel_loop3A_721 : i32
        %parallel_loop3A_723 = arith.index_cast %parallel_loop3A_722 : i32 to index
        %parallel_loop3A_724 = tpu.vector_load %arg5[%parallel_loop3A_723] {strides = array<i32>} : memref<18880xi32, #tpu.memory_space<vmem>>, vector<16xi32>,
        %parallel_loop3A_725 = vector.bitcast %parallel_loop3A_724 : vector<16xi32> to vector<32xi16>
        %parallel_loop3A_726 = tpu.unpack_subelements %parallel_loop3A_725, 0 {pack_format = #tpu.pack_format<interleaved>} : vector<32xi16> -> vector<16xi32>
        %parallel_loop3A_727 = tpu.unpack_subelements %parallel_loop3A_725, 1 {pack_format = #tpu.pack_format<interleaved>} : vector<32xi16> -> vector<16xi32>
        %parallel_loop3A_728 = tpu.vector_load_idx %arg6[%parallel_loop3A_726, %add3A_28] : memref<540x128xf32, #tpu.memory_space<vmem>>[vector<16xi32>, vector<16xi32>], vector<16xf32>,
        %parallel_loop3A_729 = tpu.vector_load_idx %arg6[%parallel_loop3A_727, %add3A_32] : memref<540x128xf32, #tpu.memory_space<vmem>>[vector<16xi32>, vector<16xi32>], vector<16xf32>,
        %parallel_loop3A_730 = arith.index_cast %parallel_loop3A_686 : i32 to index
        %parallel_loop3A_731 = arith.constant 64 : index
        %parallel_loop3A_732 = tpu.vector_load %arg7[%parallel_loop3A_730, %parallel_loop3A_731] {strides = array<i32>} : memref<59x128xf32, #tpu.memory_space<vmem>>, vector<16xf32>,
        tpu.vector_store %arg7[%parallel_loop3A_730, %parallel_loop3A_731], %parallel_loop3A_728 {strides = array<i32>} : memref<59x128xf32, #tpu.memory_space<vmem>>, vector<16xf32>,
        %parallel_loop3A_733 = arith.index_cast %parallel_loop3A_686 : i32 to index
        %parallel_loop3A_734 = arith.constant 80 : index
        %parallel_loop3A_735 = tpu.vector_load %arg7[%parallel_loop3A_733, %parallel_loop3A_734] {strides = array<i32>} : memref<59x128xf32, #tpu.memory_space<vmem>>, vector<16xf32>,
        tpu.vector_store %arg7[%parallel_loop3A_733, %parallel_loop3A_734], %parallel_loop3A_729 {strides = array<i32>} : memref<59x128xf32, #tpu.memory_space<vmem>>, vector<16xf32>,
        %parallel_loop3A_736 = arith.constant 48 : i32
        %parallel_loop3A_737 = arith.addi %parallel_loop3A_690, %parallel_loop3A_736 : i32
        %parallel_loop3A_738 = arith.index_cast %parallel_loop3A_737 : i32 to index
        %parallel_loop3A_739 = tpu.vector_load %arg5[%parallel_loop3A_738] {strides = array<i32>} : memref<18880xi32, #tpu.memory_space<vmem>>, vector<16xi32>,
        %parallel_loop3A_740 = vector.bitcast %parallel_loop3A_739 : vector<16xi32> to vector<32xi16>
        %parallel_loop3A_741 = tpu.unpack_subelements %parallel_loop3A_740, 0 {pack_format = #tpu.pack_format<interleaved>} : vector<32xi16> -> vector<16xi32>
        %parallel_loop3A_742 = tpu.unpack_subelements %parallel_loop3A_740, 1 {pack_format = #tpu.pack_format<interleaved>} : vector<32xi16> -> vector<16xi32>
        %parallel_loop3A_743 = tpu.vector_load_idx %arg6[%parallel_loop3A_741, %add3A_36] : memref<540x128xf32, #tpu.memory_space<vmem>>[vector<16xi32>, vector<16xi32>], vector<16xf32>,
        %parallel_loop3A_744 = tpu.vector_load_idx %arg6[%parallel_loop3A_742, %add3A_40] : memref<540x128xf32, #tpu.memory_space<vmem>>[vector<16xi32>, vector<16xi32>], vector<16xf32>,
        %parallel_loop3A_745 = arith.index_cast %parallel_loop3A_686 : i32 to index
        %parallel_loop3A_746 = arith.constant 96 : index
        %parallel_loop3A_747 = tpu.vector_load %arg7[%parallel_loop3A_745, %parallel_loop3A_746] {strides = array<i32>} : memref<59x128xf32, #tpu.memory_space<vmem>>, vector<16xf32>,
        tpu.vector_store %arg7[%parallel_loop3A_745, %parallel_loop3A_746], %parallel_loop3A_743 {strides = array<i32>} : memref<59x128xf32, #tpu.memory_space<vmem>>, vector<16xf32>,
        %parallel_loop3A_748 = arith.index_cast %parallel_loop3A_686 : i32 to index
        %parallel_loop3A_749 = arith.constant 112 : index
        %parallel_loop3A_750 = tpu.vector_load %arg7[%parallel_loop3A_748, %parallel_loop3A_749] {strides = array<i32>} : memref<59x128xf32, #tpu.memory_space<vmem>>, vector<16xf32>,
        tpu.vector_store %arg7[%parallel_loop3A_748, %parallel_loop3A_749], %parallel_loop3A_744 {strides = array<i32>} : memref<59x128xf32, #tpu.memory_space<vmem>>, vector<16xf32>,
      } {sc.loop_unroll_factor = 2 : i64, sc.parallel_access}
      %dma_start3A_650 = arith.constant 118 : i32
      %dma_start3A_651 = tpu.memref_slice %arg4[%dma_start3A_650, %add3A_60, %mul3A_4] : memref<295x96x256xf32, #tpu.memory_space<hbm>> -> memref<59x1x128xf32, #tpu.memory_space<hbm>>
      %dma_start3A_652 = tpu.memref_squeeze %dma_start3A_651 : memref<59x1x128xf32, #tpu.memory_space<hbm>> -> memref<59x128xf32, #tpu.memory_space<hbm>>
      %dma_start3A_653 = arith.constant 118 : i32
      %dma_start3A_654 = tpu.memref_slice %arg4[%dma_start3A_653, %add3A_60, %mul3A_4] : memref<295x96x256xf32, #tpu.memory_space<hbm>> -> memref<59x1x128xf32, #tpu.memory_space<hbm>>
      %dma_start3A_655 = tpu.memref_squeeze %dma_start3A_654 : memref<59x1x128xf32, #tpu.memory_space<hbm>> -> memref<59x128xf32, #tpu.memory_space<hbm>>
      tpu.enqueue_dma source(%arg7 : memref<59x128xf32, #tpu.memory_space<vmem>>) target(%dma_start3A_655 : memref<59x128xf32, #tpu.memory_space<hbm>>) target_semaphore(%arg10 : memref<!tpu.dma_semaphore, #tpu.memory_space<semaphore_mem>>)
      %dma_wait3A_656 = arith.constant 0 : i32
      %dma_wait3A_657 = tpu.memref_slice %arg4[%dma_wait3A_656, %add3A_60, %mul3A_4] : memref<295x96x256xf32, #tpu.memory_space<hbm>> -> memref<59x1x128xf32, #tpu.memory_space<hbm>>
      %dma_wait3A_658 = tpu.memref_squeeze %dma_wait3A_657 : memref<59x1x128xf32, #tpu.memory_space<hbm>> -> memref<59x128xf32, #tpu.memory_space<hbm>>
      %dma_wait3A_659 = arith.constant 0 : i32
      %dma_wait3A_660 = tpu.memref_slice %arg4[%dma_wait3A_659, %add3A_60, %mul3A_4] : memref<295x96x256xf32, #tpu.memory_space<hbm>> -> memref<59x1x128xf32, #tpu.memory_space<hbm>>
      %dma_wait3A_661 = tpu.memref_squeeze %dma_wait3A_660 : memref<59x1x128xf32, #tpu.memory_space<hbm>> -> memref<59x128xf32, #tpu.memory_space<hbm>>
      tpu.wait_dma2 semaphore(%arg11 : memref<!tpu.dma_semaphore, #tpu.memory_space<semaphore_mem>>) src(%arg8 : memref<59x128xf32, #tpu.memory_space<vmem>>) dst(%dma_wait3A_661 : memref<59x128xf32, #tpu.memory_space<hbm>>)
      %parallel_loop3A_662 = arith.constant 0 : i32
      %parallel_loop3A_663 = arith.constant 59 : i32
      %parallel_loop3A_664 = arith.constant 1 : i32
      scf.for %parallel_loop3A_686 = %parallel_loop3A_662 to %parallel_loop3A_663 step %parallel_loop3A_664  : i32 {
        %parallel_loop3A_687 = arith.constant 177 : i32
        %parallel_loop3A_688 = arith.addi %parallel_loop3A_687, %parallel_loop3A_686 : i32
        %parallel_loop3A_689 = arith.constant 64 : i32
        %parallel_loop3A_690 = arith.muli %parallel_loop3A_688, %parallel_loop3A_689 : i32
        %parallel_loop3A_691 = arith.constant 0 : i32
        %parallel_loop3A_692 = arith.addi %parallel_loop3A_690, %parallel_loop3A_691 : i32
        %parallel_loop3A_693 = arith.index_cast %parallel_loop3A_692 : i32 to index
        %parallel_loop3A_694 = tpu.vector_load %arg5[%parallel_loop3A_693] {strides = array<i32>} : memref<18880xi32, #tpu.memory_space<vmem>>, vector<16xi32>,
        %parallel_loop3A_695 = vector.bitcast %parallel_loop3A_694 : vector<16xi32> to vector<32xi16>
        %parallel_loop3A_696 = tpu.unpack_subelements %parallel_loop3A_695, 0 {pack_format = #tpu.pack_format<interleaved>} : vector<32xi16> -> vector<16xi32>
        %parallel_loop3A_697 = tpu.unpack_subelements %parallel_loop3A_695, 1 {pack_format = #tpu.pack_format<interleaved>} : vector<32xi16> -> vector<16xi32>
        %parallel_loop3A_698 = tpu.vector_load_idx %arg6[%parallel_loop3A_696, %add3A_12] : memref<540x128xf32, #tpu.memory_space<vmem>>[vector<16xi32>, vector<16xi32>], vector<16xf32>,
        %parallel_loop3A_699 = tpu.vector_load_idx %arg6[%parallel_loop3A_697, %add3A_16] : memref<540x128xf32, #tpu.memory_space<vmem>>[vector<16xi32>, vector<16xi32>], vector<16xf32>,
        %parallel_loop3A_700 = arith.index_cast %parallel_loop3A_686 : i32 to index
        %parallel_loop3A_701 = arith.constant 0 : index
        %parallel_loop3A_702 = tpu.vector_load %arg8[%parallel_loop3A_700, %parallel_loop3A_701] {strides = array<i32>} : memref<59x128xf32, #tpu.memory_space<vmem>>, vector<16xf32>,
        tpu.vector_store %arg8[%parallel_loop3A_700, %parallel_loop3A_701], %parallel_loop3A_698 {strides = array<i32>} : memref<59x128xf32, #tpu.memory_space<vmem>>, vector<16xf32>,
        %parallel_loop3A_703 = arith.index_cast %parallel_loop3A_686 : i32 to index
        %parallel_loop3A_704 = arith.constant 16 : index
        %parallel_loop3A_705 = tpu.vector_load %arg8[%parallel_loop3A_703, %parallel_loop3A_704] {strides = array<i32>} : memref<59x128xf32, #tpu.memory_space<vmem>>, vector<16xf32>,
        tpu.vector_store %arg8[%parallel_loop3A_703, %parallel_loop3A_704], %parallel_loop3A_699 {strides = array<i32>} : memref<59x128xf32, #tpu.memory_space<vmem>>, vector<16xf32>,
        %parallel_loop3A_706 = arith.constant 16 : i32
        %parallel_loop3A_707 = arith.addi %parallel_loop3A_690, %parallel_loop3A_706 : i32
        %parallel_loop3A_708 = arith.index_cast %parallel_loop3A_707 : i32 to index
        %parallel_loop3A_709 = tpu.vector_load %arg5[%parallel_loop3A_708] {strides = array<i32>} : memref<18880xi32, #tpu.memory_space<vmem>>, vector<16xi32>,
        %parallel_loop3A_710 = vector.bitcast %parallel_loop3A_709 : vector<16xi32> to vector<32xi16>
        %parallel_loop3A_711 = tpu.unpack_subelements %parallel_loop3A_710, 0 {pack_format = #tpu.pack_format<interleaved>} : vector<32xi16> -> vector<16xi32>
        %parallel_loop3A_712 = tpu.unpack_subelements %parallel_loop3A_710, 1 {pack_format = #tpu.pack_format<interleaved>} : vector<32xi16> -> vector<16xi32>
        %parallel_loop3A_713 = tpu.vector_load_idx %arg6[%parallel_loop3A_711, %add3A_20] : memref<540x128xf32, #tpu.memory_space<vmem>>[vector<16xi32>, vector<16xi32>], vector<16xf32>,
        %parallel_loop3A_714 = tpu.vector_load_idx %arg6[%parallel_loop3A_712, %add3A_24] : memref<540x128xf32, #tpu.memory_space<vmem>>[vector<16xi32>, vector<16xi32>], vector<16xf32>,
        %parallel_loop3A_715 = arith.index_cast %parallel_loop3A_686 : i32 to index
        %parallel_loop3A_716 = arith.constant 32 : index
        %parallel_loop3A_717 = tpu.vector_load %arg8[%parallel_loop3A_715, %parallel_loop3A_716] {strides = array<i32>} : memref<59x128xf32, #tpu.memory_space<vmem>>, vector<16xf32>,
        tpu.vector_store %arg8[%parallel_loop3A_715, %parallel_loop3A_716], %parallel_loop3A_713 {strides = array<i32>} : memref<59x128xf32, #tpu.memory_space<vmem>>, vector<16xf32>,
        %parallel_loop3A_718 = arith.index_cast %parallel_loop3A_686 : i32 to index
        %parallel_loop3A_719 = arith.constant 48 : index
        %parallel_loop3A_720 = tpu.vector_load %arg8[%parallel_loop3A_718, %parallel_loop3A_719] {strides = array<i32>} : memref<59x128xf32, #tpu.memory_space<vmem>>, vector<16xf32>,
        tpu.vector_store %arg8[%parallel_loop3A_718, %parallel_loop3A_719], %parallel_loop3A_714 {strides = array<i32>} : memref<59x128xf32, #tpu.memory_space<vmem>>, vector<16xf32>,
        %parallel_loop3A_721 = arith.constant 32 : i32
        %parallel_loop3A_722 = arith.addi %parallel_loop3A_690, %parallel_loop3A_721 : i32
        %parallel_loop3A_723 = arith.index_cast %parallel_loop3A_722 : i32 to index
        %parallel_loop3A_724 = tpu.vector_load %arg5[%parallel_loop3A_723] {strides = array<i32>} : memref<18880xi32, #tpu.memory_space<vmem>>, vector<16xi32>,
        %parallel_loop3A_725 = vector.bitcast %parallel_loop3A_724 : vector<16xi32> to vector<32xi16>
        %parallel_loop3A_726 = tpu.unpack_subelements %parallel_loop3A_725, 0 {pack_format = #tpu.pack_format<interleaved>} : vector<32xi16> -> vector<16xi32>
        %parallel_loop3A_727 = tpu.unpack_subelements %parallel_loop3A_725, 1 {pack_format = #tpu.pack_format<interleaved>} : vector<32xi16> -> vector<16xi32>
        %parallel_loop3A_728 = tpu.vector_load_idx %arg6[%parallel_loop3A_726, %add3A_28] : memref<540x128xf32, #tpu.memory_space<vmem>>[vector<16xi32>, vector<16xi32>], vector<16xf32>,
        %parallel_loop3A_729 = tpu.vector_load_idx %arg6[%parallel_loop3A_727, %add3A_32] : memref<540x128xf32, #tpu.memory_space<vmem>>[vector<16xi32>, vector<16xi32>], vector<16xf32>,
        %parallel_loop3A_730 = arith.index_cast %parallel_loop3A_686 : i32 to index
        %parallel_loop3A_731 = arith.constant 64 : index
        %parallel_loop3A_732 = tpu.vector_load %arg8[%parallel_loop3A_730, %parallel_loop3A_731] {strides = array<i32>} : memref<59x128xf32, #tpu.memory_space<vmem>>, vector<16xf32>,
        tpu.vector_store %arg8[%parallel_loop3A_730, %parallel_loop3A_731], %parallel_loop3A_728 {strides = array<i32>} : memref<59x128xf32, #tpu.memory_space<vmem>>, vector<16xf32>,
        %parallel_loop3A_733 = arith.index_cast %parallel_loop3A_686 : i32 to index
        %parallel_loop3A_734 = arith.constant 80 : index
        %parallel_loop3A_735 = tpu.vector_load %arg8[%parallel_loop3A_733, %parallel_loop3A_734] {strides = array<i32>} : memref<59x128xf32, #tpu.memory_space<vmem>>, vector<16xf32>,
        tpu.vector_store %arg8[%parallel_loop3A_733, %parallel_loop3A_734], %parallel_loop3A_729 {strides = array<i32>} : memref<59x128xf32, #tpu.memory_space<vmem>>, vector<16xf32>,
        %parallel_loop3A_736 = arith.constant 48 : i32
        %parallel_loop3A_737 = arith.addi %parallel_loop3A_690, %parallel_loop3A_736 : i32
        %parallel_loop3A_738 = arith.index_cast %parallel_loop3A_737 : i32 to index
        %parallel_loop3A_739 = tpu.vector_load %arg5[%parallel_loop3A_738] {strides = array<i32>} : memref<18880xi32, #tpu.memory_space<vmem>>, vector<16xi32>,
        %parallel_loop3A_740 = vector.bitcast %parallel_loop3A_739 : vector<16xi32> to vector<32xi16>
        %parallel_loop3A_741 = tpu.unpack_subelements %parallel_loop3A_740, 0 {pack_format = #tpu.pack_format<interleaved>} : vector<32xi16> -> vector<16xi32>
        %parallel_loop3A_742 = tpu.unpack_subelements %parallel_loop3A_740, 1 {pack_format = #tpu.pack_format<interleaved>} : vector<32xi16> -> vector<16xi32>
        %parallel_loop3A_743 = tpu.vector_load_idx %arg6[%parallel_loop3A_741, %add3A_36] : memref<540x128xf32, #tpu.memory_space<vmem>>[vector<16xi32>, vector<16xi32>], vector<16xf32>,
        %parallel_loop3A_744 = tpu.vector_load_idx %arg6[%parallel_loop3A_742, %add3A_40] : memref<540x128xf32, #tpu.memory_space<vmem>>[vector<16xi32>, vector<16xi32>], vector<16xf32>,
        %parallel_loop3A_745 = arith.index_cast %parallel_loop3A_686 : i32 to index
        %parallel_loop3A_746 = arith.constant 96 : index
        %parallel_loop3A_747 = tpu.vector_load %arg8[%parallel_loop3A_745, %parallel_loop3A_746] {strides = array<i32>} : memref<59x128xf32, #tpu.memory_space<vmem>>, vector<16xf32>,
        tpu.vector_store %arg8[%parallel_loop3A_745, %parallel_loop3A_746], %parallel_loop3A_743 {strides = array<i32>} : memref<59x128xf32, #tpu.memory_space<vmem>>, vector<16xf32>,
        %parallel_loop3A_748 = arith.index_cast %parallel_loop3A_686 : i32 to index
        %parallel_loop3A_749 = arith.constant 112 : index
        %parallel_loop3A_750 = tpu.vector_load %arg8[%parallel_loop3A_748, %parallel_loop3A_749] {strides = array<i32>} : memref<59x128xf32, #tpu.memory_space<vmem>>, vector<16xf32>,
        tpu.vector_store %arg8[%parallel_loop3A_748, %parallel_loop3A_749], %parallel_loop3A_744 {strides = array<i32>} : memref<59x128xf32, #tpu.memory_space<vmem>>, vector<16xf32>,
      } {sc.loop_unroll_factor = 2 : i64, sc.parallel_access}
      %dma_start3A_665 = arith.constant 177 : i32
      %dma_start3A_666 = tpu.memref_slice %arg4[%dma_start3A_665, %add3A_60, %mul3A_4] : memref<295x96x256xf32, #tpu.memory_space<hbm>> -> memref<59x1x128xf32, #tpu.memory_space<hbm>>
      %dma_start3A_667 = tpu.memref_squeeze %dma_start3A_666 : memref<59x1x128xf32, #tpu.memory_space<hbm>> -> memref<59x128xf32, #tpu.memory_space<hbm>>
      %dma_start3A_668 = arith.constant 177 : i32
      %dma_start3A_669 = tpu.memref_slice %arg4[%dma_start3A_668, %add3A_60, %mul3A_4] : memref<295x96x256xf32, #tpu.memory_space<hbm>> -> memref<59x1x128xf32, #tpu.memory_space<hbm>>
      %dma_start3A_670 = tpu.memref_squeeze %dma_start3A_669 : memref<59x1x128xf32, #tpu.memory_space<hbm>> -> memref<59x128xf32, #tpu.memory_space<hbm>>
      tpu.enqueue_dma source(%arg8 : memref<59x128xf32, #tpu.memory_space<vmem>>) target(%dma_start3A_670 : memref<59x128xf32, #tpu.memory_space<hbm>>) target_semaphore(%arg11 : memref<!tpu.dma_semaphore, #tpu.memory_space<semaphore_mem>>)
      %dma_wait3A_671 = arith.constant 0 : i32
      %dma_wait3A_672 = tpu.memref_slice %arg4[%dma_wait3A_671, %add3A_60, %mul3A_4] : memref<295x96x256xf32, #tpu.memory_space<hbm>> -> memref<59x1x128xf32, #tpu.memory_space<hbm>>
      %dma_wait3A_673 = tpu.memref_squeeze %dma_wait3A_672 : memref<59x1x128xf32, #tpu.memory_space<hbm>> -> memref<59x128xf32, #tpu.memory_space<hbm>>
      %dma_wait3A_674 = arith.constant 0 : i32
      %dma_wait3A_675 = tpu.memref_slice %arg4[%dma_wait3A_674, %add3A_60, %mul3A_4] : memref<295x96x256xf32, #tpu.memory_space<hbm>> -> memref<59x1x128xf32, #tpu.memory_space<hbm>>
      %dma_wait3A_676 = tpu.memref_squeeze %dma_wait3A_675 : memref<59x1x128xf32, #tpu.memory_space<hbm>> -> memref<59x128xf32, #tpu.memory_space<hbm>>
      tpu.wait_dma2 semaphore(%arg10 : memref<!tpu.dma_semaphore, #tpu.memory_space<semaphore_mem>>) src(%arg7 : memref<59x128xf32, #tpu.memory_space<vmem>>) dst(%dma_wait3A_676 : memref<59x128xf32, #tpu.memory_space<hbm>>)
      %parallel_loop3A_677 = arith.constant 0 : i32
      %parallel_loop3A_678 = arith.constant 59 : i32
      %parallel_loop3A_679 = arith.constant 1 : i32
      scf.for %parallel_loop3A_686 = %parallel_loop3A_677 to %parallel_loop3A_678 step %parallel_loop3A_679  : i32 {
        %parallel_loop3A_687 = arith.constant 236 : i32
        %parallel_loop3A_688 = arith.addi %parallel_loop3A_687, %parallel_loop3A_686 : i32
        %parallel_loop3A_689 = arith.constant 64 : i32
        %parallel_loop3A_690 = arith.muli %parallel_loop3A_688, %parallel_loop3A_689 : i32
        %parallel_loop3A_691 = arith.constant 0 : i32
        %parallel_loop3A_692 = arith.addi %parallel_loop3A_690, %parallel_loop3A_691 : i32
        %parallel_loop3A_693 = arith.index_cast %parallel_loop3A_692 : i32 to index
        %parallel_loop3A_694 = tpu.vector_load %arg5[%parallel_loop3A_693] {strides = array<i32>} : memref<18880xi32, #tpu.memory_space<vmem>>, vector<16xi32>,
        %parallel_loop3A_695 = vector.bitcast %parallel_loop3A_694 : vector<16xi32> to vector<32xi16>
        %parallel_loop3A_696 = tpu.unpack_subelements %parallel_loop3A_695, 0 {pack_format = #tpu.pack_format<interleaved>} : vector<32xi16> -> vector<16xi32>
        %parallel_loop3A_697 = tpu.unpack_subelements %parallel_loop3A_695, 1 {pack_format = #tpu.pack_format<interleaved>} : vector<32xi16> -> vector<16xi32>
        %parallel_loop3A_698 = tpu.vector_load_idx %arg6[%parallel_loop3A_696, %add3A_12] : memref<540x128xf32, #tpu.memory_space<vmem>>[vector<16xi32>, vector<16xi32>], vector<16xf32>,
        %parallel_loop3A_699 = tpu.vector_load_idx %arg6[%parallel_loop3A_697, %add3A_16] : memref<540x128xf32, #tpu.memory_space<vmem>>[vector<16xi32>, vector<16xi32>], vector<16xf32>,
        %parallel_loop3A_700 = arith.index_cast %parallel_loop3A_686 : i32 to index
        %parallel_loop3A_701 = arith.constant 0 : index
        %parallel_loop3A_702 = tpu.vector_load %arg7[%parallel_loop3A_700, %parallel_loop3A_701] {strides = array<i32>} : memref<59x128xf32, #tpu.memory_space<vmem>>, vector<16xf32>,
        tpu.vector_store %arg7[%parallel_loop3A_700, %parallel_loop3A_701], %parallel_loop3A_698 {strides = array<i32>} : memref<59x128xf32, #tpu.memory_space<vmem>>, vector<16xf32>,
        %parallel_loop3A_703 = arith.index_cast %parallel_loop3A_686 : i32 to index
        %parallel_loop3A_704 = arith.constant 16 : index
        %parallel_loop3A_705 = tpu.vector_load %arg7[%parallel_loop3A_703, %parallel_loop3A_704] {strides = array<i32>} : memref<59x128xf32, #tpu.memory_space<vmem>>, vector<16xf32>,
        tpu.vector_store %arg7[%parallel_loop3A_703, %parallel_loop3A_704], %parallel_loop3A_699 {strides = array<i32>} : memref<59x128xf32, #tpu.memory_space<vmem>>, vector<16xf32>,
        %parallel_loop3A_706 = arith.constant 16 : i32
        %parallel_loop3A_707 = arith.addi %parallel_loop3A_690, %parallel_loop3A_706 : i32
        %parallel_loop3A_708 = arith.index_cast %parallel_loop3A_707 : i32 to index
        %parallel_loop3A_709 = tpu.vector_load %arg5[%parallel_loop3A_708] {strides = array<i32>} : memref<18880xi32, #tpu.memory_space<vmem>>, vector<16xi32>,
        %parallel_loop3A_710 = vector.bitcast %parallel_loop3A_709 : vector<16xi32> to vector<32xi16>
        %parallel_loop3A_711 = tpu.unpack_subelements %parallel_loop3A_710, 0 {pack_format = #tpu.pack_format<interleaved>} : vector<32xi16> -> vector<16xi32>
        %parallel_loop3A_712 = tpu.unpack_subelements %parallel_loop3A_710, 1 {pack_format = #tpu.pack_format<interleaved>} : vector<32xi16> -> vector<16xi32>
        %parallel_loop3A_713 = tpu.vector_load_idx %arg6[%parallel_loop3A_711, %add3A_20] : memref<540x128xf32, #tpu.memory_space<vmem>>[vector<16xi32>, vector<16xi32>], vector<16xf32>,
        %parallel_loop3A_714 = tpu.vector_load_idx %arg6[%parallel_loop3A_712, %add3A_24] : memref<540x128xf32, #tpu.memory_space<vmem>>[vector<16xi32>, vector<16xi32>], vector<16xf32>,
        %parallel_loop3A_715 = arith.index_cast %parallel_loop3A_686 : i32 to index
        %parallel_loop3A_716 = arith.constant 32 : index
        %parallel_loop3A_717 = tpu.vector_load %arg7[%parallel_loop3A_715, %parallel_loop3A_716] {strides = array<i32>} : memref<59x128xf32, #tpu.memory_space<vmem>>, vector<16xf32>,
        tpu.vector_store %arg7[%parallel_loop3A_715, %parallel_loop3A_716], %parallel_loop3A_713 {strides = array<i32>} : memref<59x128xf32, #tpu.memory_space<vmem>>, vector<16xf32>,
        %parallel_loop3A_718 = arith.index_cast %parallel_loop3A_686 : i32 to index
        %parallel_loop3A_719 = arith.constant 48 : index
        %parallel_loop3A_720 = tpu.vector_load %arg7[%parallel_loop3A_718, %parallel_loop3A_719] {strides = array<i32>} : memref<59x128xf32, #tpu.memory_space<vmem>>, vector<16xf32>,
        tpu.vector_store %arg7[%parallel_loop3A_718, %parallel_loop3A_719], %parallel_loop3A_714 {strides = array<i32>} : memref<59x128xf32, #tpu.memory_space<vmem>>, vector<16xf32>,
        %parallel_loop3A_721 = arith.constant 32 : i32
        %parallel_loop3A_722 = arith.addi %parallel_loop3A_690, %parallel_loop3A_721 : i32
        %parallel_loop3A_723 = arith.index_cast %parallel_loop3A_722 : i32 to index
        %parallel_loop3A_724 = tpu.vector_load %arg5[%parallel_loop3A_723] {strides = array<i32>} : memref<18880xi32, #tpu.memory_space<vmem>>, vector<16xi32>,
        %parallel_loop3A_725 = vector.bitcast %parallel_loop3A_724 : vector<16xi32> to vector<32xi16>
        %parallel_loop3A_726 = tpu.unpack_subelements %parallel_loop3A_725, 0 {pack_format = #tpu.pack_format<interleaved>} : vector<32xi16> -> vector<16xi32>
        %parallel_loop3A_727 = tpu.unpack_subelements %parallel_loop3A_725, 1 {pack_format = #tpu.pack_format<interleaved>} : vector<32xi16> -> vector<16xi32>
        %parallel_loop3A_728 = tpu.vector_load_idx %arg6[%parallel_loop3A_726, %add3A_28] : memref<540x128xf32, #tpu.memory_space<vmem>>[vector<16xi32>, vector<16xi32>], vector<16xf32>,
        %parallel_loop3A_729 = tpu.vector_load_idx %arg6[%parallel_loop3A_727, %add3A_32] : memref<540x128xf32, #tpu.memory_space<vmem>>[vector<16xi32>, vector<16xi32>], vector<16xf32>,
        %parallel_loop3A_730 = arith.index_cast %parallel_loop3A_686 : i32 to index
        %parallel_loop3A_731 = arith.constant 64 : index
        %parallel_loop3A_732 = tpu.vector_load %arg7[%parallel_loop3A_730, %parallel_loop3A_731] {strides = array<i32>} : memref<59x128xf32, #tpu.memory_space<vmem>>, vector<16xf32>,
        tpu.vector_store %arg7[%parallel_loop3A_730, %parallel_loop3A_731], %parallel_loop3A_728 {strides = array<i32>} : memref<59x128xf32, #tpu.memory_space<vmem>>, vector<16xf32>,
        %parallel_loop3A_733 = arith.index_cast %parallel_loop3A_686 : i32 to index
        %parallel_loop3A_734 = arith.constant 80 : index
        %parallel_loop3A_735 = tpu.vector_load %arg7[%parallel_loop3A_733, %parallel_loop3A_734] {strides = array<i32>} : memref<59x128xf32, #tpu.memory_space<vmem>>, vector<16xf32>,
        tpu.vector_store %arg7[%parallel_loop3A_733, %parallel_loop3A_734], %parallel_loop3A_729 {strides = array<i32>} : memref<59x128xf32, #tpu.memory_space<vmem>>, vector<16xf32>,
        %parallel_loop3A_736 = arith.constant 48 : i32
        %parallel_loop3A_737 = arith.addi %parallel_loop3A_690, %parallel_loop3A_736 : i32
        %parallel_loop3A_738 = arith.index_cast %parallel_loop3A_737 : i32 to index
        %parallel_loop3A_739 = tpu.vector_load %arg5[%parallel_loop3A_738] {strides = array<i32>} : memref<18880xi32, #tpu.memory_space<vmem>>, vector<16xi32>,
        %parallel_loop3A_740 = vector.bitcast %parallel_loop3A_739 : vector<16xi32> to vector<32xi16>
        %parallel_loop3A_741 = tpu.unpack_subelements %parallel_loop3A_740, 0 {pack_format = #tpu.pack_format<interleaved>} : vector<32xi16> -> vector<16xi32>
        %parallel_loop3A_742 = tpu.unpack_subelements %parallel_loop3A_740, 1 {pack_format = #tpu.pack_format<interleaved>} : vector<32xi16> -> vector<16xi32>
        %parallel_loop3A_743 = tpu.vector_load_idx %arg6[%parallel_loop3A_741, %add3A_36] : memref<540x128xf32, #tpu.memory_space<vmem>>[vector<16xi32>, vector<16xi32>], vector<16xf32>,
        %parallel_loop3A_744 = tpu.vector_load_idx %arg6[%parallel_loop3A_742, %add3A_40] : memref<540x128xf32, #tpu.memory_space<vmem>>[vector<16xi32>, vector<16xi32>], vector<16xf32>,
        %parallel_loop3A_745 = arith.index_cast %parallel_loop3A_686 : i32 to index
        %parallel_loop3A_746 = arith.constant 96 : index
        %parallel_loop3A_747 = tpu.vector_load %arg7[%parallel_loop3A_745, %parallel_loop3A_746] {strides = array<i32>} : memref<59x128xf32, #tpu.memory_space<vmem>>, vector<16xf32>,
        tpu.vector_store %arg7[%parallel_loop3A_745, %parallel_loop3A_746], %parallel_loop3A_743 {strides = array<i32>} : memref<59x128xf32, #tpu.memory_space<vmem>>, vector<16xf32>,
        %parallel_loop3A_748 = arith.index_cast %parallel_loop3A_686 : i32 to index
        %parallel_loop3A_749 = arith.constant 112 : index
        %parallel_loop3A_750 = tpu.vector_load %arg7[%parallel_loop3A_748, %parallel_loop3A_749] {strides = array<i32>} : memref<59x128xf32, #tpu.memory_space<vmem>>, vector<16xf32>,
        tpu.vector_store %arg7[%parallel_loop3A_748, %parallel_loop3A_749], %parallel_loop3A_744 {strides = array<i32>} : memref<59x128xf32, #tpu.memory_space<vmem>>, vector<16xf32>,
      } {sc.loop_unroll_factor = 2 : i64, sc.parallel_access}
      %dma_start3A_680 = arith.constant 236 : i32
      %dma_start3A_681 = tpu.memref_slice %arg4[%dma_start3A_680, %add3A_60, %mul3A_4] : memref<295x96x256xf32, #tpu.memory_space<hbm>> -> memref<59x1x128xf32, #tpu.memory_space<hbm>>
      %dma_start3A_682 = tpu.memref_squeeze %dma_start3A_681 : memref<59x1x128xf32, #tpu.memory_space<hbm>> -> memref<59x128xf32, #tpu.memory_space<hbm>>
      %dma_start3A_683 = arith.constant 236 : i32
      %dma_start3A_684 = tpu.memref_slice %arg4[%dma_start3A_683, %add3A_60, %mul3A_4] : memref<295x96x256xf32, #tpu.memory_space<hbm>> -> memref<59x1x128xf32, #tpu.memory_space<hbm>>
      %dma_start3A_685 = tpu.memref_squeeze %dma_start3A_684 : memref<59x1x128xf32, #tpu.memory_space<hbm>> -> memref<59x128xf32, #tpu.memory_space<hbm>>
      tpu.enqueue_dma source(%arg7 : memref<59x128xf32, #tpu.memory_space<vmem>>) target(%dma_start3A_685 : memref<59x128xf32, #tpu.memory_space<hbm>>) target_semaphore(%arg10 : memref<!tpu.dma_semaphore, #tpu.memory_space<semaphore_mem>>)
    }
    %scan3A_45 = arith.constant 6 : i32
    %dma_wait3A = arith.constant 0 : i32
    %dma_wait3A_46 = tpu.memref_slice %arg4[%dma_wait3A, %div3A_2, %mul3A_4] : memref<295x96x256xf32, #tpu.memory_space<hbm>> -> memref<59x1x128xf32, #tpu.memory_space<hbm>>
    %dma_wait3A_47 = tpu.memref_squeeze %dma_wait3A_46 : memref<59x1x128xf32, #tpu.memory_space<hbm>> -> memref<59x128xf32, #tpu.memory_space<hbm>>
    %dma_wait3A_48 = arith.constant 0 : i32
    %dma_wait3A_49 = tpu.memref_slice %arg4[%dma_wait3A_48, %div3A_2, %mul3A_4] : memref<295x96x256xf32, #tpu.memory_space<hbm>> -> memref<59x1x128xf32, #tpu.memory_space<hbm>>
    %dma_wait3A_50 = tpu.memref_squeeze %dma_wait3A_49 : memref<59x1x128xf32, #tpu.memory_space<hbm>> -> memref<59x128xf32, #tpu.memory_space<hbm>>
    tpu.wait_dma2 semaphore(%arg10 : memref<!tpu.dma_semaphore, #tpu.memory_space<semaphore_mem>>) src(%arg7 : memref<59x128xf32, #tpu.memory_space<vmem>>) dst(%dma_wait3A_50 : memref<59x128xf32, #tpu.memory_space<hbm>>)
    %dma_wait3A_51 = arith.constant 0 : i32
    %dma_wait3A_52 = tpu.memref_slice %arg4[%dma_wait3A_51, %div3A_2, %mul3A_4] : memref<295x96x256xf32, #tpu.memory_space<hbm>> -> memref<59x1x128xf32, #tpu.memory_space<hbm>>
    %dma_wait3A_53 = tpu.memref_squeeze %dma_wait3A_52 : memref<59x1x128xf32, #tpu.memory_space<hbm>> -> memref<59x128xf32, #tpu.memory_space<hbm>>
    %dma_wait3A_54 = arith.constant 0 : i32
    %dma_wait3A_55 = tpu.memref_slice %arg4[%dma_wait3A_54, %div3A_2, %mul3A_4] : memref<295x96x256xf32, #tpu.memory_space<hbm>> -> memref<59x1x128xf32, #tpu.memory_space<hbm>>
    %dma_wait3A_56 = tpu.memref_squeeze %dma_wait3A_55 : memref<59x1x128xf32, #tpu.memory_space<hbm>> -> memref<59x128xf32, #tpu.memory_space<hbm>>
    tpu.wait_dma2 semaphore(%arg11 : memref<!tpu.dma_semaphore, #tpu.memory_space<semaphore_mem>>) src(%arg8 : memref<59x128xf32, #tpu.memory_space<vmem>>) dst(%dma_wait3A_56 : memref<59x128xf32, #tpu.memory_space<hbm>>)
    return
  }
}

</mosaic_0001>

<sc_bundles>
// kernel: kernel.3.cloned.1.call-start
scs
__scs_entry_jumppad:
0x0: {  	(pc) =	sbr.rel $0x88, $3  }
0x1: {  	(tag) =	ssettag $0x0;
	lr =	simm.s32 $0x1  }
0x2: {  	[smem:$0x3FA0] =	sst lr;
	_ =	strace $0xD0000000  }
0x3: {  	_ = 	snop  }
0x4: {  	_ = 	snop  }
0x5: {  	_ = 	snop  }
0x6: {  	_ = 	snop  }
0x7: {  	_ = 	snop  }
__scs_overlays_trampoline_lowered:
0x8: {  	[smem:$0x3FAF] =	sst s0  }
0x9: {  	[smem:$0x3FB0] =	sst s1  }
0xa: {  	[smem:$0x3FB1] =	sst s2  }
0xb: {  	[smem:$0x3FB2] =	sst s3  }
0xc: {  	[smem:$0x3FB3] =	sst s4  }
0xd: {  	[smem:$0x3FB4] =	sst s5  }
0xe: {  	[smem:$0x3FB5] =	sst s6  }
0xf: {  	[smem:$0x3FB6] =	sst s7  }
0x10: {  	[smem:$0x3FB7] =	sst s8  }
0x11: {  	[smem:$0x3FB8] =	sst s9;
	s0 =	simm.s32 @!p0 $0x0  }
0x12: {  	s1 =	sld [smem:$0x3F9E];
	s0 =	simm.s32 @p0 $0x1  }
0x13: {  	[smem:$0x3FB9] =	sst s0;
	s0 =	simm.s32 @!p1 $0x0  }
0x14: {  	s2 =	sld [smem:$0x3F9D];
	s0 =	simm.s32 @p1 $0x1  }
0x15: {  	[smem:$0x3FBA] =	sst s0;
	s0 =	simm.s32 @!p2 $0x0  }
0x16: {  	s3 =	sld [smem:$0x3FDB];
	s0 =	simm.s32 @p2 $0x1  }
0x17: {  	s4 =	simm.s32 $0x1BF5;
	[smem:$0x3FBC] =	sst s0  }
0x18: {  	s0 =	sld [smem:$0x3F9F];
	_ =	swait.ge [sflag:s4], $0x0  }
0x19: {  	s7 =	sld [smem:$0x3FA0]  }
0x1a: {  	s8 =	sadd.s32 $0xFFFFE003, lr  }
0x1b: {  	s9 =	sadd.s32 $0xFFFFFEF7, lr;
	s5 =	simm.s32 $0xFFFFFFFF;
	p2 =	slt.u32 s8, $0xFFFFF086  }
0x1c: {  	p1 =	slt.u32 s9, $0xF7A;
	s5 =	simm.s32 @!p2 $0x0  }
0x1d: {  	s5 =	simm.s32 @p1 $0x1;
	p0 =	seq.s32 s7, s2  }
0x1e: {  	s7 =	smul.u32 @!p0 $0xF7A, s2;
	p2 =	seq.s32 @!p0 s5, $0x0  }
0x1f: {  	s9 =	smul.u32 $0xF7A, s1;
	s8 =	simm.s32 @!p0 $0x1BF5;
	p2 =	por !p2, p0  }
0x20: {  	[sflag:s8] =	ssyncset.s32 @!p0 $0xFFFFF086;
	s6 =	sadd.s32 @!p0 s3, s7;
	s7 =	simm.s32 @!p0 $0x108  }
0x21: {  	s3 =	sadd.s32 s3, s9;
	s6 =	sadd.s32 @!p0 $0x88, s6;
	s7 =	simm.s32 @p2 $0x1082  }
0x22: {  	[simem:s7], [sflag:s8] =	dma.local @!p0 [hbm:s6], $0xF7A  }
0x23: {  	s9 =	sor.u32 $0xD0000000, s2;
	s6 =	simm.s32 $0x108;
	_ =	swait.ge @!p0 [sflag:s8], $0x0  }
0x24: {  	s3 =	sadd.s32 $0x88, s3;
	s6 =	simm.s32 @!p1 $0x1082;
	[sflag:s4] =	ssyncset.s32 $0xFFFFF086  }
0x25: {  	[simem:s6], [sflag:s4] =	dma.local [hbm:s3], $0xF7A  }
0x26: {  	[smem:$0x3FA0] =	sst s1;
	(tag) =	ssettag s2;
	_ =	strace s9  }
0x27: {  	s1 =	sld [smem:$0x3FB0]  }
0x28: {  	s2 =	sld [smem:$0x3FB1]  }
0x29: {  	s4 =	sld [smem:$0x3FB3]  }
0x2a: {  	p0 =	seq.s32 s5, $0x0;
	s5 =	sld [smem:$0x3FB4]  }
0x2b: {  	s6 =	sld [smem:$0x3FB5]  }
0x2c: {  	s7 =	sld [smem:$0x3FB6]  }
0x2d: {  	s3 =	simm.s32 $0x108;
	s8 =	sld [smem:$0x3FB7]  }
0x2e: {  	s3 =	simm.s32 @!p0 $0x1082;
	s9 =	sld [smem:$0x3FB8]  }
0x2f: {  	lr =	sadd.s32 s0, s3;
	s0 =	sld [smem:$0x3FAF]  }
0x30: {  	s3 =	sld [smem:$0x3FB2]  }
0x31: {  	[smem:$0x3FBB] =	sst s10  }
0x32: {  	s10 =	sld [smem:$0x3FB9];
	_ =	sdelay $0x3  }
0x33: {  	p0 =	seq.s32 s10, $0x1;
	s10 =	sld [smem:$0x3FBB];
	_ =	sdelay $0x3  }
0x34: {  	[smem:$0x3FBB] =	sst s10  }
0x35: {  	s10 =	sld [smem:$0x3FBA];
	_ =	sdelay $0x3  }
0x36: {  	p1 =	seq.s32 s10, $0x1;
	s10 =	sld [smem:$0x3FBB];
	_ =	sdelay $0x3  }
0x37: {  	[smem:$0x3FBB] =	sst s10  }
0x38: {  	s10 =	sld [smem:$0x3FBC]  }
0x39: {  	_ = 	snop;
	(pc) =	sbr.ind lr, $3  }
0x3a: {  	_ = 	snop  }
0x3b: {  	_ = 	snop  }
0x3c: {  	p2 =	seq.s32 s10, $0x1;
	s10 =	sld [smem:$0x3FBB]  }
0x3d: {  	_ =	shalt  }
0x3e: {  	_ =	shalt  }
0x3f: {  	_ =	shalt  }
0x40: {  	_ =	shalt  }
0x41: {  	_ =	shalt  }
0x42: {  	_ =	shalt  }
0x43: {  	_ =	shalt  }
0x44: {  	_ =	shalt  }
0x45: {  	_ =	shalt  }
0x46: {  	_ =	shalt  }
0x47: {  	_ =	shalt  }
0x48: {  	_ =	shalt  }
0x49: {  	_ =	shalt  }
0x4a: {  	_ =	shalt  }
0x4b: {  	_ =	shalt  }
0x4c: {  	_ =	shalt  }
0x4d: {  	_ =	shalt  }
0x4e: {  	_ =	shalt  }
0x4f: {  	_ =	shalt  }
0x50: {  	_ =	shalt  }
0x51: {  	_ =	shalt  }
0x52: {  	_ =	shalt  }
0x53: {  	_ =	shalt  }
0x54: {  	_ =	shalt  }
0x55: {  	_ =	shalt  }
0x56: {  	_ =	shalt  }
0x57: {  	_ =	shalt  }
0x58: {  	_ =	shalt  }
0x59: {  	_ =	shalt  }
0x5a: {  	_ =	shalt  }
0x5b: {  	_ =	shalt  }
0x5c: {  	_ =	shalt  }
0x5d: {  	_ =	shalt  }
0x5e: {  	_ =	shalt  }
0x5f: {  	_ =	shalt  }
0x60: {  	_ =	shalt  }
0x61: {  	_ =	shalt  }
0x62: {  	_ =	shalt  }
0x63: {  	_ =	shalt  }
0x64: {  	_ =	shalt  }
0x65: {  	_ =	shalt  }
0x66: {  	_ =	shalt  }
0x67: {  	_ =	shalt  }
0x68: {  	_ =	shalt  }
0x69: {  	_ =	shalt  }
0x6a: {  	_ =	shalt  }
0x6b: {  	_ =	shalt  }
0x6c: {  	_ =	shalt  }
0x6d: {  	_ =	shalt  }
0x6e: {  	_ =	shalt  }
0x6f: {  	_ =	shalt  }
0x70: {  	_ =	shalt  }
0x71: {  	_ =	shalt  }
0x72: {  	_ =	shalt  }
0x73: {  	_ =	shalt  }
0x74: {  	_ =	shalt  }
0x75: {  	_ =	shalt  }
0x76: {  	_ =	shalt  }
0x77: {  	_ =	shalt  }
0x78: {  	_ =	shalt  }
0x79: {  	_ =	shalt  }
0x7a: {  	_ =	shalt  }
0x7b: {  	_ =	shalt  }
0x7c: {  	_ =	shalt  }
0x7d: {  	_ =	shalt  }
0x7e: {  	_ =	shalt  }
0x7f: {  	_ =	shalt  }
0x80: {  	_ =	shalt  }
0x81: {  	_ =	shalt  }
0x82: {  	_ =	shalt  }
0x83: {  	_ =	shalt  }
0x84: {  	_ =	shalt  }
0x85: {  	_ =	shalt  }
0x86: {  	_ =	shalt  }
0x87: {  	_ =	shalt  }
.Lfunc_end0:
.L_simem_size_0:
called_computation_lowered:
.L_overlay_start_0:
0x88: {  	s2 =	sld [smem:$0x3FD9]  }
0x89: {  	s3 =	sld [smem:$0x3FFE];
	_ =	sdelay $0x1  }
0x8a: {  	s1 =	srdreg.scid  }
0x8b: {  	s0 =	sand.u32 $0x1, s1  }
0x8c: {  	s15 =	sshll.u32 s0, $0xA;
	s2 =	sadd.s32 s3, s2  }
0x8d: {  	s2 =	sadd.s32 s2, s15  }
0x8e: {  	[smem:$0x3FC7] =	sst s2  }
0x8f: {  	_ = 	snop  }
0x90: {  	s2 =	sld [smem:$0x3FD0];
	_ =	sdelay $0x2  }
0x91: {  	s4 =	simm.s32 $0xA;
	s5 =	simm.s32 $0x10;
	s16 =	sld [smem:$0x3FC9]  }
0x92: {  	[smem:s5], [sflag:s4] =	dma.local [hbm:s2], $0x1  }
0x93: {  	_ =	swait.eq [sflag:s4], $0x1  }
0x94: {  	[sflag:s4] =	ssyncset.done $0x0  }
0x95: {  	s17 =	sld [smem:$0x10];
	[sflag:s4] =	ssyncadd.s32 $0xFFFFFFFF  }
0x96: {  	s18 =	sld [smem:$0x11];
	(tm) =	ssettm $0x1  }
0x97: {  	s19 =	sld [smem:$0x3FFB];
	_ =	sdelay $0x3  }
0x98: {  	_ =	strace s19  }
0x99: {  	s5 =	sld [smem:$0x3FFC];
	_ =	sdelay $0x3  }
0x9a: {  	_ =	strace s5  }
0x9b: {  	s5 =	sld [smem:$0x3FFD];
	_ =	sdelay $0x3  }
0x9c: {  	_ =	strace s5  }
0x9d: {  	_ =	strace $0x8FFFFFFF  }
0x9e: {  	s20 =	sld [smem:$0x3FDB];
	_ =	sdelay $0x1  }
0x9f: {  	s6 =	simm.s32 $_scs_section_size  }
0xa0: {  	s7 =	simm.s32 $_size__tile_overlayer_lowered;
	s8 =	simm.s32 $_tile_overlayer_lowered  }
0xa1: {  	s23 =	simm.s32 $0x1BFF;
	s22 =	sshll.u32 s8, $0x1;
	s5 =	sadd.s32 s6, s20  }
0xa2: {  	s9 =	simm.s32 $0x0;
	s21 =	sshll.u32 s7, $0x1;
	s7 =	sadd.s32 s22, s5  }
0xa3: {  	[timem:s9], [sflag:s23] =	dma.local [hbm:s7], s21  }
0xa4: {  	_ =	swait.ge [sflag:s23], s21  }
0xa5: {  	s6 =	ssub.s32 $0x0, s21;
	[sflag:s23] =	ssyncset.done $0x0  }
0xa6: {  	[sflag:s23] =	ssyncadd.s32 s6;
	_ =	sdelay $0x1  }
0xa7: {  	s24 =	simm.s32 $0x1B8B  }
0xa8: {  	_ =	swait.ge [sflag:s24], $0x1  }
0xa9: {  	[sflag:s24] =	ssyncset.done $0x0  }
0xaa: {  	s25 =	simm.s32 $0x1B8E;
	[sflag:s24] =	ssyncadd.s32 $0xFFFFFFFF  }
0xab: {  	s26 =	simm.s32 $execute0_lowered;
	[smem:$0x3FD2] =	sst s25  }
0xac: {  	s6 =	sshll.u32 s26, $0x1;
	_ =	strace $0x80000046;
	[dreg:$0x1] =	wrdreg $0xFFFFFFFF  }
0xad: {  	s28 =	simm.s32 $_size_execute0_lowered;
	s5 =	sadd.s32 s5, s6;
	[dreg:$0x0] =	wrdreg $0x0  }
0xae: {  	s6 =	sshll.u32 s28, $0x1;
	[dreg:$0x2] =	wrdreg s5  }
0xaf: {  	[dreg:$0x3] =	wrdreg s6  }
0xb0: {  	[dreg:$0x4] =	wrdreg $0xC0  }
0xb1: {  	_ =	task [dreg:s9], $0x5FFFF  }
0xb2: {  	[dreg:$0x1] =	wrdreg $0xFFFFFFFF  }
0xb3: {  	[dreg:$0x0] =	wrdreg $0x60  }
0xb4: {  	[dreg:$0x2] =	wrdreg s16  }
0xb5: {  	[dreg:$0x3] =	wrdreg s18  }
0xb6: {  	[dreg:$0x4] =	wrdreg s17  }
0xb7: {  	[dreg:$0x5] =	wrdreg $0x9  }
0xb8: {  	_ =	task.clear_ibuf [dreg:s9], $0x6FFFF;
	_ =	strace $0x90000046  }
0xb9: {  	s29 =	simm.s32 $0x9;
	_ =	strace $0x80000048  }
0xba: {  	_ =	swait.ge [sflag:s29], $0x1  }
0xbb: {  	[sflag:s29] =	ssyncadd.s32 $0xFFFFFFFF  }
0xbc: {  	_ =	strace $0x90000048  }
0xbd: {  	_ =	sfence  }
0xbe: {  	s30 =	sld [smem:$0x0];
	_ =	sdelay $0x2  }
0xbf: {  	s31 =	sshll.u32 s1, $0xD;
	s1 =	sshrl.u32 s1, $0x2  }
0xc0: {  	s3 =	sand.u32 $0x4000, s31;
	s1 =	sadd.s32 s1, s30  }
0xc1: {  	s0 =	sor.u32 s3, s0;
	s1 =	sshll.u32 s1, $0x11  }
0xc2: {  	s0 =	sor.u32 s1, s0  }
0xc3: {  	s0 =	sadd.s32 $0x8F2B, s0  }
0xc4: {  	[sflag:s0] =	ssyncadd.remote.s32 $0x1  }
0xc5: {  	_ =	sfence.sel $0xFFFF  }
0xc6: {  	[dreg:$0x0] =	wrdreg $0xFFFFFFFF;
	(pc) =	sbr.abs _section_cstart, $3  }
0xc7: {  	[dreg:$0x1] =	wrdreg $0xFFFFFFFF  }
0xc8: {  	_ =	task.clear_ibuf [dreg:s9], $0x2FFFF;
	_ =	strace $0x9FFFFFFF  }
0xc9: {  	(tm) =	ssettm $0x7FFFFFFF  }
tec
execute0_lowered:
.L_overlay_start_1:
0x0: {  	(tag) =	ssettag $0x1  }
0x1: {  	s1 =	rddreg [dreg:$0x0]  }
0x2: {  	s0 =	rddreg [dreg:$0x1]  }
0x3: {  	s2 =	rddreg [dreg:$0x2]  }
0x4: {  	s3 =	srdreg.scid;
	s4 =	simm.s32 $0x0;
	s7 =	stileid.u32  }
0x5: {  	s3 =	sand.u32 $0x1, s3;
	[smem:$0x7FF] =	sst s4;
	s6 =	sshll.u32 s7, $0x7  }
0x6: {  	s7 =	sshll.u32 s7, $0x8;
	s28 =	ssub.s32 $0x2, s3;
	_ =	strace $0x80000047  }
0x7: {  	s29 =	sshll.u32 s3, $0xA;
	s6 =	sand.u32 $0x380, s6;
	s3 =	sshll.u32 s3, $0x4  }
0x8: {  	s7 =	sand.u32 $0x800, s7;
	s5 =	sshrl.u32 s28, $0x1;
	s0 =	sadd.s32 s0, s3  }
0x9: {  	[dreg:$0x5] =	wrdreg s7;
	s4 =	ssub.s32 s28, s5;
	s5 =	sor.u32 s29, s6  }
0xa: {  	[dreg:$0x4] =	wrdreg s0;
	s8 =	sor.u32 $0x462000, s5  }
0xb: {  	s9 =	sor.u32 $0x522000, s5;
	[dreg:$0x6] =	wrdreg s8  }
0xc: {  	s10 =	sor.u32 $0x5E2000, s5;
	[dreg:$0x7] =	wrdreg s9  }
0xd: {  	s11 =	sor.u32 $0x6A2000, s5;
	[dreg:$0x8] =	wrdreg s10  }
0xe: {  	s12 =	sor.u32 $0x762000, s5;
	[dreg:$0x9] =	wrdreg s11  }
0xf: {  	s13 =	sor.u32 $0x822000, s5;
	[dreg:$0xa] =	wrdreg s12  }
0x10: {  	s14 =	sor.u32 $0x8E2000, s5;
	[dreg:$0xb] =	wrdreg s13  }
0x11: {  	s15 =	sor.u32 $0x9A2000, s5;
	[dreg:$0xc] =	wrdreg s14  }
0x12: {  	s16 =	sor.u32 $0xA62000, s5;
	[dreg:$0xd] =	wrdreg s15  }
0x13: {  	s17 =	sor.u32 $0xB22000, s5;
	[dreg:$0xe] =	wrdreg s16  }
0x14: {  	s18 =	sor.u32 $0xBE2000, s5;
	[dreg:$0xf] =	wrdreg s17  }
0x15: {  	s19 =	sor.u32 $0xCA2000, s5;
	[dreg:$0x10] =	wrdreg s18  }
0x16: {  	s20 =	sor.u32 $0xD62000, s5;
	[dreg:$0x11] =	wrdreg s19  }
0x17: {  	s21 =	sor.u32 $0xE22000, s5;
	[dreg:$0x12] =	wrdreg s20  }
0x18: {  	s22 =	sor.u32 $0xEE2000, s5;
	[dreg:$0x13] =	wrdreg s21  }
0x19: {  	s7 =	simm.s32 $0x4A00;
	s23 =	sor.u32 $0xFA2000, s5;
	[dreg:$0x14] =	wrdreg s22  }
0x1a: {  	s6 =	simm.s32 $0x80;
	s24 =	sor.u32 $0x1062000, s5;
	[dreg:$0x15] =	wrdreg s23  }
0x1b: {  	s25 =	smax.u32 s4, $0x1;
	s26 =	sor.u32 $0x1122000, s5;
	[dreg:$0x16] =	wrdreg s24  }
0x1c: {  	s28 =	sor.u32 $0x11E2000, s5;
	s29 =	sor.u32 $0x12A2000, s5;
	[dreg:$0x17] =	wrdreg s25  }
0x1d: {  	s30 =	sor.u32 $0x1362000, s5;
	s31 =	sor.u32 $0x1422000, s5;
	[dreg:$0x18] =	wrdreg s26  }
0x1e: {  	v0 =	vlaneseq.u32;
	s0 =	sor.u32 $0x162000, s5;
	s3 =	sor.u32 $0x2C4000, s5;
	[dreg:$0x19] =	wrdreg s28  }
0x1f: {  	v1 =	vor.u32 $0x10, v0;
	s4 =	sor.u32 $0x426000, s5;
	[dreg:$0x1a] =	wrdreg s29;
	s25 =	simm.s32 $0x6000  }
0x20: {  	v2 =	vor.u32 $0x20, v0;
	v3 =	vor.u32 $0x30, v0;
	v4 =	vor.u32 $0x40, v0;
	s8 =	simm.s32 $0x1;
	s9 =	simm.s32 $0x15A00;
	s10 =	simm.s32 $0x17A00  }
0x21: {  	v5 =	vor.u32 $0x50, v0;
	v6 =	vor.u32 $0x60, v0;
	v7 =	vor.u32 $0x70, v0;
	s11 =	simm.s32 $0x2;
	s12 =	simm.s32 $0x3;
	s14 =	simm.s32 $0x0  }
.LBB2_1:
0x22: {  	s13 =	simm.s32 $0x0;
	s29 =	rddreg [dreg:$0x4];
	s15 =	simm.s32 $0x100  }
0x23: {  	[tilespmem:s13], [sflag:$0x4] =	stream.strided.gather [hbm4b:s29+s6], $0x4A00, s15, s6, $0x38;
	[tilespmem:$0x19A00] =	vst v63  }
0x24: {  	[dreg:$0x1b] =	wrdreg s14;
	s13 =	simm.s32 $0x0  }
.LBB2_2:
0x25: {  	s14 =	sshll.u32 s13, $0xC;
	s15 =	rddreg [dreg:$0x5]  }
0x26: {  	s15 =	sor.u32 s15, s14  }
0x27: {  	s14 =	sor.u32 s15, s5  }
0x28: {  	s14 =	sshrl.u32 s14, $0x3  }
0x29: {  	s29 =	rddreg [dreg:$0x6];
	s16 =	sadd.s32 s1, s14  }
0x2a: {  	[tilespmem:s7], [sflag:$0x1] =	stream.strided.gather [hbm4b:s16+s6], $0x5280, s25, s6, $0x38;
	[tilespmem:$0x19A00] =	vst v63  }
0x2b: {  	s16 =	sadd.s32 s29, s15  }
0x2c: {  	s16 =	sshrl.u32 s16, $0x3  }
0x2d: {  	s17 =	simm.s32 $0x9C80;
	s16 =	sadd.s32 s1, s16  }
0x2e: {  	[tilespmem:s17], [sflag:$0x1] =	stream.strided.gather [hbm4b:s16+s6], $0x500, s25, s6, $0x38;
	[tilespmem:$0x19A00] =	vst v63  }
0x2f: {  	s17 =	rddreg [dreg:$0x7]  }
0x30: {  	s16 =	sadd.s32 s17, s15  }
0x31: {  	s16 =	sshrl.u32 s16, $0x3  }
0x32: {  	s18 =	simm.s32 $0xA180;
	s19 =	rddreg [dreg:$0x8];
	s16 =	sadd.s32 s1, s16  }
0x33: {  	[tilespmem:s18], [sflag:$0x1] =	stream.strided.gather [hbm4b:s16+s6], $0x500, s25, s6, $0x38;
	[tilespmem:$0x19A00] =	vst v63  }
0x34: {  	s16 =	sadd.s32 s19, s15  }
0x35: {  	s16 =	sshrl.u32 s16, $0x3  }
0x36: {  	s20 =	simm.s32 $0xA680;
	s21 =	rddreg [dreg:$0x9];
	s16 =	sadd.s32 s1, s16  }
0x37: {  	[tilespmem:s20], [sflag:$0x1] =	stream.strided.gather [hbm4b:s16+s6], $0x500, s25, s6, $0x38;
	[tilespmem:$0x19A00] =	vst v63  }
0x38: {  	s16 =	sadd.s32 s21, s15  }
0x39: {  	s16 =	sshrl.u32 s16, $0x3  }
0x3a: {  	s22 =	simm.s32 $0xAB80;
	s23 =	rddreg [dreg:$0xa];
	s16 =	sadd.s32 s1, s16  }
0x3b: {  	[tilespmem:s22], [sflag:$0x1] =	stream.strided.gather [hbm4b:s16+s6], $0x500, s25, s6, $0x38;
	[tilespmem:$0x19A00] =	vst v63  }
0x3c: {  	s16 =	sadd.s32 s23, s15  }
0x3d: {  	s16 =	sshrl.u32 s16, $0x3  }
0x3e: {  	s24 =	simm.s32 $0xB080;
	s26 =	rddreg [dreg:$0xb];
	s16 =	sadd.s32 s1, s16  }
0x3f: {  	[tilespmem:s24], [sflag:$0x1] =	stream.strided.gather [hbm4b:s16+s6], $0x500, s25, s6, $0x38;
	[tilespmem:$0x19A00] =	vst v63  }
0x40: {  	s16 =	sadd.s32 s26, s15  }
0x41: {  	s16 =	sshrl.u32 s16, $0x3  }
0x42: {  	s29 =	simm.s32 $0xB580;
	s17 =	rddreg [dreg:$0xc];
	s16 =	sadd.s32 s1, s16  }
0x43: {  	[tilespmem:s29], [sflag:$0x1] =	stream.strided.gather [hbm4b:s16+s6], $0x500, s25, s6, $0x38;
	[tilespmem:$0x19A00] =	vst v63  }
0x44: {  	s16 =	sadd.s32 s17, s15  }
0x45: {  	s16 =	sshrl.u32 s16, $0x3  }
0x46: {  	s18 =	simm.s32 $0xBA80;
	s19 =	rddreg [dreg:$0xd];
	s16 =	sadd.s32 s1, s16  }
0x47: {  	[tilespmem:s18], [sflag:$0x1] =	stream.strided.gather [hbm4b:s16+s6], $0x500, s25, s6, $0x38;
	[tilespmem:$0x19A00] =	vst v63  }
0x48: {  	s16 =	sadd.s32 s19, s15  }
0x49: {  	s16 =	sshrl.u32 s16, $0x3  }
0x4a: {  	s20 =	simm.s32 $0xBF80;
	s21 =	rddreg [dreg:$0xe];
	s16 =	sadd.s32 s1, s16  }
0x4b: {  	[tilespmem:s20], [sflag:$0x1] =	stream.strided.gather [hbm4b:s16+s6], $0x500, s25, s6, $0x38;
	[tilespmem:$0x19A00] =	vst v63  }
0x4c: {  	s16 =	sadd.s32 s21, s15  }
0x4d: {  	s16 =	sshrl.u32 s16, $0x3  }
0x4e: {  	s22 =	simm.s32 $0xC480;
	s23 =	rddreg [dreg:$0xf];
	s16 =	sadd.s32 s1, s16  }
0x4f: {  	[tilespmem:s22], [sflag:$0x1] =	stream.strided.gather [hbm4b:s16+s6], $0x500, s25, s6, $0x38;
	[tilespmem:$0x19A00] =	vst v63  }
0x50: {  	s16 =	sadd.s32 s23, s15  }
0x51: {  	s16 =	sshrl.u32 s16, $0x3  }
0x52: {  	s24 =	simm.s32 $0xC980;
	s26 =	rddreg [dreg:$0x10];
	s16 =	sadd.s32 s1, s16  }
0x53: {  	[tilespmem:s24], [sflag:$0x1] =	stream.strided.gather [hbm4b:s16+s6], $0x500, s25, s6, $0x38;
	[tilespmem:$0x19A00] =	vst v63  }
0x54: {  	s16 =	sadd.s32 s26, s15  }
0x55: {  	s16 =	sshrl.u32 s16, $0x3  }
0x56: {  	s29 =	simm.s32 $0xCE80;
	s17 =	rddreg [dreg:$0x11];
	s16 =	sadd.s32 s1, s16  }
0x57: {  	[tilespmem:s29], [sflag:$0x1] =	stream.strided.gather [hbm4b:s16+s6], $0x500, s25, s6, $0x38;
	[tilespmem:$0x19A00] =	vst v63  }
0x58: {  	s16 =	sadd.s32 s17, s15  }
0x59: {  	s16 =	sshrl.u32 s16, $0x3  }
0x5a: {  	s18 =	simm.s32 $0xD380;
	s19 =	rddreg [dreg:$0x12];
	s16 =	sadd.s32 s1, s16  }
0x5b: {  	[tilespmem:s18], [sflag:$0x1] =	stream.strided.gather [hbm4b:s16+s6], $0x500, s25, s6, $0x38;
	[tilespmem:$0x19A00] =	vst v63  }
0x5c: {  	s16 =	sadd.s32 s19, s15  }
0x5d: {  	s16 =	sshrl.u32 s16, $0x3  }
0x5e: {  	s20 =	simm.s32 $0xD880;
	s21 =	rddreg [dreg:$0x13];
	s16 =	sadd.s32 s1, s16  }
0x5f: {  	[tilespmem:s20], [sflag:$0x1] =	stream.strided.gather [hbm4b:s16+s6], $0x500, s25, s6, $0x38;
	[tilespmem:$0x19A00] =	vst v63  }
0x60: {  	s16 =	sadd.s32 s21, s15  }
0x61: {  	s16 =	sshrl.u32 s16, $0x3  }
0x62: {  	s22 =	simm.s32 $0xDD80;
	s23 =	rddreg [dreg:$0x14];
	s16 =	sadd.s32 s1, s16  }
0x63: {  	[tilespmem:s22], [sflag:$0x1] =	stream.strided.gather [hbm4b:s16+s6], $0x500, s25, s6, $0x38;
	[tilespmem:$0x19A00] =	vst v63  }
0x64: {  	s16 =	sadd.s32 s23, s15  }
0x65: {  	s16 =	sshrl.u32 s16, $0x3  }
0x66: {  	s24 =	simm.s32 $0xE280;
	s26 =	rddreg [dreg:$0x15];
	s16 =	sadd.s32 s1, s16  }
0x67: {  	[tilespmem:s24], [sflag:$0x1] =	stream.strided.gather [hbm4b:s16+s6], $0x500, s25, s6, $0x38;
	[tilespmem:$0x19A00] =	vst v63  }
0x68: {  	s16 =	sadd.s32 s26, s15  }
0x69: {  	s16 =	sshrl.u32 s16, $0x3  }
0x6a: {  	s29 =	simm.s32 $0xE780;
	s17 =	rddreg [dreg:$0x16];
	s16 =	sadd.s32 s1, s16  }
0x6b: {  	[tilespmem:s29], [sflag:$0x1] =	stream.strided.gather [hbm4b:s16+s6], $0x500, s25, s6, $0x38;
	[tilespmem:$0x19A00] =	vst v63  }
0x6c: {  	s16 =	sadd.s32 s17, s15  }
0x6d: {  	s16 =	sshrl.u32 s16, $0x3  }
0x6e: {  	s18 =	simm.s32 $0xEC80;
	s19 =	rddreg [dreg:$0x18];
	s16 =	sadd.s32 s1, s16  }
0x6f: {  	[tilespmem:s18], [sflag:$0x1] =	stream.strided.gather [hbm4b:s16+s6], $0x500, s25, s6, $0x38;
	[tilespmem:$0x19A00] =	vst v63  }
0x70: {  	s16 =	sadd.s32 s19, s15  }
0x71: {  	s16 =	sshrl.u32 s16, $0x3  }
0x72: {  	s20 =	simm.s32 $0xF180;
	s21 =	rddreg [dreg:$0x19];
	s16 =	sadd.s32 s1, s16  }
0x73: {  	[tilespmem:s20], [sflag:$0x1] =	stream.strided.gather [hbm4b:s16+s6], $0x500, s25, s6, $0x38;
	[tilespmem:$0x19A00] =	vst v63  }
0x74: {  	s16 =	sadd.s32 s21, s15  }
0x75: {  	s16 =	sshrl.u32 s16, $0x3  }
0x76: {  	s22 =	simm.s32 $0xF680;
	s23 =	rddreg [dreg:$0x1a];
	s16 =	sadd.s32 s1, s16  }
0x77: {  	[tilespmem:s22], [sflag:$0x1] =	stream.strided.gather [hbm4b:s16+s6], $0x500, s25, s6, $0x38;
	[tilespmem:$0x19A00] =	vst v63  }
0x78: {  	s16 =	sadd.s32 s23, s15  }
0x79: {  	s16 =	sshrl.u32 s16, $0x3  }
0x7a: {  	s24 =	simm.s32 $0xFB80;
	s26 =	sadd.s32 s30, s15;
	s16 =	sadd.s32 s1, s16  }
0x7b: {  	[tilespmem:s24], [sflag:$0x1] =	stream.strided.gather [hbm4b:s16+s6], $0x500, s25, s6, $0x38;
	[tilespmem:$0x19A00] =	vst v63  }
0x7c: {  	s16 =	sshrl.u32 s26, $0x3  }
0x7d: {  	s29 =	simm.s32 $0x10080;
	s17 =	sadd.s32 s31, s15;
	s16 =	sadd.s32 s1, s16  }
0x7e: {  	[tilespmem:s29], [sflag:$0x1] =	stream.strided.gather [hbm4b:s16+s6], $0x500, s25, s6, $0x38;
	[tilespmem:$0x19A00] =	vst v63  }
0x7f: {  	s16 =	sshrl.u32 s17, $0x3  }
0x80: {  	p0 =	sne.s32 s13, $0x0;
	s18 =	simm.s32 $0x10580;
	s16 =	sadd.s32 s1, s16  }
0x81: {  	[tilespmem:s18], [sflag:$0x1] =	stream.strided.gather [hbm4b:s16+s6], $0x5280, s25, s6, $0x38;
	[tilespmem:$0x19A00] =	vst v63  }
0x82: {  	s16 =	simm.s32 @!p0 $0x4  }
0x83: {  	_ =	swait.ge @!p0 [sflag:s16], $0x4A00  }
0x84: {  	[sflag:s16] =	ssyncset.done @!p0 $0x0  }
0x85: {  	[sflag:s16] =	ssyncadd.s32 @!p0 $0xFFFFB600  }
0x86: {  	_ =	swait.ge [sflag:s8], $0x5280  }
0x87: {  	[sflag:s8] =	ssyncset.done $0x0  }
0x88: {  	[sflag:s8] =	ssyncadd.s32 $0xFFFFAD80  }
0x89: {  	_ =	swait.ge [sflag:s8], $0x500  }
0x8a: {  	[sflag:s8] =	ssyncset.done $0x0  }
0x8b: {  	[sflag:s8] =	ssyncadd.s32 $0xFFFFFB00  }
0x8c: {  	_ =	swait.ge [sflag:s8], $0x500  }
0x8d: {  	[sflag:s8] =	ssyncset.done $0x0  }
0x8e: {  	[sflag:s8] =	ssyncadd.s32 $0xFFFFFB00  }
0x8f: {  	_ =	swait.ge [sflag:s8], $0x500  }
0x90: {  	[sflag:s8] =	ssyncset.done $0x0  }
0x91: {  	[sflag:s8] =	ssyncadd.s32 $0xFFFFFB00  }
0x92: {  	_ =	swait.ge [sflag:s8], $0x500  }
0x93: {  	[sflag:s8] =	ssyncset.done $0x0  }
0x94: {  	[sflag:s8] =	ssyncadd.s32 $0xFFFFFB00  }
0x95: {  	_ =	swait.ge [sflag:s8], $0x500  }
0x96: {  	[sflag:s8] =	ssyncset.done $0x0  }
0x97: {  	[sflag:s8] =	ssyncadd.s32 $0xFFFFFB00  }
0x98: {  	_ =	swait.ge [sflag:s8], $0x500  }
0x99: {  	[sflag:s8] =	ssyncset.done $0x0  }
0x9a: {  	[sflag:s8] =	ssyncadd.s32 $0xFFFFFB00  }
0x9b: {  	_ =	swait.ge [sflag:s8], $0x500  }
0x9c: {  	[sflag:s8] =	ssyncset.done $0x0  }
0x9d: {  	[sflag:s8] =	ssyncadd.s32 $0xFFFFFB00  }
0x9e: {  	_ =	swait.ge [sflag:s8], $0x500  }
0x9f: {  	[sflag:s8] =	ssyncset.done $0x0  }
0xa0: {  	[sflag:s8] =	ssyncadd.s32 $0xFFFFFB00  }
0xa1: {  	_ =	swait.ge [sflag:s8], $0x500  }
0xa2: {  	[sflag:s8] =	ssyncset.done $0x0  }
0xa3: {  	[sflag:s8] =	ssyncadd.s32 $0xFFFFFB00  }
0xa4: {  	_ =	swait.ge [sflag:s8], $0x500  }
0xa5: {  	[sflag:s8] =	ssyncset.done $0x0  }
0xa6: {  	[sflag:s8] =	ssyncadd.s32 $0xFFFFFB00  }
0xa7: {  	_ =	swait.ge [sflag:s8], $0x500  }
0xa8: {  	[sflag:s8] =	ssyncset.done $0x0  }
0xa9: {  	[sflag:s8] =	ssyncadd.s32 $0xFFFFFB00  }
0xaa: {  	_ =	swait.ge [sflag:s8], $0x500  }
0xab: {  	[sflag:s8] =	ssyncset.done $0x0  }
0xac: {  	[sflag:s8] =	ssyncadd.s32 $0xFFFFFB00  }
0xad: {  	_ =	swait.ge [sflag:s8], $0x500  }
0xae: {  	[sflag:s8] =	ssyncset.done $0x0  }
0xaf: {  	[sflag:s8] =	ssyncadd.s32 $0xFFFFFB00  }
0xb0: {  	_ =	swait.ge [sflag:s8], $0x500  }
0xb1: {  	[sflag:s8] =	ssyncset.done $0x0  }
0xb2: {  	[sflag:s8] =	ssyncadd.s32 $0xFFFFFB00  }
0xb3: {  	_ =	swait.ge [sflag:s8], $0x500  }
0xb4: {  	[sflag:s8] =	ssyncset.done $0x0  }
0xb5: {  	[sflag:s8] =	ssyncadd.s32 $0xFFFFFB00  }
0xb6: {  	_ =	swait.ge [sflag:s8], $0x500  }
0xb7: {  	[sflag:s8] =	ssyncset.done $0x0  }
0xb8: {  	[sflag:s8] =	ssyncadd.s32 $0xFFFFFB00  }
0xb9: {  	_ =	swait.ge [sflag:s8], $0x500  }
0xba: {  	[sflag:s8] =	ssyncset.done $0x0  }
0xbb: {  	[sflag:s8] =	ssyncadd.s32 $0xFFFFFB00  }
0xbc: {  	_ =	swait.ge [sflag:s8], $0x500  }
0xbd: {  	[sflag:s8] =	ssyncset.done $0x0  }
0xbe: {  	[sflag:s8] =	ssyncadd.s32 $0xFFFFFB00  }
0xbf: {  	_ =	swait.ge [sflag:s8], $0x500  }
0xc0: {  	[sflag:s8] =	ssyncset.done $0x0  }
0xc1: {  	[sflag:s8] =	ssyncadd.s32 $0xFFFFFB00  }
0xc2: {  	_ =	swait.ge [sflag:s8], $0x500  }
0xc3: {  	[sflag:s8] =	ssyncset.done $0x0  }
0xc4: {  	[sflag:s8] =	ssyncadd.s32 $0xFFFFFB00  }
0xc5: {  	_ =	swait.ge [sflag:s8], $0x500  }
0xc6: {  	[sflag:s8] =	ssyncset.done $0x0  }
0xc7: {  	[sflag:s8] =	ssyncadd.s32 $0xFFFFFB00  }
0xc8: {  	_ =	swait.ge [sflag:s8], $0x5280  }
0xc9: {  	p0 =	seq.s32 s13, $0x0;
	[sflag:s8] =	ssyncset.done $0x0  }
0xca: {  	s16 =	simm.s32 @!p0 $0x2;
	[sflag:s8] =	ssyncadd.s32 $0xFFFFAD80  }
0xcb: {  	_ =	swait.ge @!p0 [sflag:s16], $0x1D80  }
0xcc: {  	[sflag:s16] =	ssyncset.done @!p0 $0x0  }
0xcd: {  	s23 =	simm.s32 $0x20;
	[sflag:s16] =	ssyncadd.s32 @!p0 $0xFFFFE280  }
0xce: {  	v8 =	vld [tilespmem:s23+$0x20];
	_ =	sdelay $0x4  }
0xcf: {  	v9 =	vunpack.i.l.s16.s32 v8  }
0xd0: {  	v8 =	vunpack.i.u.s16.s32 v8;
	v9 =	vshll.u32 v9, $0x7  }
0xd1: {  	v8 =	vshll.u32 v8, $0x7;
	v9 =	vor.u32 v0, v9  }
0xd2: {  	v8 =	vor.u32 v1, v8;
	_ =	sdelay $0x3  }
0xd3: {  	v9 =	vld.idx.msk [tilespmem:v9+s7+$0x0], $0xffff  }
0xd4: {  	v8 =	vld.idx.msk [tilespmem:v8+s7+$0x0], $0xffff  }
0xd5: {  	v10 =	vld [tilespmem:s23+$0xFFFFFFE0];
	_ =	sdelay $0x1  }
0xd6: {  	s16 =	simm.s32 $0x15A80  }
0xd7: {  	s20 =	simm.s32 $0x40;
	[tilespmem:s16+$0x0] =	vst v9  }
0xd8: {  	s19 =	sor.u32 $0x50, s20;
	[tilespmem:s16+$0x10] =	vst v8  }
0xd9: {  	v8 =	vunpack.i.l.s16.s32 v10;
	v9 =	vld [tilespmem:s19+$0x0]  }
0xda: {  	v10 =	vunpack.i.u.s16.s32 v10;
	v8 =	vshll.u32 v8, $0x7  }
0xdb: {  	s18 =	simm.s32 $0xA0;
	v10 =	vshll.u32 v10, $0x7;
	v8 =	vor.u32 v0, v8  }
0xdc: {  	v11 =	vld [tilespmem:s18+$0x20];
	v10 =	vor.u32 v1, v10;
	_ =	sdelay $0x1  }
0xdd: {  	v12 =	vunpack.i.l.s16.s32 v9  }
0xde: {  	v9 =	vunpack.i.u.s16.s32 v9;
	v12 =	vshll.u32 v12, $0x7  }
0xdf: {  	v8 =	vld.idx.msk [tilespmem:v8+s7+$0x0], $0xffff;
	v9 =	vshll.u32 v9, $0x7;
	v12 =	vor.u32 v2, v12  }
0xe0: {  	v13 =	vunpack.i.l.s16.s32 v11;
	v11 =	vunpack.i.u.s16.s32 v11;
	v10 =	vld.idx.msk [tilespmem:v10+s7+$0x0], $0xffff;
	v9 =	vor.u32 v3, v9  }
0xe1: {  	v11 =	vshll.u32 v11, $0x7  }
0xe2: {  	v13 =	vshll.u32 v13, $0x7;
	v11 =	vor.u32 v1, v11  }
0xe3: {  	v14 =	vld [tilespmem:s18+$0xFFFFFFE0];
	v13 =	vor.u32 v0, v13  }
0xe4: {  	[tilespmem:s16+$0xFFFFFF80] =	vst v8;
	v8 =	vld.idx.msk [tilespmem:v12+s7+$0x0], $0xffff  }
0xe5: {  	[tilespmem:s16+$0xFFFFFF90] =	vst v10;
	v9 =	vld.idx.msk [tilespmem:v9+s7+$0x0], $0xffff  }
0xe6: {  	v10 =	vld [tilespmem:s23+$0xFFFFFFF0]  }
0xe7: {  	v11 =	vld.idx.msk [tilespmem:v11+s7+$0x0], $0xffff  }
0xe8: {  	v12 =	vld.idx.msk [tilespmem:v13+s7+$0x0], $0xffff;
	v13 =	vunpack.i.l.s16.s32 v14  }
0xe9: {  	v14 =	vunpack.i.u.s16.s32 v14;
	v13 =	vshll.u32 v13, $0x7;
	[tilespmem:s16+$0x20] =	vst v8  }
0xea: {  	s21 =	sor.u32 $0x60, s20;
	v13 =	vor.u32 v0, v13;
	v8 =	vshll.u32 v14, $0x7;
	[tilespmem:s16+$0x30] =	vst v9  }
0xeb: {  	s17 =	simm.s32 $0x15B80;
	v9 =	vunpack.i.l.s16.s32 v10;
	v8 =	vor.u32 v1, v8;
	v14 =	vld [tilespmem:s21+$0x0]  }
0xec: {  	s24 =	simm.s32 $0xC0;
	[tilespmem:s17+$0x10] =	vst v11;
	v10 =	vunpack.i.u.s16.s32 v10;
	v9 =	vshll.u32 v9, $0x7  }
0xed: {  	s19 =	sor.u32 $0x50, s24;
	[tilespmem:s17+$0x0] =	vst v12;
	v10 =	vshll.u32 v10, $0x7;
	v9 =	vor.u32 v2, v9  }
0xee: {  	v11 =	vld [tilespmem:s19+$0x0];
	v10 =	vor.u32 v3, v10  }
0xef: {  	v12 =	vld.idx.msk [tilespmem:v13+s7+$0x0], $0xffff  }
0xf0: {  	s19 =	simm.s32 $0x120;
	v8 =	vld.idx.msk [tilespmem:v8+s7+$0x0], $0xffff;
	v13 =	vunpack.i.l.s16.s32 v14  }
0xf1: {  	v15 =	vld [tilespmem:s19+$0x20];
	v14 =	vunpack.i.u.s16.s32 v14;
	v13 =	vshll.u32 v13, $0x7  }
0xf2: {  	v9 =	vld.idx.msk [tilespmem:v9+s7+$0x0], $0xffff;
	v14 =	vshll.u32 v14, $0x7;
	v13 =	vor.u32 v4, v13  }
0xf3: {  	v16 =	vunpack.i.l.s16.s32 v11;
	v11 =	vunpack.i.u.s16.s32 v11;
	v10 =	vld.idx.msk [tilespmem:v10+s7+$0x0], $0xffff;
	v14 =	vor.u32 v5, v14  }
0xf4: {  	[tilespmem:s17+$0xFFFFFF80] =	vst v12;
	v12 =	vld [tilespmem:s19+$0xFFFFFFE0];
	v11 =	vshll.u32 v11, $0x7  }
0xf5: {  	v16 =	vshll.u32 v16, $0x7;
	v11 =	vor.u32 v3, v11;
	[tilespmem:s17+$0xFFFFFF90] =	vst v8  }
0xf6: {  	v17 =	vunpack.i.l.s16.s32 v15;
	v8 =	vor.u32 v2, v16;
	v16 =	vld [tilespmem:s18+$0xFFFFFFF0]  }
0xf7: {  	[tilespmem:s16+$0xFFFFFFA0] =	vst v9;
	v9 =	vld.idx.msk [tilespmem:v13+s7+$0x0], $0xffff;
	v13 =	vshll.u32 v17, $0x7  }
0xf8: {  	[tilespmem:s16+$0xFFFFFFB0] =	vst v10;
	v10 =	vld.idx.msk [tilespmem:v14+s7+$0x0], $0xffff;
	v14 =	vunpack.i.u.s16.s32 v15;
	v13 =	vor.u32 v0, v13  }
0xf9: {  	v15 =	vld [tilespmem:s23+$0x0];
	v17 =	vunpack.i.l.s16.s32 v12;
	v14 =	vshll.u32 v14, $0x7  }
0xfa: {  	v11 =	vld.idx.msk [tilespmem:v11+s7+$0x0], $0xffff;
	v17 =	vshll.u32 v17, $0x7;
	v14 =	vor.u32 v1, v14  }
0xfb: {  	v12 =	vunpack.i.u.s16.s32 v12;
	v17 =	vor.u32 v0, v17;
	v8 =	vld.idx.msk [tilespmem:v8+s7+$0x0], $0xffff  }
0xfc: {  	v12 =	vshll.u32 v12, $0x7;
	v18 =	vunpack.i.l.s16.s32 v16;
	[tilespmem:s16+$0x40] =	vst v9  }
0xfd: {  	s20 =	sor.u32 $0x70, s20;
	v12 =	vor.u32 v1, v12;
	v9 =	vunpack.i.u.s16.s32 v16;
	v16 =	vshll.u32 v18, $0x7;
	[tilespmem:s16+$0x50] =	vst v10;
	v13 =	vld.idx.msk [tilespmem:v13+s7+$0x0], $0xffff  }
0xfe: {  	v9 =	vshll.u32 v9, $0x7;
	v10 =	vor.u32 v2, v16;
	v16 =	vld [tilespmem:s20+$0x0]  }
0xff: {  	[tilespmem:s17+$0x30] =	vst v11;
	v11 =	vunpack.i.u.s16.s32 v15;
	v9 =	vor.u32 v3, v9;
	v14 =	vld.idx.msk [tilespmem:v14+s7+$0x0], $0xffff  }
0x100: {  	s22 =	sor.u32 $0x60, s24;
	v11 =	vshll.u32 v11, $0x7;
	v17 =	vld.idx.msk [tilespmem:v17+s7+$0x0], $0xffff;
	[tilespmem:s17+$0x20] =	vst v8  }
0x101: {  	v18 =	vunpack.i.l.s16.s32 v15;
	v11 =	vor.u32 v5, v11;
	v15 =	vld [tilespmem:s22+$0x0]  }
0x102: {  	s20 =	simm.s32 $0x15C80;
	v12 =	vld.idx.msk [tilespmem:v12+s7+$0x0], $0xffff;
	v8 =	vshll.u32 v18, $0x7  }
0x103: {  	v8 =	vor.u32 v4, v8;
	s22 =	simm.s32 $0x140;
	v10 =	vld.idx.msk [tilespmem:v10+s7+$0x0], $0xffff;
	[tilespmem:s20+$0x0] =	vst v13  }
0x104: {  	s21 =	sor.u32 $0x50, s22;
	v13 =	vunpack.i.u.s16.s32 v16;
	v9 =	vld.idx.msk [tilespmem:v9+s7+$0x0], $0xffff;
	[tilespmem:s20+$0x10] =	vst v14  }
0x105: {  	v13 =	vshll.u32 v13, $0x7;
	v14 =	vld [tilespmem:s21+$0x0]  }
0x106: {  	v11 =	vld.idx.msk [tilespmem:v11+s7+$0x0], $0xffff;
	v13 =	vor.u32 v7, v13;
	s21 =	simm.s32 $0x1A0;
	v18 =	vunpack.i.l.s16.s32 v15  }
0x107: {  	[tilespmem:s20+$0xFFFFFF80] =	vst v17;
	v15 =	vunpack.i.u.s16.s32 v15;
	v17 =	vshll.u32 v18, $0x7;
	v18 =	vld [tilespmem:s21+$0x20]  }
0x108: {  	v16 =	vunpack.i.l.s16.s32 v16;
	[tilespmem:s20+$0xFFFFFF90] =	vst v12;
	v8 =	vld.idx.msk [tilespmem:v8+s7+$0x0], $0xffff;
	v15 =	vshll.u32 v15, $0x7;
	v12 =	vor.u32 v4, v17  }
0x109: {  	v16 =	vshll.u32 v16, $0x7;
	v17 =	vld [tilespmem:s19+$0xFFFFFFF0];
	v15 =	vor.u32 v5, v15  }
0x10a: {  	v16 =	vor.u32 v6, v16;
	[tilespmem:s17+$0xFFFFFFA0] =	vst v10;
	v10 =	vld [tilespmem:s21+$0xFFFFFFE0];
	v19 =	vunpack.i.l.s16.s32 v14  }
0x10b: {  	[tilespmem:s17+$0xFFFFFFB0] =	vst v9;
	v13 =	vld.idx.msk [tilespmem:v13+s7+$0x0], $0xffff;
	v9 =	vunpack.i.u.s16.s32 v14;
	v14 =	vshll.u32 v19, $0x7  }
0x10c: {  	v19 =	vld [tilespmem:s18+$0x0];
	v9 =	vshll.u32 v9, $0x7;
	v14 =	vor.u32 v2, v14;
	v20 =	vunpack.i.l.s16.s32 v18  }
0x10d: {  	v9 =	vor.u32 v3, v9;
	v12 =	vld.idx.msk [tilespmem:v12+s7+$0x0], $0xffff;
	v20 =	vshll.u32 v20, $0x7  }
0x10e: {  	[tilespmem:s16+$0xFFFFFFC0] =	vst v8;
	v8 =	vld.idx.msk [tilespmem:v15+s7+$0x0], $0xffff;
	v15 =	vunpack.i.u.s16.s32 v18;
	v18 =	vor.u32 v0, v20  }
0x10f: {  	[tilespmem:s16+$0xFFFFFFD0] =	vst v11;
	v11 =	vld.idx.msk [tilespmem:v16+s7+$0x0], $0xffff;
	v16 =	vunpack.i.l.s16.s32 v10;
	v15 =	vshll.u32 v15, $0x7  }
0x110: {  	v10 =	vunpack.i.u.s16.s32 v10;
	v20 =	vld [tilespmem:s23+$0x10];
	v16 =	vshll.u32 v16, $0x7;
	v15 =	vor.u32 v1, v15  }
0x111: {  	v10 =	vshll.u32 v10, $0x7;
	v16 =	vor.u32 v0, v16;
	v14 =	vld.idx.msk [tilespmem:v14+s7+$0x0], $0xffff  }
0x112: {  	v21 =	vunpack.i.l.s16.s32 v17;
	v10 =	vor.u32 v1, v10;
	v22 =	vld.idx.msk [tilespmem:v9+s7+$0x0], $0xffff;
	[tilespmem:s17+$0x40] =	vst v12  }
0x113: {  	s26 =	sor.u32 $0x70, s24;
	v9 =	vunpack.i.u.s16.s32 v17;
	v12 =	vshll.u32 v21, $0x7;
	[tilespmem:s17+$0x50] =	vst v8;
	v17 =	vld.idx.msk [tilespmem:v18+s7+$0x0], $0xffff;
	v18 =	vunpack.i.l.s16.s32 v19  }
0x114: {  	v8 =	vshll.u32 v9, $0x7;
	v12 =	vor.u32 v2, v12;
	v9 =	vld [tilespmem:s26+$0x0];
	v18 =	vshll.u32 v18, $0x7  }
0x115: {  	v62 =	vld.idx.msk [tilespmem:v15+s7+$0x0], $0xffff;
	v18 =	vor.u32 v4, v18  }
0x116: {  	v16 =	vld.idx.msk [tilespmem:v16+s7+$0x0], $0xffff;
	[tilespmem:s20+$0x20] =	vst v14  }
0x117: {  	s29 =	sor.u32 $0x60, s22;
	v8 =	vor.u32 v3, v8;
	v15 =	vunpack.i.u.s16.s32 v19;
	v19 =	vld.idx.msk [tilespmem:v10+s7+$0x0], $0xffff;
	[tilespmem:s20+$0x30] =	vst v22  }
0x118: {  	v14 =	vshll.u32 v15, $0x7;
	v23 =	vld [tilespmem:s29+$0x0]  }
0x119: {  	s23 =	simm.s32 $0x15D80;
	[tilespmem:s16+$0x60] =	vst v11;
	v63 =	vor.u32 v5, v14;
	v14 =	vld.idx.msk [tilespmem:v12+s7+$0x0], $0xffff  }
0x11a: {  	[tilespmem:s23+$0x0] =	vst v17;
	v12 =	vld.idx.msk [tilespmem:v18+s7+$0x0], $0xffff;
	v18 =	vunpack.i.u.s16.s32 v9  }
0x11b: {  	s24 =	simm.s32 $0x1C0;
	[tilespmem:s23+$0xFFFFFF80] =	vst v16;
	v16 =	vshll.u32 v18, $0x7  }
0x11c: {  	s26 =	sor.u32 $0x50, s24;
	v10 =	vunpack.i.u.s16.s32 v20;
	v15 =	vld.idx.msk [tilespmem:v8+s7+$0x0], $0xffff;
	v8 =	vunpack.i.l.s16.s32 v20;
	[tilespmem:s23+$0x10] =	vst v62;
	v11 =	vor.u32 v7, v16  }
0x11d: {  	[tilespmem:s16+$0x70] =	vst v13;
	v10 =	vshll.u32 v10, $0x7;
	v13 =	vshll.u32 v8, $0x7;
	v17 =	vld [tilespmem:s26+$0x0]  }
0x11e: {  	v8 =	vor.u32 v7, v10;
	[tilespmem:s23+$0xFFFFFF90] =	vst v19;
	v10 =	vor.u32 v6, v13;
	v19 =	vunpack.i.l.s16.s32 v23;
	v13 =	vld.idx.msk [tilespmem:v63+s7+$0x0], $0xffff  }
0x11f: {  	s28 =	simm.s32 $0x220;
	s26 =	simm.s32 $0x6;
	v16 =	vld [tilespmem:s21+$0xFFFFFFF0];
	v18 =	vunpack.i.u.s16.s32 v23;
	v19 =	vshll.u32 v19, $0x7  }
.LBB2_3:
0x120: {  	v20 =	vld [tilespmem:s28+$0x20];
	[tilespmem:s20+$0xFFFFFFA0] =	vst v14;
	v14 =	vor.u32 v4, v19;
	v18 =	vshll.u32 v18, $0x7;
	v9 =	vunpack.i.l.s16.s32 v9  }
0x121: {  	[tilespmem:s20+$0xFFFFFFB0] =	vst v15;
	v15 =	vor.u32 v5, v18;
	v9 =	vshll.u32 v9, $0x7;
	v11 =	vld.idx.msk [tilespmem:v11+s7+$0x0], $0xffff  }
0x122: {  	v18 =	vld [tilespmem:s28+$0xFFFFFFE0];
	v19 =	vunpack.i.l.s16.s32 v17;
	[tilespmem:s17+$0xFFFFFFC0] =	vst v12;
	v9 =	vor.u32 v6, v9  }
0x123: {  	v12 =	vunpack.i.u.s16.s32 v17;
	v17 =	vshll.u32 v19, $0x7;
	v19 =	vld [tilespmem:s19+$0x0]  }
0x124: {  	s26 =	sadd.s32 $0x2, s26;
	v12 =	vshll.u32 v12, $0x7;
	v21 =	vunpack.i.u.s16.s32 v16;
	v17 =	vor.u32 v2, v17;
	[tilespmem:s17+$0xFFFFFFD0] =	vst v13;
	v10 =	vld.idx.msk [tilespmem:v10+s7+$0x0], $0xffff  }
0x125: {  	p1 =	slt.u32 s26, $0x38;
	v16 =	vunpack.i.l.s16.s32 v16;
	v12 =	vor.u32 v3, v12;
	v13 =	vunpack.i.l.s16.s32 v20;
	v14 =	vld.idx.msk [tilespmem:v14+s7+$0x0], $0xffff  }
0x126: {  	v16 =	vshll.u32 v16, $0x7;
	v21 =	vshll.u32 v21, $0x7;
	v13 =	vshll.u32 v13, $0x7;
	v15 =	vld.idx.msk [tilespmem:v15+s7+$0x0], $0xffff  }
0x127: {  	v20 =	vunpack.i.u.s16.s32 v20;
	v22 =	vunpack.i.u.s16.s32 v18;
	v13 =	vor.u32 v0, v13;
	v23 =	vld.idx.msk [tilespmem:v9+s7+$0x0], $0xffff;
	[tilespmem:s17+$0x70] =	vst v11  }
0x128: {  	v9 =	vunpack.i.l.s16.s32 v18;
	v18 =	vshll.u32 v20, $0x7;
	v11 =	vshll.u32 v22, $0x7;
	v20 =	vld [tilespmem:s18+$0x10];
	s18 =	smov.u32 s19;
	s19 =	smov.u32 s21;
	s21 =	smov.u32 s28  }
0x129: {  	v9 =	vshll.u32 v9, $0x7;
	v18 =	vor.u32 v1, v18;
	v11 =	vor.u32 v1, v11;
	v17 =	vld.idx.msk [tilespmem:v17+s7+$0x0], $0xffff  }
0x12a: {  	v16 =	vor.u32 v2, v16;
	v21 =	vor.u32 v3, v21;
	v22 =	vor.u32 v0, v9;
	v12 =	vld.idx.msk [tilespmem:v12+s7+$0x0], $0xffff  }
0x12b: {  	v9 =	vunpack.i.u.s16.s32 v19;
	v19 =	vunpack.i.l.s16.s32 v19;
	[tilespmem:s20+$0x40] =	vst v14;
	v14 =	vld.idx.msk [tilespmem:v8+s7+$0x0], $0xffff  }
0x12c: {  	s29 =	sor.u32 $0x70, s22;
	s22 =	smov.u32 s24;
	v9 =	vshll.u32 v9, $0x7;
	v8 =	vshll.u32 v19, $0x7;
	v13 =	vld.idx.msk [tilespmem:v13+s7+$0x0], $0xffff;
	[tilespmem:s20+$0x50] =	vst v15  }
0x12d: {  	v24 =	vor.u32 v5, v9;
	v19 =	vor.u32 v4, v8;
	v9 =	vld [tilespmem:s29+$0x0];
	v8 =	vunpack.i.u.s16.s32 v20;
	[tilespmem:s16+$0xFFFFFFE0] =	vst v10  }
0x12e: {  	v10 =	vunpack.i.l.s16.s32 v20;
	v18 =	vld.idx.msk [tilespmem:v18+s7+$0x0], $0xffff;
	v8 =	vshll.u32 v8, $0x7;
	[tilespmem:s17+$0x60] =	vst v23  }
0x12f: {  	v10 =	vshll.u32 v10, $0x7;
	v20 =	vld.idx.msk [tilespmem:v22+s7+$0x0], $0xffff;
	[tilespmem:s23+$0x20] =	vst v17;
	v8 =	vor.u32 v7, v8  }
0x130: {  	s29 =	sor.u32 $0x60, s24;
	v10 =	vor.u32 v6, v10;
	v22 =	vld.idx.msk [tilespmem:v11+s7+$0x0], $0xffff;
	[tilespmem:s23+$0x30] =	vst v12  }
0x131: {  	v23 =	vld [tilespmem:s29+$0x0];
	[tilespmem:s16+$0xFFFFFFF0] =	vst v14;
	s16 =	smov.u32 s17;
	s17 =	smov.u32 s20;
	s20 =	smov.u32 s23  }
0x132: {  	s23 =	sadd.s32 $0x100, s23;
	v14 =	vld.idx.msk [tilespmem:v16+s7+$0x0], $0xffff;
	v11 =	vunpack.i.u.s16.s32 v9  }
.Ltmp0:
0x133: {  	s24 =	sadd.s32 $0x80, s24;
	[tilespmem:s23+$0x0] =	vst v13;
	v15 =	vld.idx.msk [tilespmem:v21+s7+$0x0], $0xffff;
	v11 =	vshll.u32 v11, $0x7;
	(pc) =	sbr.rel @p1 .LBB2_3-.Ltmp0, $4  }
0x134: {  	s29 =	sor.u32 $0x50, s24;
	[tilespmem:s23+$0x10] =	vst v18;
	v12 =	vld.idx.msk [tilespmem:v19+s7+$0x0], $0xffff;
	v11 =	vor.u32 v7, v11  }
0x135: {  	[tilespmem:s23+$0xFFFFFF80] =	vst v20;
	v17 =	vld [tilespmem:s29+$0x0]  }
0x136: {  	[tilespmem:s23+$0xFFFFFF90] =	vst v22;
	v19 =	vunpack.i.l.s16.s32 v23;
	v13 =	vld.idx.msk [tilespmem:v24+s7+$0x0], $0xffff  }
0x137: {  	s28 =	sadd.s32 $0x80, s28;
	v18 =	vunpack.i.u.s16.s32 v23;
	v16 =	vld [tilespmem:s21+$0xFFFFFFF0];
	v19 =	vshll.u32 v19, $0x7  }
0x138: {  	_ =	sdelay $0x1  }
0x139: {  	v20 =	vunpack.i.l.s16.s32 v17  }
0x13a: {  	v17 =	vunpack.i.u.s16.s32 v17;
	v20 =	vshll.u32 v20, $0x7  }
0x13b: {  	v17 =	vshll.u32 v17, $0x7;
	v20 =	vor.u32 v2, v20  }
0x13c: {  	v17 =	vor.u32 v3, v17  }
0x13d: {  	v21 =	vunpack.i.l.s16.s32 v16  }
0x13e: {  	v16 =	vunpack.i.u.s16.s32 v16;
	v21 =	vshll.u32 v21, $0x7  }
0x13f: {  	v16 =	vshll.u32 v16, $0x7;
	v21 =	vor.u32 v2, v21  }
0x140: {  	v16 =	vor.u32 v3, v16;
	v20 =	vld.idx.msk [tilespmem:v20+s7+$0x0], $0xffff  }
0x141: {  	v17 =	vld.idx.msk [tilespmem:v17+s7+$0x0], $0xffff;
	_ =	sdelay $0x1  }
0x142: {  	[tilespmem:s20+$0xFFFFFFA0] =	vst v14  }
0x143: {  	[tilespmem:s20+$0xFFFFFFB0] =	vst v15;
	v14 =	vld.idx.msk [tilespmem:v21+s7+$0x0], $0xffff  }
0x144: {  	v15 =	vld.idx.msk [tilespmem:v16+s7+$0x0], $0xffff;
	[tilespmem:s23+$0x20] =	vst v20  }
0x145: {  	s26 =	sor.u32 $0x60, s24;
	v16 =	vld [tilespmem:s19+$0x0];
	[tilespmem:s23+$0x30] =	vst v17  }
0x146: {  	v17 =	vld [tilespmem:s26+$0x0];
	_ =	sdelay $0x1  }
0x147: {  	[tilespmem:s23+$0xFFFFFFA0] =	vst v14  }
0x148: {  	v18 =	vshll.u32 v18, $0x7;
	v14 =	vor.u32 v4, v19;
	[tilespmem:s23+$0xFFFFFFB0] =	vst v15  }
0x149: {  	v15 =	vor.u32 v5, v18;
	v18 =	vunpack.i.l.s16.s32 v16;
	v19 =	vld [tilespmem:s21+$0x0]  }
0x14a: {  	v18 =	vshll.u32 v18, $0x7;
	v20 =	vunpack.i.l.s16.s32 v17  }
0x14b: {  	v18 =	vor.u32 v4, v18;
	v17 =	vunpack.i.u.s16.s32 v17;
	v20 =	vshll.u32 v20, $0x7  }
0x14c: {  	v16 =	vunpack.i.u.s16.s32 v16;
	v17 =	vshll.u32 v17, $0x7;
	v20 =	vor.u32 v4, v20  }
0x14d: {  	[tilespmem:s17+$0xFFFFFFC0] =	vst v12;
	v12 =	vld.idx.msk [tilespmem:v14+s7+$0x0], $0xffff;
	v14 =	vshll.u32 v16, $0x7;
	v16 =	vor.u32 v5, v17  }
0x14e: {  	[tilespmem:s17+$0xFFFFFFD0] =	vst v13;
	v13 =	vld.idx.msk [tilespmem:v15+s7+$0x0], $0xffff;
	v14 =	vor.u32 v5, v14;
	v15 =	vunpack.i.l.s16.s32 v19  }
0x14f: {  	v17 =	vld [tilespmem:s18+$0x10];
	v19 =	vunpack.i.u.s16.s32 v19;
	v15 =	vshll.u32 v15, $0x7  }
0x150: {  	v18 =	vld.idx.msk [tilespmem:v18+s7+$0x0], $0xffff;
	v19 =	vshll.u32 v19, $0x7;
	v15 =	vor.u32 v4, v15  }
0x151: {  	v19 =	vor.u32 v5, v19;
	v20 =	vld.idx.msk [tilespmem:v20+s7+$0x0], $0xffff  }
0x152: {  	[tilespmem:s20+$0x40] =	vst v12;
	v12 =	vld.idx.msk [tilespmem:v16+s7+$0x0], $0xffff  }
0x153: {  	s22 =	sor.u32 $0x70, s22;
	[tilespmem:s20+$0x50] =	vst v13;
	v13 =	vld.idx.msk [tilespmem:v14+s7+$0x0], $0xffff  }
0x154: {  	v14 =	vld [tilespmem:s22+$0x0]  }
0x155: {  	[tilespmem:s20+$0xFFFFFFC0] =	vst v18;
	v15 =	vld.idx.msk [tilespmem:v15+s7+$0x0], $0xffff  }
0x156: {  	v16 =	vld.idx.msk [tilespmem:v19+s7+$0x0], $0xffff;
	[tilespmem:s23+$0x40] =	vst v20  }
0x157: {  	v9 =	vunpack.i.l.s16.s32 v9;
	s26 =	sor.u32 $0x70, s24;
	[tilespmem:s23+$0x50] =	vst v12  }
0x158: {  	v9 =	vshll.u32 v9, $0x7;
	[tilespmem:s20+$0xFFFFFFD0] =	vst v13;
	v12 =	vld [tilespmem:s26+$0x0]  }
0x159: {  	v9 =	vor.u32 v6, v9;
	v13 =	vunpack.i.u.s16.s32 v14;
	v18 =	vld [tilespmem:s19+$0x10]  }
0x15a: {  	v19 =	vunpack.i.l.s16.s32 v17;
	v13 =	vshll.u32 v13, $0x7;
	[tilespmem:s23+$0xFFFFFFC0] =	vst v15  }
0x15b: {  	v11 =	vld.idx.msk [tilespmem:v11+s7+$0x0], $0xffff;
	v14 =	vunpack.i.l.s16.s32 v14;
	v15 =	vshll.u32 v19, $0x7;
	v13 =	vor.u32 v7, v13;
	[tilespmem:s23+$0xFFFFFFD0] =	vst v16  }
0x15c: {  	v14 =	vshll.u32 v14, $0x7;
	v16 =	vunpack.i.u.s16.s32 v17;
	v15 =	vor.u32 v6, v15;
	v17 =	vld [tilespmem:s21+$0x10]  }
0x15d: {  	v10 =	vld.idx.msk [tilespmem:v10+s7+$0x0], $0xffff;
	v14 =	vor.u32 v6, v14;
	v16 =	vshll.u32 v16, $0x7;
	v19 =	vunpack.i.u.s16.s32 v12  }
0x15e: {  	v9 =	vld.idx.msk [tilespmem:v9+s7+$0x0], $0xffff;
	v16 =	vor.u32 v7, v16;
	v20 =	vunpack.i.l.s16.s32 v18;
	v19 =	vshll.u32 v19, $0x7  }
0x15f: {  	v8 =	vld.idx.msk [tilespmem:v8+s7+$0x0], $0xffff;
	v12 =	vunpack.i.l.s16.s32 v12;
	v20 =	vshll.u32 v20, $0x7;
	v19 =	vor.u32 v7, v19  }
0x160: {  	v18 =	vunpack.i.u.s16.s32 v18;
	v13 =	vld.idx.msk [tilespmem:v13+s7+$0x0], $0xffff;
	v12 =	vshll.u32 v12, $0x7;
	v20 =	vor.u32 v6, v20  }
0x161: {  	[tilespmem:s17+$0x70] =	vst v11;
	v11 =	vld.idx.msk [tilespmem:v15+s7+$0x0], $0xffff;
	v15 =	vshll.u32 v18, $0x7;
	v12 =	vor.u32 v6, v12;
	v18 =	vunpack.i.l.s16.s32 v17  }
0x162: {  	[tilespmem:s16+$0xFFFFFFE0] =	vst v10;
	v10 =	vld.idx.msk [tilespmem:v14+s7+$0x0], $0xffff;
	v14 =	vor.u32 v7, v15;
	v15 =	vunpack.i.u.s16.s32 v17;
	v17 =	vshll.u32 v18, $0x7  }
0x163: {  	[tilespmem:s17+$0x60] =	vst v9;
	v9 =	vld.idx.msk [tilespmem:v16+s7+$0x0], $0xffff;
	v15 =	vshll.u32 v15, $0x7;
	v16 =	vor.u32 v6, v17  }
0x164: {  	[tilespmem:s16+$0xFFFFFFF0] =	vst v8;
	v15 =	vor.u32 v7, v15;
	v8 =	vld.idx.msk [tilespmem:v19+s7+$0x0], $0xffff  }
0x165: {  	[tilespmem:s20+$0x70] =	vst v13;
	v13 =	vld.idx.msk [tilespmem:v20+s7+$0x0], $0xffff  }
0x166: {  	[tilespmem:s17+$0xFFFFFFE0] =	vst v11;
	v11 =	vld.idx.msk [tilespmem:v12+s7+$0x0], $0xffff  }
0x167: {  	[tilespmem:s20+$0x60] =	vst v10;
	v10 =	vld.idx.msk [tilespmem:v14+s7+$0x0], $0xffff  }
0x168: {  	[tilespmem:s17+$0xFFFFFFF0] =	vst v9;
	v9 =	vld.idx.msk [tilespmem:v16+s7+$0x0], $0xffff  }
0x169: {  	[tilespmem:s23+$0x70] =	vst v8;
	v8 =	vld.idx.msk [tilespmem:v15+s7+$0x0], $0xffff  }
0x16a: {  	[tilespmem:s20+$0xFFFFFFE0] =	vst v13  }
0x16b: {  	[tilespmem:s23+$0x60] =	vst v11  }
0x16c: {  	[tilespmem:s20+$0xFFFFFFF0] =	vst v10  }
0x16d: {  	[tilespmem:s23+$0xFFFFFFE0] =	vst v9  }
0x16e: {  	[tilespmem:s23+$0xFFFFFFF0] =	vst v8  }
0x16f: {  	v8 =	vld [tilespmem:$0xE80];
	_ =	sdelay $0x4  }
0x170: {  	v9 =	vunpack.i.l.s16.s32 v8  }
0x171: {  	v8 =	vunpack.i.u.s16.s32 v8;
	v9 =	vshll.u32 v9, $0x7  }
0x172: {  	v10 =	vld [tilespmem:$0xE90];
	v8 =	vshll.u32 v8, $0x7;
	v9 =	vor.u32 v0, v9  }
0x173: {  	v8 =	vor.u32 v1, v8;
	_ =	sdelay $0x3  }
0x174: {  	v11 =	vunpack.i.l.s16.s32 v10;
	v9 =	vld.idx.msk [tilespmem:v9+s7+$0x0], $0xffff  }
0x175: {  	v10 =	vunpack.i.u.s16.s32 v10;
	v11 =	vshll.u32 v11, $0x7;
	v8 =	vld.idx.msk [tilespmem:v8+s7+$0x0], $0xffff  }
0x176: {  	v12 =	vld [tilespmem:$0xEA0];
	v10 =	vshll.u32 v10, $0x7;
	v11 =	vor.u32 v2, v11  }
0x177: {  	v10 =	vor.u32 v3, v10;
	_ =	sdelay $0x1  }
0x178: {  	[tilespmem:$0x17700] =	vst v9  }
0x179: {  	[tilespmem:$0x17710] =	vst v8  }
0x17a: {  	v9 =	vunpack.i.l.s16.s32 v12;
	v8 =	vld.idx.msk [tilespmem:v11+s7+$0x0], $0xffff  }
0x17b: {  	v10 =	vld.idx.msk [tilespmem:v10+s7+$0x0], $0xffff;
	v11 =	vunpack.i.u.s16.s32 v12;
	v9 =	vshll.u32 v9, $0x7  }
0x17c: {  	v12 =	vld [tilespmem:$0xEB0];
	v9 =	vor.u32 v4, v9;
	v11 =	vshll.u32 v11, $0x7  }
0x17d: {  	v11 =	vor.u32 v5, v11;
	_ =	sdelay $0x1  }
0x17e: {  	[tilespmem:$0x17720] =	vst v8  }
0x17f: {  	[tilespmem:$0x17730] =	vst v10  }
0x180: {  	v8 =	vld.idx.msk [tilespmem:v9+s7+$0x0], $0xffff;
	v9 =	vunpack.i.l.s16.s32 v12  }
0x181: {  	v10 =	vld.idx.msk [tilespmem:v11+s7+$0x0], $0xffff;
	v11 =	vunpack.i.u.s16.s32 v12;
	v9 =	vshll.u32 v9, $0x7  }
0x182: {  	v9 =	vor.u32 v6, v9;
	v11 =	vshll.u32 v11, $0x7  }
0x183: {  	v11 =	vor.u32 v7, v11;
	_ =	sdelay $0x1  }
0x184: {  	[tilespmem:$0x17740] =	vst v8  }
0x185: {  	[tilespmem:$0x17750] =	vst v10  }
0x186: {  	v8 =	vld.idx.msk [tilespmem:v9+s7+$0x0], $0xffff  }
0x187: {  	v9 =	vld.idx.msk [tilespmem:v11+s7+$0x0], $0xffff;
	_ =	sdelay $0x3  }
0x188: {  	[tilespmem:$0x17760] =	vst v8  }
0x189: {  	s28 =	sadd.s32 s2, s14;
	s16 =	simm.s32 @!p0 $0x3;
	[tilespmem:$0x17770] =	vst v9  }
0x18a: {  	[hbm4b:s28+s6] =	stream.strided.scatter [tilespmem:s9], [sflag:$0x2], $0x1D80, s25, s6, $0x38;
	[tilespmem:$0x19A00] =	vst v63  }
0x18b: {  	_ =	swait.ge @!p0 [sflag:s16], $0x1D80  }
0x18c: {  	[sflag:s16] =	ssyncset.done @!p0 $0x0  }
0x18d: {  	s29 =	simm.s32 $0xF30;
	[sflag:s16] =	ssyncadd.s32 @!p0 $0xFFFFE280  }
0x18e: {  	v8 =	vld [tilespmem:s29+$0xFFFFFFD0];
	_ =	sdelay $0x4  }
0x18f: {  	v9 =	vunpack.i.l.s16.s32 v8  }
0x190: {  	v8 =	vunpack.i.u.s16.s32 v8;
	v9 =	vshll.u32 v9, $0x7  }
0x191: {  	v8 =	vshll.u32 v8, $0x7;
	v9 =	vor.u32 v0, v9  }
0x192: {  	v8 =	vor.u32 v1, v8;
	_ =	sdelay $0x3  }
0x193: {  	v9 =	vld.idx.msk [tilespmem:v9+s7+$0x0], $0xffff  }
0x194: {  	v8 =	vld.idx.msk [tilespmem:v8+s7+$0x0], $0xffff  }
0x195: {  	v10 =	vld [tilespmem:s29+$0xFFFFFF90];
	_ =	sdelay $0x1  }
0x196: {  	s16 =	simm.s32 $0x17A80  }
0x197: {  	[tilespmem:s16+$0x0] =	vst v9  }
0x198: {  	[tilespmem:s16+$0x10] =	vst v8  }
0x199: {  	v8 =	vunpack.i.l.s16.s32 v10;
	v9 =	vld [tilespmem:s29+$0xFFFFFFE0]  }
0x19a: {  	v10 =	vunpack.i.u.s16.s32 v10;
	v8 =	vshll.u32 v8, $0x7  }
0x19b: {  	s18 =	simm.s32 $0xFB0;
	v10 =	vshll.u32 v10, $0x7;
	v8 =	vor.u32 v0, v8  }
0x19c: {  	v11 =	vld [tilespmem:s18+$0xFFFFFFD0];
	v10 =	vor.u32 v1, v10;
	_ =	sdelay $0x1  }
0x19d: {  	v12 =	vunpack.i.l.s16.s32 v9  }
0x19e: {  	v9 =	vunpack.i.u.s16.s32 v9;
	v12 =	vshll.u32 v12, $0x7  }
0x19f: {  	v8 =	vld.idx.msk [tilespmem:v8+s7+$0x0], $0xffff;
	v9 =	vshll.u32 v9, $0x7;
	v12 =	vor.u32 v2, v12  }
0x1a0: {  	v13 =	vunpack.i.l.s16.s32 v11;
	v11 =	vunpack.i.u.s16.s32 v11;
	v10 =	vld.idx.msk [tilespmem:v10+s7+$0x0], $0xffff;
	v9 =	vor.u32 v3, v9  }
0x1a1: {  	v11 =	vshll.u32 v11, $0x7  }
0x1a2: {  	v13 =	vshll.u32 v13, $0x7;
	v11 =	vor.u32 v1, v11  }
0x1a3: {  	v14 =	vld [tilespmem:s18+$0xFFFFFF90];
	v13 =	vor.u32 v0, v13  }
0x1a4: {  	[tilespmem:s16+$0xFFFFFF80] =	vst v8;
	v8 =	vld.idx.msk [tilespmem:v12+s7+$0x0], $0xffff  }
0x1a5: {  	[tilespmem:s16+$0xFFFFFF90] =	vst v10;
	v9 =	vld.idx.msk [tilespmem:v9+s7+$0x0], $0xffff  }
0x1a6: {  	v10 =	vld [tilespmem:s29+$0xFFFFFFA0]  }
0x1a7: {  	v11 =	vld.idx.msk [tilespmem:v11+s7+$0x0], $0xffff  }
0x1a8: {  	v12 =	vld.idx.msk [tilespmem:v13+s7+$0x0], $0xffff;
	v13 =	vunpack.i.l.s16.s32 v14  }
0x1a9: {  	v14 =	vunpack.i.u.s16.s32 v14;
	v13 =	vshll.u32 v13, $0x7;
	[tilespmem:s16+$0x20] =	vst v8  }
0x1aa: {  	v13 =	vor.u32 v0, v13;
	v8 =	vshll.u32 v14, $0x7;
	[tilespmem:s16+$0x30] =	vst v9  }
0x1ab: {  	s17 =	simm.s32 $0x17B80;
	v9 =	vunpack.i.l.s16.s32 v10;
	v8 =	vor.u32 v1, v8;
	v14 =	vld [tilespmem:s29+$0xFFFFFFF0]  }
0x1ac: {  	[tilespmem:s17+$0x10] =	vst v11;
	v10 =	vunpack.i.u.s16.s32 v10;
	v9 =	vshll.u32 v9, $0x7  }
0x1ad: {  	[tilespmem:s17+$0x0] =	vst v12;
	v10 =	vshll.u32 v10, $0x7;
	v9 =	vor.u32 v2, v9  }
0x1ae: {  	v11 =	vld [tilespmem:s18+$0xFFFFFFE0];
	v10 =	vor.u32 v3, v10  }
0x1af: {  	v12 =	vld.idx.msk [tilespmem:v13+s7+$0x0], $0xffff  }
0x1b0: {  	s19 =	simm.s32 $0x1030;
	v8 =	vld.idx.msk [tilespmem:v8+s7+$0x0], $0xffff;
	v13 =	vunpack.i.l.s16.s32 v14  }
0x1b1: {  	v15 =	vld [tilespmem:s19+$0xFFFFFFD0];
	v14 =	vunpack.i.u.s16.s32 v14;
	v13 =	vshll.u32 v13, $0x7  }
0x1b2: {  	v9 =	vld.idx.msk [tilespmem:v9+s7+$0x0], $0xffff;
	v14 =	vshll.u32 v14, $0x7;
	v13 =	vor.u32 v4, v13  }
0x1b3: {  	v16 =	vunpack.i.l.s16.s32 v11;
	v11 =	vunpack.i.u.s16.s32 v11;
	v10 =	vld.idx.msk [tilespmem:v10+s7+$0x0], $0xffff;
	v14 =	vor.u32 v5, v14  }
0x1b4: {  	[tilespmem:s17+$0xFFFFFF80] =	vst v12;
	v12 =	vld [tilespmem:s19+$0xFFFFFF90];
	v11 =	vshll.u32 v11, $0x7  }
0x1b5: {  	v16 =	vshll.u32 v16, $0x7;
	v11 =	vor.u32 v3, v11;
	[tilespmem:s17+$0xFFFFFF90] =	vst v8  }
0x1b6: {  	v17 =	vunpack.i.l.s16.s32 v15;
	v8 =	vor.u32 v2, v16;
	v16 =	vld [tilespmem:s18+$0xFFFFFFA0]  }
0x1b7: {  	[tilespmem:s16+$0xFFFFFFA0] =	vst v9;
	v9 =	vld.idx.msk [tilespmem:v13+s7+$0x0], $0xffff;
	v13 =	vshll.u32 v17, $0x7  }
0x1b8: {  	[tilespmem:s16+$0xFFFFFFB0] =	vst v10;
	v10 =	vld.idx.msk [tilespmem:v14+s7+$0x0], $0xffff;
	v14 =	vunpack.i.u.s16.s32 v15;
	v13 =	vor.u32 v0, v13  }
0x1b9: {  	v15 =	vld [tilespmem:s29+$0xFFFFFFB0];
	v17 =	vunpack.i.l.s16.s32 v12;
	v14 =	vshll.u32 v14, $0x7  }
0x1ba: {  	v11 =	vld.idx.msk [tilespmem:v11+s7+$0x0], $0xffff;
	v17 =	vshll.u32 v17, $0x7;
	v14 =	vor.u32 v1, v14  }
0x1bb: {  	v12 =	vunpack.i.u.s16.s32 v12;
	v17 =	vor.u32 v0, v17;
	v8 =	vld.idx.msk [tilespmem:v8+s7+$0x0], $0xffff  }
0x1bc: {  	v12 =	vshll.u32 v12, $0x7;
	v18 =	vunpack.i.l.s16.s32 v16;
	[tilespmem:s16+$0x40] =	vst v9  }
0x1bd: {  	v12 =	vor.u32 v1, v12;
	v9 =	vunpack.i.u.s16.s32 v16;
	v16 =	vshll.u32 v18, $0x7;
	[tilespmem:s16+$0x50] =	vst v10;
	v13 =	vld.idx.msk [tilespmem:v13+s7+$0x0], $0xffff  }
0x1be: {  	v9 =	vshll.u32 v9, $0x7;
	v10 =	vor.u32 v2, v16;
	v16 =	vld [tilespmem:s29+$0x0]  }
0x1bf: {  	[tilespmem:s17+$0x30] =	vst v11;
	v11 =	vunpack.i.u.s16.s32 v15;
	v9 =	vor.u32 v3, v9;
	v14 =	vld.idx.msk [tilespmem:v14+s7+$0x0], $0xffff  }
0x1c0: {  	v11 =	vshll.u32 v11, $0x7;
	v17 =	vld.idx.msk [tilespmem:v17+s7+$0x0], $0xffff;
	[tilespmem:s17+$0x20] =	vst v8  }
0x1c1: {  	v18 =	vunpack.i.l.s16.s32 v15;
	v11 =	vor.u32 v5, v11;
	v15 =	vld [tilespmem:s18+$0xFFFFFFF0]  }
0x1c2: {  	s20 =	simm.s32 $0x17C80;
	v12 =	vld.idx.msk [tilespmem:v12+s7+$0x0], $0xffff;
	v8 =	vshll.u32 v18, $0x7  }
0x1c3: {  	v8 =	vor.u32 v4, v8;
	v10 =	vld.idx.msk [tilespmem:v10+s7+$0x0], $0xffff;
	[tilespmem:s20+$0x0] =	vst v13  }
0x1c4: {  	v13 =	vunpack.i.u.s16.s32 v16;
	v9 =	vld.idx.msk [tilespmem:v9+s7+$0x0], $0xffff;
	[tilespmem:s20+$0x10] =	vst v14  }
0x1c5: {  	v13 =	vshll.u32 v13, $0x7;
	v14 =	vld [tilespmem:s19+$0xFFFFFFE0]  }
0x1c6: {  	s21 =	simm.s32 $0x10B0;
	v11 =	vld.idx.msk [tilespmem:v11+s7+$0x0], $0xffff;
	v13 =	vor.u32 v7, v13;
	v18 =	vunpack.i.l.s16.s32 v15  }
0x1c7: {  	[tilespmem:s20+$0xFFFFFF80] =	vst v17;
	v15 =	vunpack.i.u.s16.s32 v15;
	v17 =	vshll.u32 v18, $0x7;
	v18 =	vld [tilespmem:s21+$0xFFFFFFD0]  }
0x1c8: {  	v16 =	vunpack.i.l.s16.s32 v16;
	[tilespmem:s20+$0xFFFFFF90] =	vst v12;
	v8 =	vld.idx.msk [tilespmem:v8+s7+$0x0], $0xffff;
	v15 =	vshll.u32 v15, $0x7;
	v12 =	vor.u32 v4, v17  }
0x1c9: {  	v16 =	vshll.u32 v16, $0x7;
	v17 =	vld [tilespmem:s19+$0xFFFFFFA0];
	v15 =	vor.u32 v5, v15  }
0x1ca: {  	v16 =	vor.u32 v6, v16;
	[tilespmem:s17+$0xFFFFFFA0] =	vst v10;
	v10 =	vld [tilespmem:s21+$0xFFFFFF90];
	v19 =	vunpack.i.l.s16.s32 v14  }
0x1cb: {  	[tilespmem:s17+$0xFFFFFFB0] =	vst v9;
	v13 =	vld.idx.msk [tilespmem:v13+s7+$0x0], $0xffff;
	v9 =	vunpack.i.u.s16.s32 v14;
	v14 =	vshll.u32 v19, $0x7  }
0x1cc: {  	v19 =	vld [tilespmem:s18+$0xFFFFFFB0];
	v9 =	vshll.u32 v9, $0x7;
	v14 =	vor.u32 v2, v14;
	v20 =	vunpack.i.l.s16.s32 v18  }
0x1cd: {  	v9 =	vor.u32 v3, v9;
	v12 =	vld.idx.msk [tilespmem:v12+s7+$0x0], $0xffff;
	v20 =	vshll.u32 v20, $0x7  }
0x1ce: {  	[tilespmem:s16+$0xFFFFFFC0] =	vst v8;
	v8 =	vld.idx.msk [tilespmem:v15+s7+$0x0], $0xffff;
	v15 =	vunpack.i.u.s16.s32 v18;
	v18 =	vor.u32 v0, v20  }
0x1cf: {  	[tilespmem:s16+$0xFFFFFFD0] =	vst v11;
	v11 =	vld.idx.msk [tilespmem:v16+s7+$0x0], $0xffff;
	v16 =	vunpack.i.l.s16.s32 v10;
	v15 =	vshll.u32 v15, $0x7  }
0x1d0: {  	v10 =	vunpack.i.u.s16.s32 v10;
	v20 =	vld [tilespmem:s29+$0xFFFFFFC0];
	v16 =	vshll.u32 v16, $0x7;
	v15 =	vor.u32 v1, v15  }
0x1d1: {  	v10 =	vshll.u32 v10, $0x7;
	v16 =	vor.u32 v0, v16;
	v14 =	vld.idx.msk [tilespmem:v14+s7+$0x0], $0xffff  }
0x1d2: {  	v61 =	vunpack.i.l.s16.s32 v17;
	v10 =	vor.u32 v1, v10;
	v22 =	vld.idx.msk [tilespmem:v9+s7+$0x0], $0xffff;
	[tilespmem:s17+$0x40] =	vst v12  }
0x1d3: {  	v9 =	vunpack.i.u.s16.s32 v17;
	v12 =	vshll.u32 v61, $0x7;
	[tilespmem:s17+$0x50] =	vst v8;
	v17 =	vld.idx.msk [tilespmem:v18+s7+$0x0], $0xffff;
	v18 =	vunpack.i.l.s16.s32 v19  }
0x1d4: {  	v8 =	vshll.u32 v9, $0x7;
	v12 =	vor.u32 v2, v12;
	v9 =	vld [tilespmem:s18+$0x0];
	v18 =	vshll.u32 v18, $0x7  }
0x1d5: {  	v62 =	vld.idx.msk [tilespmem:v15+s7+$0x0], $0xffff;
	v18 =	vor.u32 v4, v18  }
0x1d6: {  	v16 =	vld.idx.msk [tilespmem:v16+s7+$0x0], $0xffff;
	[tilespmem:s20+$0x20] =	vst v14  }
0x1d7: {  	v8 =	vor.u32 v3, v8;
	v15 =	vunpack.i.u.s16.s32 v19;
	v19 =	vld.idx.msk [tilespmem:v10+s7+$0x0], $0xffff;
	[tilespmem:s20+$0x30] =	vst v22  }
0x1d8: {  	v14 =	vshll.u32 v15, $0x7;
	v23 =	vld [tilespmem:s19+$0xFFFFFFF0]  }
0x1d9: {  	s22 =	simm.s32 $0x17D80;
	[tilespmem:s16+$0x60] =	vst v11;
	v63 =	vor.u32 v5, v14;
	v14 =	vld.idx.msk [tilespmem:v12+s7+$0x0], $0xffff  }
0x1da: {  	[tilespmem:s22+$0x0] =	vst v17;
	v12 =	vld.idx.msk [tilespmem:v18+s7+$0x0], $0xffff;
	v18 =	vunpack.i.u.s16.s32 v9  }
0x1db: {  	[tilespmem:s22+$0xFFFFFF80] =	vst v16;
	v16 =	vshll.u32 v18, $0x7  }
0x1dc: {  	v10 =	vunpack.i.u.s16.s32 v20;
	v15 =	vld.idx.msk [tilespmem:v8+s7+$0x0], $0xffff;
	v8 =	vunpack.i.l.s16.s32 v20;
	[tilespmem:s22+$0x10] =	vst v62;
	v11 =	vor.u32 v7, v16  }
0x1dd: {  	[tilespmem:s16+$0x70] =	vst v13;
	v10 =	vshll.u32 v10, $0x7;
	v13 =	vshll.u32 v8, $0x7;
	v17 =	vld [tilespmem:s21+$0xFFFFFFE0]  }
0x1de: {  	v8 =	vor.u32 v7, v10;
	[tilespmem:s22+$0xFFFFFF90] =	vst v19;
	v10 =	vor.u32 v6, v13;
	v19 =	vunpack.i.l.s16.s32 v23;
	v13 =	vld.idx.msk [tilespmem:v63+s7+$0x0], $0xffff  }
0x1df: {  	s24 =	simm.s32 $0x1130;
	s23 =	simm.s32 $0x6;
	v16 =	vld [tilespmem:s21+$0xFFFFFFA0];
	v18 =	vunpack.i.u.s16.s32 v23;
	v19 =	vshll.u32 v19, $0x7  }
.LBB2_5:
0x1e0: {  	v20 =	vld [tilespmem:s24+$0xFFFFFFD0];
	[tilespmem:s20+$0xFFFFFFA0] =	vst v14;
	v14 =	vor.u32 v4, v19;
	v18 =	vshll.u32 v18, $0x7;
	v9 =	vunpack.i.l.s16.s32 v9  }
0x1e1: {  	[tilespmem:s20+$0xFFFFFFB0] =	vst v15;
	v15 =	vor.u32 v5, v18;
	v9 =	vshll.u32 v9, $0x7;
	v11 =	vld.idx.msk [tilespmem:v11+s7+$0x0], $0xffff  }
0x1e2: {  	v18 =	vld [tilespmem:s24+$0xFFFFFF90];
	v19 =	vunpack.i.l.s16.s32 v17;
	[tilespmem:s17+$0xFFFFFFC0] =	vst v12;
	v9 =	vor.u32 v6, v9  }
0x1e3: {  	v12 =	vunpack.i.u.s16.s32 v17;
	v17 =	vshll.u32 v19, $0x7;
	v19 =	vld [tilespmem:s19+$0xFFFFFFB0]  }
0x1e4: {  	s23 =	sadd.s32 $0x2, s23;
	v12 =	vshll.u32 v12, $0x7;
	v21 =	vunpack.i.u.s16.s32 v16;
	v17 =	vor.u32 v2, v17;
	[tilespmem:s17+$0xFFFFFFD0] =	vst v13;
	v10 =	vld.idx.msk [tilespmem:v10+s7+$0x0], $0xffff  }
0x1e5: {  	p0 =	slt.u32 s23, $0x38;
	v16 =	vunpack.i.l.s16.s32 v16;
	v12 =	vor.u32 v3, v12;
	v13 =	vunpack.i.l.s16.s32 v20;
	v14 =	vld.idx.msk [tilespmem:v14+s7+$0x0], $0xffff  }
0x1e6: {  	v16 =	vshll.u32 v16, $0x7;
	v21 =	vshll.u32 v21, $0x7;
	v13 =	vshll.u32 v13, $0x7;
	v15 =	vld.idx.msk [tilespmem:v15+s7+$0x0], $0xffff  }
0x1e7: {  	v20 =	vunpack.i.u.s16.s32 v20;
	v22 =	vunpack.i.u.s16.s32 v18;
	v13 =	vor.u32 v0, v13;
	v23 =	vld.idx.msk [tilespmem:v9+s7+$0x0], $0xffff;
	[tilespmem:s17+$0x70] =	vst v11  }
0x1e8: {  	v9 =	vunpack.i.l.s16.s32 v18;
	v18 =	vshll.u32 v20, $0x7;
	v11 =	vshll.u32 v22, $0x7;
	v20 =	vld [tilespmem:s18+$0xFFFFFFC0];
	s18 =	smov.u32 s19;
	s19 =	smov.u32 s21;
	s21 =	smov.u32 s24  }
0x1e9: {  	v9 =	vshll.u32 v9, $0x7;
	v18 =	vor.u32 v1, v18;
	v11 =	vor.u32 v1, v11;
	v17 =	vld.idx.msk [tilespmem:v17+s7+$0x0], $0xffff  }
0x1ea: {  	v16 =	vor.u32 v2, v16;
	v21 =	vor.u32 v3, v21;
	v22 =	vor.u32 v0, v9;
	v12 =	vld.idx.msk [tilespmem:v12+s7+$0x0], $0xffff  }
0x1eb: {  	v9 =	vunpack.i.u.s16.s32 v19;
	v19 =	vunpack.i.l.s16.s32 v19;
	[tilespmem:s20+$0x40] =	vst v14;
	v14 =	vld.idx.msk [tilespmem:v8+s7+$0x0], $0xffff  }
0x1ec: {  	v9 =	vshll.u32 v9, $0x7;
	v8 =	vshll.u32 v19, $0x7;
	v13 =	vld.idx.msk [tilespmem:v13+s7+$0x0], $0xffff;
	[tilespmem:s20+$0x50] =	vst v15  }
0x1ed: {  	v24 =	vor.u32 v5, v9;
	v19 =	vor.u32 v4, v8;
	v9 =	vld [tilespmem:s18+$0x0];
	v8 =	vunpack.i.u.s16.s32 v20;
	[tilespmem:s16+$0xFFFFFFE0] =	vst v10  }
0x1ee: {  	v10 =	vunpack.i.l.s16.s32 v20;
	v18 =	vld.idx.msk [tilespmem:v18+s7+$0x0], $0xffff;
	v8 =	vshll.u32 v8, $0x7;
	[tilespmem:s17+$0x60] =	vst v23  }
0x1ef: {  	v10 =	vshll.u32 v10, $0x7;
	v20 =	vld.idx.msk [tilespmem:v22+s7+$0x0], $0xffff;
	[tilespmem:s22+$0x20] =	vst v17;
	v8 =	vor.u32 v7, v8  }
0x1f0: {  	v10 =	vor.u32 v6, v10;
	v22 =	vld.idx.msk [tilespmem:v11+s7+$0x0], $0xffff;
	[tilespmem:s22+$0x30] =	vst v12  }
0x1f1: {  	v23 =	vld [tilespmem:s19+$0xFFFFFFF0];
	[tilespmem:s16+$0xFFFFFFF0] =	vst v14;
	s16 =	smov.u32 s17;
	s17 =	smov.u32 s20;
	s20 =	smov.u32 s22  }
0x1f2: {  	s22 =	sadd.s32 $0x100, s22;
	v14 =	vld.idx.msk [tilespmem:v16+s7+$0x0], $0xffff;
	v11 =	vunpack.i.u.s16.s32 v9  }
.Ltmp1:
0x1f3: {  	[tilespmem:s22+$0x0] =	vst v13;
	v15 =	vld.idx.msk [tilespmem:v21+s7+$0x0], $0xffff;
	v11 =	vshll.u32 v11, $0x7;
	(pc) =	sbr.rel @p0 .LBB2_5-.Ltmp1, $4  }
0x1f4: {  	[tilespmem:s22+$0x10] =	vst v18;
	v12 =	vld.idx.msk [tilespmem:v19+s7+$0x0], $0xffff;
	v11 =	vor.u32 v7, v11  }
0x1f5: {  	[tilespmem:s22+$0xFFFFFF80] =	vst v20;
	v17 =	vld [tilespmem:s24+$0xFFFFFFE0]  }
0x1f6: {  	[tilespmem:s22+$0xFFFFFF90] =	vst v22;
	v19 =	vunpack.i.l.s16.s32 v23;
	v13 =	vld.idx.msk [tilespmem:v24+s7+$0x0], $0xffff  }
0x1f7: {  	s24 =	sadd.s32 $0x80, s24;
	v18 =	vunpack.i.u.s16.s32 v23;
	v16 =	vld [tilespmem:s21+$0xFFFFFFA0];
	v19 =	vshll.u32 v19, $0x7  }
0x1f8: {  	_ =	sdelay $0x1  }
0x1f9: {  	v20 =	vunpack.i.l.s16.s32 v17  }
0x1fa: {  	v17 =	vunpack.i.u.s16.s32 v17;
	v20 =	vshll.u32 v20, $0x7  }
0x1fb: {  	v17 =	vshll.u32 v17, $0x7;
	v20 =	vor.u32 v2, v20  }
0x1fc: {  	v17 =	vor.u32 v3, v17  }
0x1fd: {  	v21 =	vunpack.i.l.s16.s32 v16  }
0x1fe: {  	v16 =	vunpack.i.u.s16.s32 v16;
	v21 =	vshll.u32 v21, $0x7  }
0x1ff: {  	v16 =	vshll.u32 v16, $0x7;
	v21 =	vor.u32 v2, v21  }
0x200: {  	v16 =	vor.u32 v3, v16;
	v20 =	vld.idx.msk [tilespmem:v20+s7+$0x0], $0xffff  }
0x201: {  	v17 =	vld.idx.msk [tilespmem:v17+s7+$0x0], $0xffff;
	_ =	sdelay $0x1  }
0x202: {  	[tilespmem:s20+$0xFFFFFFA0] =	vst v14  }
0x203: {  	[tilespmem:s20+$0xFFFFFFB0] =	vst v15;
	v14 =	vld.idx.msk [tilespmem:v21+s7+$0x0], $0xffff  }
0x204: {  	v15 =	vld.idx.msk [tilespmem:v16+s7+$0x0], $0xffff;
	[tilespmem:s22+$0x20] =	vst v20  }
0x205: {  	v16 =	vld [tilespmem:s19+$0xFFFFFFB0];
	[tilespmem:s22+$0x30] =	vst v17  }
0x206: {  	v17 =	vld [tilespmem:s21+$0xFFFFFFF0];
	_ =	sdelay $0x1  }
0x207: {  	[tilespmem:s22+$0xFFFFFFA0] =	vst v14  }
0x208: {  	v18 =	vshll.u32 v18, $0x7;
	v14 =	vor.u32 v4, v19;
	[tilespmem:s22+$0xFFFFFFB0] =	vst v15  }
0x209: {  	v15 =	vor.u32 v5, v18;
	v18 =	vunpack.i.l.s16.s32 v16;
	v19 =	vld [tilespmem:s21+$0xFFFFFFB0]  }
0x20a: {  	v18 =	vshll.u32 v18, $0x7;
	v20 =	vunpack.i.l.s16.s32 v17  }
0x20b: {  	v18 =	vor.u32 v4, v18;
	v17 =	vunpack.i.u.s16.s32 v17;
	v20 =	vshll.u32 v20, $0x7  }
0x20c: {  	v16 =	vunpack.i.u.s16.s32 v16;
	v17 =	vshll.u32 v17, $0x7;
	v20 =	vor.u32 v4, v20  }
0x20d: {  	[tilespmem:s17+$0xFFFFFFC0] =	vst v12;
	v12 =	vld.idx.msk [tilespmem:v14+s7+$0x0], $0xffff;
	v14 =	vshll.u32 v16, $0x7;
	v16 =	vor.u32 v5, v17  }
0x20e: {  	[tilespmem:s17+$0xFFFFFFD0] =	vst v13;
	v13 =	vld.idx.msk [tilespmem:v15+s7+$0x0], $0xffff;
	v14 =	vor.u32 v5, v14;
	v15 =	vunpack.i.l.s16.s32 v19  }
0x20f: {  	v17 =	vld [tilespmem:s18+$0xFFFFFFC0];
	v19 =	vunpack.i.u.s16.s32 v19;
	v15 =	vshll.u32 v15, $0x7  }
0x210: {  	v18 =	vld.idx.msk [tilespmem:v18+s7+$0x0], $0xffff;
	v19 =	vshll.u32 v19, $0x7;
	v15 =	vor.u32 v4, v15  }
0x211: {  	v19 =	vor.u32 v5, v19;
	v20 =	vld.idx.msk [tilespmem:v20+s7+$0x0], $0xffff  }
0x212: {  	[tilespmem:s20+$0x40] =	vst v12;
	v12 =	vld.idx.msk [tilespmem:v16+s7+$0x0], $0xffff  }
0x213: {  	[tilespmem:s20+$0x50] =	vst v13;
	v13 =	vld.idx.msk [tilespmem:v14+s7+$0x0], $0xffff  }
0x214: {  	v14 =	vld [tilespmem:s19+$0x0]  }
0x215: {  	[tilespmem:s20+$0xFFFFFFC0] =	vst v18;
	v15 =	vld.idx.msk [tilespmem:v15+s7+$0x0], $0xffff  }
0x216: {  	v16 =	vld.idx.msk [tilespmem:v19+s7+$0x0], $0xffff;
	[tilespmem:s22+$0x40] =	vst v20  }
0x217: {  	v9 =	vunpack.i.l.s16.s32 v9;
	[tilespmem:s22+$0x50] =	vst v12  }
0x218: {  	v9 =	vshll.u32 v9, $0x7;
	[tilespmem:s20+$0xFFFFFFD0] =	vst v13;
	v12 =	vld [tilespmem:s21+$0x0]  }
0x219: {  	v9 =	vor.u32 v6, v9;
	v13 =	vunpack.i.u.s16.s32 v14;
	v18 =	vld [tilespmem:s19+$0xFFFFFFC0]  }
0x21a: {  	v19 =	vunpack.i.l.s16.s32 v17;
	v13 =	vshll.u32 v13, $0x7;
	[tilespmem:s22+$0xFFFFFFC0] =	vst v15  }
0x21b: {  	v11 =	vld.idx.msk [tilespmem:v11+s7+$0x0], $0xffff;
	v14 =	vunpack.i.l.s16.s32 v14;
	v15 =	vshll.u32 v19, $0x7;
	v13 =	vor.u32 v7, v13;
	[tilespmem:s22+$0xFFFFFFD0] =	vst v16  }
0x21c: {  	v14 =	vshll.u32 v14, $0x7;
	v16 =	vunpack.i.u.s16.s32 v17;
	v15 =	vor.u32 v6, v15;
	v17 =	vld [tilespmem:s21+$0xFFFFFFC0]  }
0x21d: {  	v10 =	vld.idx.msk [tilespmem:v10+s7+$0x0], $0xffff;
	v14 =	vor.u32 v6, v14;
	v16 =	vshll.u32 v16, $0x7;
	v19 =	vunpack.i.u.s16.s32 v12  }
0x21e: {  	v9 =	vld.idx.msk [tilespmem:v9+s7+$0x0], $0xffff;
	v16 =	vor.u32 v7, v16;
	v20 =	vunpack.i.l.s16.s32 v18;
	v19 =	vshll.u32 v19, $0x7  }
0x21f: {  	v8 =	vld.idx.msk [tilespmem:v8+s7+$0x0], $0xffff;
	v12 =	vunpack.i.l.s16.s32 v12;
	v20 =	vshll.u32 v20, $0x7;
	v19 =	vor.u32 v7, v19  }
0x220: {  	v18 =	vunpack.i.u.s16.s32 v18;
	v13 =	vld.idx.msk [tilespmem:v13+s7+$0x0], $0xffff;
	v12 =	vshll.u32 v12, $0x7;
	v20 =	vor.u32 v6, v20  }
0x221: {  	[tilespmem:s17+$0x70] =	vst v11;
	v11 =	vld.idx.msk [tilespmem:v15+s7+$0x0], $0xffff;
	v15 =	vshll.u32 v18, $0x7;
	v12 =	vor.u32 v6, v12;
	v18 =	vunpack.i.l.s16.s32 v17  }
0x222: {  	[tilespmem:s16+$0xFFFFFFE0] =	vst v10;
	v10 =	vld.idx.msk [tilespmem:v14+s7+$0x0], $0xffff;
	v14 =	vor.u32 v7, v15;
	v15 =	vunpack.i.u.s16.s32 v17;
	v17 =	vshll.u32 v18, $0x7  }
0x223: {  	[tilespmem:s17+$0x60] =	vst v9;
	v9 =	vld.idx.msk [tilespmem:v16+s7+$0x0], $0xffff;
	v15 =	vshll.u32 v15, $0x7;
	v16 =	vor.u32 v6, v17  }
0x224: {  	[tilespmem:s16+$0xFFFFFFF0] =	vst v8;
	v15 =	vor.u32 v7, v15;
	v8 =	vld.idx.msk [tilespmem:v19+s7+$0x0], $0xffff  }
0x225: {  	[tilespmem:s20+$0x70] =	vst v13;
	v13 =	vld.idx.msk [tilespmem:v20+s7+$0x0], $0xffff  }
0x226: {  	[tilespmem:s17+$0xFFFFFFE0] =	vst v11;
	v11 =	vld.idx.msk [tilespmem:v12+s7+$0x0], $0xffff  }
0x227: {  	[tilespmem:s20+$0x60] =	vst v10;
	v10 =	vld.idx.msk [tilespmem:v14+s7+$0x0], $0xffff  }
0x228: {  	[tilespmem:s17+$0xFFFFFFF0] =	vst v9;
	v9 =	vld.idx.msk [tilespmem:v16+s7+$0x0], $0xffff  }
0x229: {  	[tilespmem:s22+$0x70] =	vst v8;
	v8 =	vld.idx.msk [tilespmem:v15+s7+$0x0], $0xffff  }
0x22a: {  	[tilespmem:s20+$0xFFFFFFE0] =	vst v13  }
0x22b: {  	[tilespmem:s22+$0x60] =	vst v11  }
0x22c: {  	[tilespmem:s20+$0xFFFFFFF0] =	vst v10  }
0x22d: {  	[tilespmem:s22+$0xFFFFFFE0] =	vst v9  }
0x22e: {  	[tilespmem:s22+$0xFFFFFFF0] =	vst v8  }
0x22f: {  	v8 =	vld [tilespmem:$0x1D40];
	_ =	sdelay $0x4  }
0x230: {  	v9 =	vunpack.i.l.s16.s32 v8  }
0x231: {  	v8 =	vunpack.i.u.s16.s32 v8;
	v9 =	vshll.u32 v9, $0x7  }
0x232: {  	v10 =	vld [tilespmem:$0x1D50];
	v8 =	vshll.u32 v8, $0x7;
	v9 =	vor.u32 v0, v9  }
0x233: {  	v8 =	vor.u32 v1, v8;
	_ =	sdelay $0x3  }
0x234: {  	v11 =	vunpack.i.l.s16.s32 v10;
	v9 =	vld.idx.msk [tilespmem:v9+s7+$0x0], $0xffff  }
0x235: {  	v10 =	vunpack.i.u.s16.s32 v10;
	v11 =	vshll.u32 v11, $0x7;
	v8 =	vld.idx.msk [tilespmem:v8+s7+$0x0], $0xffff  }
0x236: {  	v12 =	vld [tilespmem:$0x1D60];
	v10 =	vshll.u32 v10, $0x7;
	v11 =	vor.u32 v2, v11  }
0x237: {  	v10 =	vor.u32 v3, v10;
	_ =	sdelay $0x1  }
0x238: {  	[tilespmem:$0x19700] =	vst v9  }
0x239: {  	[tilespmem:$0x19710] =	vst v8  }
0x23a: {  	v9 =	vunpack.i.l.s16.s32 v12;
	v8 =	vld.idx.msk [tilespmem:v11+s7+$0x0], $0xffff  }
0x23b: {  	v10 =	vld.idx.msk [tilespmem:v10+s7+$0x0], $0xffff;
	v11 =	vunpack.i.u.s16.s32 v12;
	v9 =	vshll.u32 v9, $0x7  }
0x23c: {  	v12 =	vld [tilespmem:$0x1D70];
	v9 =	vor.u32 v4, v9;
	v11 =	vshll.u32 v11, $0x7  }
0x23d: {  	v11 =	vor.u32 v5, v11;
	_ =	sdelay $0x1  }
0x23e: {  	[tilespmem:$0x19720] =	vst v8  }
0x23f: {  	[tilespmem:$0x19730] =	vst v10  }
0x240: {  	v8 =	vld.idx.msk [tilespmem:v9+s7+$0x0], $0xffff;
	v9 =	vunpack.i.l.s16.s32 v12  }
0x241: {  	v10 =	vld.idx.msk [tilespmem:v11+s7+$0x0], $0xffff;
	v11 =	vunpack.i.u.s16.s32 v12;
	v9 =	vshll.u32 v9, $0x7  }
0x242: {  	v9 =	vor.u32 v6, v9;
	v11 =	vshll.u32 v11, $0x7  }
0x243: {  	v11 =	vor.u32 v7, v11;
	_ =	sdelay $0x1  }
0x244: {  	[tilespmem:$0x19740] =	vst v8  }
0x245: {  	[tilespmem:$0x19750] =	vst v10  }
0x246: {  	v8 =	vld.idx.msk [tilespmem:v9+s7+$0x0], $0xffff  }
0x247: {  	v9 =	vld.idx.msk [tilespmem:v11+s7+$0x0], $0xffff;
	_ =	sdelay $0x2  }
0x248: {  	s28 =	sadd.s32 s0, s15  }
0x249: {  	s16 =	sshrl.u32 s28, $0x3;
	[tilespmem:$0x19760] =	vst v8  }
0x24a: {  	s16 =	sadd.s32 s2, s16;
	[tilespmem:$0x19770] =	vst v9  }
0x24b: {  	[hbm4b:s16+s6] =	stream.strided.scatter [tilespmem:s10], [sflag:$0x3], $0x1D80, s25, s6, $0x38;
	[tilespmem:$0x19A00] =	vst v63  }
0x24c: {  	_ =	swait.ge [sflag:s11], $0x1D80  }
0x24d: {  	[sflag:s11] =	ssyncset.done $0x0  }
0x24e: {  	s29 =	simm.s32 $0x1DF0;
	[sflag:s11] =	ssyncadd.s32 $0xFFFFE280  }
0x24f: {  	v8 =	vld [tilespmem:s29+$0xFFFFFFD0];
	_ =	sdelay $0x4  }
0x250: {  	v9 =	vunpack.i.l.s16.s32 v8  }
0x251: {  	v8 =	vunpack.i.u.s16.s32 v8;
	v9 =	vshll.u32 v9, $0x7  }
0x252: {  	v8 =	vshll.u32 v8, $0x7;
	v9 =	vor.u32 v0, v9  }
0x253: {  	v8 =	vor.u32 v1, v8;
	_ =	sdelay $0x3  }
0x254: {  	v9 =	vld.idx.msk [tilespmem:v9+s7+$0x0], $0xffff  }
0x255: {  	v8 =	vld.idx.msk [tilespmem:v8+s7+$0x0], $0xffff  }
0x256: {  	v10 =	vld [tilespmem:s29+$0xFFFFFF90];
	_ =	sdelay $0x1  }
0x257: {  	s16 =	simm.s32 $0x15A80  }
0x258: {  	[tilespmem:s16+$0x0] =	vst v9  }
0x259: {  	[tilespmem:s16+$0x10] =	vst v8  }
0x25a: {  	v8 =	vunpack.i.l.s16.s32 v10;
	v9 =	vld [tilespmem:s29+$0xFFFFFFE0]  }
0x25b: {  	v10 =	vunpack.i.u.s16.s32 v10;
	v8 =	vshll.u32 v8, $0x7  }
0x25c: {  	s18 =	simm.s32 $0x1E70;
	v10 =	vshll.u32 v10, $0x7;
	v8 =	vor.u32 v0, v8  }
0x25d: {  	v11 =	vld [tilespmem:s18+$0xFFFFFFD0];
	v10 =	vor.u32 v1, v10;
	_ =	sdelay $0x1  }
0x25e: {  	v12 =	vunpack.i.l.s16.s32 v9  }
0x25f: {  	v9 =	vunpack.i.u.s16.s32 v9;
	v12 =	vshll.u32 v12, $0x7  }
0x260: {  	v8 =	vld.idx.msk [tilespmem:v8+s7+$0x0], $0xffff;
	v9 =	vshll.u32 v9, $0x7;
	v12 =	vor.u32 v2, v12  }
0x261: {  	v13 =	vunpack.i.l.s16.s32 v11;
	v11 =	vunpack.i.u.s16.s32 v11;
	v10 =	vld.idx.msk [tilespmem:v10+s7+$0x0], $0xffff;
	v9 =	vor.u32 v3, v9  }
0x262: {  	v11 =	vshll.u32 v11, $0x7  }
0x263: {  	v13 =	vshll.u32 v13, $0x7;
	v11 =	vor.u32 v1, v11  }
0x264: {  	v14 =	vld [tilespmem:s18+$0xFFFFFF90];
	v13 =	vor.u32 v0, v13  }
0x265: {  	[tilespmem:s16+$0xFFFFFF80] =	vst v8;
	v8 =	vld.idx.msk [tilespmem:v12+s7+$0x0], $0xffff  }
0x266: {  	[tilespmem:s16+$0xFFFFFF90] =	vst v10;
	v9 =	vld.idx.msk [tilespmem:v9+s7+$0x0], $0xffff  }
0x267: {  	v10 =	vld [tilespmem:s29+$0xFFFFFFA0]  }
0x268: {  	v11 =	vld.idx.msk [tilespmem:v11+s7+$0x0], $0xffff  }
0x269: {  	v12 =	vld.idx.msk [tilespmem:v13+s7+$0x0], $0xffff;
	v13 =	vunpack.i.l.s16.s32 v14  }
0x26a: {  	v14 =	vunpack.i.u.s16.s32 v14;
	v13 =	vshll.u32 v13, $0x7;
	[tilespmem:s16+$0x20] =	vst v8  }
0x26b: {  	v13 =	vor.u32 v0, v13;
	v8 =	vshll.u32 v14, $0x7;
	[tilespmem:s16+$0x30] =	vst v9  }
0x26c: {  	s17 =	simm.s32 $0x15B80;
	v9 =	vunpack.i.l.s16.s32 v10;
	v8 =	vor.u32 v1, v8;
	v14 =	vld [tilespmem:s29+$0xFFFFFFF0]  }
0x26d: {  	[tilespmem:s17+$0x10] =	vst v11;
	v10 =	vunpack.i.u.s16.s32 v10;
	v9 =	vshll.u32 v9, $0x7  }
0x26e: {  	[tilespmem:s17+$0x0] =	vst v12;
	v10 =	vshll.u32 v10, $0x7;
	v9 =	vor.u32 v2, v9  }
0x26f: {  	v11 =	vld [tilespmem:s18+$0xFFFFFFE0];
	v10 =	vor.u32 v3, v10  }
0x270: {  	v12 =	vld.idx.msk [tilespmem:v13+s7+$0x0], $0xffff  }
0x271: {  	s19 =	simm.s32 $0x1EF0;
	v8 =	vld.idx.msk [tilespmem:v8+s7+$0x0], $0xffff;
	v13 =	vunpack.i.l.s16.s32 v14  }
0x272: {  	v15 =	vld [tilespmem:s19+$0xFFFFFFD0];
	v14 =	vunpack.i.u.s16.s32 v14;
	v13 =	vshll.u32 v13, $0x7  }
0x273: {  	v9 =	vld.idx.msk [tilespmem:v9+s7+$0x0], $0xffff;
	v14 =	vshll.u32 v14, $0x7;
	v13 =	vor.u32 v4, v13  }
0x274: {  	v16 =	vunpack.i.l.s16.s32 v11;
	v11 =	vunpack.i.u.s16.s32 v11;
	v10 =	vld.idx.msk [tilespmem:v10+s7+$0x0], $0xffff;
	v14 =	vor.u32 v5, v14  }
0x275: {  	[tilespmem:s17+$0xFFFFFF80] =	vst v12;
	v12 =	vld [tilespmem:s19+$0xFFFFFF90];
	v11 =	vshll.u32 v11, $0x7  }
0x276: {  	v16 =	vshll.u32 v16, $0x7;
	v11 =	vor.u32 v3, v11;
	[tilespmem:s17+$0xFFFFFF90] =	vst v8  }
0x277: {  	v17 =	vunpack.i.l.s16.s32 v15;
	v8 =	vor.u32 v2, v16;
	v16 =	vld [tilespmem:s18+$0xFFFFFFA0]  }
0x278: {  	[tilespmem:s16+$0xFFFFFFA0] =	vst v9;
	v9 =	vld.idx.msk [tilespmem:v13+s7+$0x0], $0xffff;
	v13 =	vshll.u32 v17, $0x7  }
0x279: {  	[tilespmem:s16+$0xFFFFFFB0] =	vst v10;
	v10 =	vld.idx.msk [tilespmem:v14+s7+$0x0], $0xffff;
	v14 =	vunpack.i.u.s16.s32 v15;
	v13 =	vor.u32 v0, v13  }
0x27a: {  	v15 =	vld [tilespmem:s29+$0xFFFFFFB0];
	v17 =	vunpack.i.l.s16.s32 v12;
	v14 =	vshll.u32 v14, $0x7  }
0x27b: {  	v11 =	vld.idx.msk [tilespmem:v11+s7+$0x0], $0xffff;
	v17 =	vshll.u32 v17, $0x7;
	v14 =	vor.u32 v1, v14  }
0x27c: {  	v12 =	vunpack.i.u.s16.s32 v12;
	v17 =	vor.u32 v0, v17;
	v8 =	vld.idx.msk [tilespmem:v8+s7+$0x0], $0xffff  }
0x27d: {  	v12 =	vshll.u32 v12, $0x7;
	v18 =	vunpack.i.l.s16.s32 v16;
	[tilespmem:s16+$0x40] =	vst v9  }
0x27e: {  	v12 =	vor.u32 v1, v12;
	v9 =	vunpack.i.u.s16.s32 v16;
	v16 =	vshll.u32 v18, $0x7;
	[tilespmem:s16+$0x50] =	vst v10;
	v13 =	vld.idx.msk [tilespmem:v13+s7+$0x0], $0xffff  }
0x27f: {  	v9 =	vshll.u32 v9, $0x7;
	v10 =	vor.u32 v2, v16;
	v16 =	vld [tilespmem:s29+$0x0]  }
0x280: {  	[tilespmem:s17+$0x30] =	vst v11;
	v11 =	vunpack.i.u.s16.s32 v15;
	v9 =	vor.u32 v3, v9;
	v14 =	vld.idx.msk [tilespmem:v14+s7+$0x0], $0xffff  }
0x281: {  	v11 =	vshll.u32 v11, $0x7;
	v17 =	vld.idx.msk [tilespmem:v17+s7+$0x0], $0xffff;
	[tilespmem:s17+$0x20] =	vst v8  }
0x282: {  	v18 =	vunpack.i.l.s16.s32 v15;
	v11 =	vor.u32 v5, v11;
	v15 =	vld [tilespmem:s18+$0xFFFFFFF0]  }
0x283: {  	s20 =	simm.s32 $0x15C80;
	v12 =	vld.idx.msk [tilespmem:v12+s7+$0x0], $0xffff;
	v8 =	vshll.u32 v18, $0x7  }
0x284: {  	v8 =	vor.u32 v4, v8;
	v10 =	vld.idx.msk [tilespmem:v10+s7+$0x0], $0xffff;
	[tilespmem:s20+$0x0] =	vst v13  }
0x285: {  	v13 =	vunpack.i.u.s16.s32 v16;
	v9 =	vld.idx.msk [tilespmem:v9+s7+$0x0], $0xffff;
	[tilespmem:s20+$0x10] =	vst v14  }
0x286: {  	v13 =	vshll.u32 v13, $0x7;
	v14 =	vld [tilespmem:s19+$0xFFFFFFE0]  }
0x287: {  	s21 =	simm.s32 $0x1F70;
	v11 =	vld.idx.msk [tilespmem:v11+s7+$0x0], $0xffff;
	v13 =	vor.u32 v7, v13;
	v18 =	vunpack.i.l.s16.s32 v15  }
0x288: {  	[tilespmem:s20+$0xFFFFFF80] =	vst v17;
	v15 =	vunpack.i.u.s16.s32 v15;
	v17 =	vshll.u32 v18, $0x7;
	v18 =	vld [tilespmem:s21+$0xFFFFFFD0]  }
0x289: {  	v16 =	vunpack.i.l.s16.s32 v16;
	[tilespmem:s20+$0xFFFFFF90] =	vst v12;
	v8 =	vld.idx.msk [tilespmem:v8+s7+$0x0], $0xffff;
	v15 =	vshll.u32 v15, $0x7;
	v12 =	vor.u32 v4, v17  }
0x28a: {  	v16 =	vshll.u32 v16, $0x7;
	v17 =	vld [tilespmem:s19+$0xFFFFFFA0];
	v15 =	vor.u32 v5, v15  }
0x28b: {  	v16 =	vor.u32 v6, v16;
	[tilespmem:s17+$0xFFFFFFA0] =	vst v10;
	v10 =	vld [tilespmem:s21+$0xFFFFFF90];
	v19 =	vunpack.i.l.s16.s32 v14  }
0x28c: {  	[tilespmem:s17+$0xFFFFFFB0] =	vst v9;
	v13 =	vld.idx.msk [tilespmem:v13+s7+$0x0], $0xffff;
	v9 =	vunpack.i.u.s16.s32 v14;
	v14 =	vshll.u32 v19, $0x7  }
0x28d: {  	v19 =	vld [tilespmem:s18+$0xFFFFFFB0];
	v9 =	vshll.u32 v9, $0x7;
	v14 =	vor.u32 v2, v14;
	v20 =	vunpack.i.l.s16.s32 v18  }
0x28e: {  	v9 =	vor.u32 v3, v9;
	v12 =	vld.idx.msk [tilespmem:v12+s7+$0x0], $0xffff;
	v20 =	vshll.u32 v20, $0x7  }
0x28f: {  	[tilespmem:s16+$0xFFFFFFC0] =	vst v8;
	v8 =	vld.idx.msk [tilespmem:v15+s7+$0x0], $0xffff;
	v15 =	vunpack.i.u.s16.s32 v18;
	v18 =	vor.u32 v0, v20  }
0x290: {  	[tilespmem:s16+$0xFFFFFFD0] =	vst v11;
	v11 =	vld.idx.msk [tilespmem:v16+s7+$0x0], $0xffff;
	v16 =	vunpack.i.l.s16.s32 v10;
	v15 =	vshll.u32 v15, $0x7  }
0x291: {  	v10 =	vunpack.i.u.s16.s32 v10;
	v20 =	vld [tilespmem:s29+$0xFFFFFFC0];
	v16 =	vshll.u32 v16, $0x7;
	v15 =	vor.u32 v1, v15  }
0x292: {  	v10 =	vshll.u32 v10, $0x7;
	v16 =	vor.u32 v0, v16;
	v14 =	vld.idx.msk [tilespmem:v14+s7+$0x0], $0xffff  }
0x293: {  	v61 =	vunpack.i.l.s16.s32 v17;
	v10 =	vor.u32 v1, v10;
	v22 =	vld.idx.msk [tilespmem:v9+s7+$0x0], $0xffff;
	[tilespmem:s17+$0x40] =	vst v12  }
0x294: {  	v9 =	vunpack.i.u.s16.s32 v17;
	v12 =	vshll.u32 v61, $0x7;
	[tilespmem:s17+$0x50] =	vst v8;
	v17 =	vld.idx.msk [tilespmem:v18+s7+$0x0], $0xffff;
	v18 =	vunpack.i.l.s16.s32 v19  }
0x295: {  	v8 =	vshll.u32 v9, $0x7;
	v12 =	vor.u32 v2, v12;
	v9 =	vld [tilespmem:s18+$0x0];
	v18 =	vshll.u32 v18, $0x7  }
0x296: {  	v62 =	vld.idx.msk [tilespmem:v15+s7+$0x0], $0xffff;
	v18 =	vor.u32 v4, v18  }
0x297: {  	v16 =	vld.idx.msk [tilespmem:v16+s7+$0x0], $0xffff;
	[tilespmem:s20+$0x20] =	vst v14  }
0x298: {  	v8 =	vor.u32 v3, v8;
	v15 =	vunpack.i.u.s16.s32 v19;
	v19 =	vld.idx.msk [tilespmem:v10+s7+$0x0], $0xffff;
	[tilespmem:s20+$0x30] =	vst v22  }
0x299: {  	v14 =	vshll.u32 v15, $0x7;
	v23 =	vld [tilespmem:s19+$0xFFFFFFF0]  }
0x29a: {  	s22 =	simm.s32 $0x15D80;
	[tilespmem:s16+$0x60] =	vst v11;
	v63 =	vor.u32 v5, v14;
	v14 =	vld.idx.msk [tilespmem:v12+s7+$0x0], $0xffff  }
0x29b: {  	[tilespmem:s22+$0x0] =	vst v17;
	v12 =	vld.idx.msk [tilespmem:v18+s7+$0x0], $0xffff;
	v18 =	vunpack.i.u.s16.s32 v9  }
0x29c: {  	[tilespmem:s22+$0xFFFFFF80] =	vst v16;
	v16 =	vshll.u32 v18, $0x7  }
0x29d: {  	v10 =	vunpack.i.u.s16.s32 v20;
	v15 =	vld.idx.msk [tilespmem:v8+s7+$0x0], $0xffff;
	v8 =	vunpack.i.l.s16.s32 v20;
	[tilespmem:s22+$0x10] =	vst v62;
	v11 =	vor.u32 v7, v16  }
0x29e: {  	[tilespmem:s16+$0x70] =	vst v13;
	v10 =	vshll.u32 v10, $0x7;
	v13 =	vshll.u32 v8, $0x7;
	v17 =	vld [tilespmem:s21+$0xFFFFFFE0]  }
0x29f: {  	v8 =	vor.u32 v7, v10;
	[tilespmem:s22+$0xFFFFFF90] =	vst v19;
	v10 =	vor.u32 v6, v13;
	v19 =	vunpack.i.l.s16.s32 v23;
	v13 =	vld.idx.msk [tilespmem:v63+s7+$0x0], $0xffff  }
0x2a0: {  	s23 =	simm.s32 $0x6;
	s24 =	simm.s32 $0x1FF0;
	v16 =	vld [tilespmem:s21+$0xFFFFFFA0];
	v18 =	vunpack.i.u.s16.s32 v23;
	v19 =	vshll.u32 v19, $0x7  }
.LBB2_7:
0x2a1: {  	v20 =	vld [tilespmem:s24+$0xFFFFFFD0];
	[tilespmem:s20+$0xFFFFFFA0] =	vst v14;
	v14 =	vor.u32 v4, v19;
	v18 =	vshll.u32 v18, $0x7;
	v9 =	vunpack.i.l.s16.s32 v9  }
0x2a2: {  	[tilespmem:s20+$0xFFFFFFB0] =	vst v15;
	v15 =	vor.u32 v5, v18;
	v9 =	vshll.u32 v9, $0x7;
	v11 =	vld.idx.msk [tilespmem:v11+s7+$0x0], $0xffff  }
0x2a3: {  	v18 =	vld [tilespmem:s24+$0xFFFFFF90];
	v19 =	vunpack.i.l.s16.s32 v17;
	[tilespmem:s17+$0xFFFFFFC0] =	vst v12;
	v9 =	vor.u32 v6, v9  }
0x2a4: {  	v12 =	vunpack.i.u.s16.s32 v17;
	v17 =	vshll.u32 v19, $0x7;
	v19 =	vld [tilespmem:s19+$0xFFFFFFB0]  }
0x2a5: {  	s23 =	sadd.s32 $0x2, s23;
	v12 =	vshll.u32 v12, $0x7;
	v21 =	vunpack.i.u.s16.s32 v16;
	v17 =	vor.u32 v2, v17;
	[tilespmem:s17+$0xFFFFFFD0] =	vst v13;
	v10 =	vld.idx.msk [tilespmem:v10+s7+$0x0], $0xffff  }
0x2a6: {  	p0 =	slt.u32 s23, $0x38;
	v16 =	vunpack.i.l.s16.s32 v16;
	v12 =	vor.u32 v3, v12;
	v13 =	vunpack.i.l.s16.s32 v20;
	v14 =	vld.idx.msk [tilespmem:v14+s7+$0x0], $0xffff  }
0x2a7: {  	v16 =	vshll.u32 v16, $0x7;
	v21 =	vshll.u32 v21, $0x7;
	v13 =	vshll.u32 v13, $0x7;
	v15 =	vld.idx.msk [tilespmem:v15+s7+$0x0], $0xffff  }
0x2a8: {  	v20 =	vunpack.i.u.s16.s32 v20;
	v22 =	vunpack.i.u.s16.s32 v18;
	v13 =	vor.u32 v0, v13;
	v23 =	vld.idx.msk [tilespmem:v9+s7+$0x0], $0xffff;
	[tilespmem:s17+$0x70] =	vst v11  }
0x2a9: {  	v9 =	vunpack.i.l.s16.s32 v18;
	v18 =	vshll.u32 v20, $0x7;
	v11 =	vshll.u32 v22, $0x7;
	v20 =	vld [tilespmem:s18+$0xFFFFFFC0];
	s18 =	smov.u32 s19;
	s19 =	smov.u32 s21;
	s21 =	smov.u32 s24  }
0x2aa: {  	v9 =	vshll.u32 v9, $0x7;
	v18 =	vor.u32 v1, v18;
	v11 =	vor.u32 v1, v11;
	v17 =	vld.idx.msk [tilespmem:v17+s7+$0x0], $0xffff  }
0x2ab: {  	v16 =	vor.u32 v2, v16;
	v21 =	vor.u32 v3, v21;
	v22 =	vor.u32 v0, v9;
	v12 =	vld.idx.msk [tilespmem:v12+s7+$0x0], $0xffff  }
0x2ac: {  	v9 =	vunpack.i.u.s16.s32 v19;
	v19 =	vunpack.i.l.s16.s32 v19;
	[tilespmem:s20+$0x40] =	vst v14;
	v14 =	vld.idx.msk [tilespmem:v8+s7+$0x0], $0xffff  }
0x2ad: {  	v9 =	vshll.u32 v9, $0x7;
	v8 =	vshll.u32 v19, $0x7;
	v13 =	vld.idx.msk [tilespmem:v13+s7+$0x0], $0xffff;
	[tilespmem:s20+$0x50] =	vst v15  }
0x2ae: {  	v24 =	vor.u32 v5, v9;
	v19 =	vor.u32 v4, v8;
	v9 =	vld [tilespmem:s18+$0x0];
	v8 =	vunpack.i.u.s16.s32 v20;
	[tilespmem:s16+$0xFFFFFFE0] =	vst v10  }
0x2af: {  	v10 =	vunpack.i.l.s16.s32 v20;
	v18 =	vld.idx.msk [tilespmem:v18+s7+$0x0], $0xffff;
	v8 =	vshll.u32 v8, $0x7;
	[tilespmem:s17+$0x60] =	vst v23  }
0x2b0: {  	v10 =	vshll.u32 v10, $0x7;
	v20 =	vld.idx.msk [tilespmem:v22+s7+$0x0], $0xffff;
	[tilespmem:s22+$0x20] =	vst v17;
	v8 =	vor.u32 v7, v8  }
0x2b1: {  	v10 =	vor.u32 v6, v10;
	v22 =	vld.idx.msk [tilespmem:v11+s7+$0x0], $0xffff;
	[tilespmem:s22+$0x30] =	vst v12  }
0x2b2: {  	v23 =	vld [tilespmem:s19+$0xFFFFFFF0];
	[tilespmem:s16+$0xFFFFFFF0] =	vst v14;
	s16 =	smov.u32 s17;
	s17 =	smov.u32 s20;
	s20 =	smov.u32 s22  }
0x2b3: {  	s22 =	sadd.s32 $0x100, s22;
	v14 =	vld.idx.msk [tilespmem:v16+s7+$0x0], $0xffff;
	v11 =	vunpack.i.u.s16.s32 v9  }
.Ltmp2:
0x2b4: {  	[tilespmem:s22+$0x0] =	vst v13;
	v15 =	vld.idx.msk [tilespmem:v21+s7+$0x0], $0xffff;
	v11 =	vshll.u32 v11, $0x7;
	(pc) =	sbr.rel @p0 .LBB2_7-.Ltmp2, $4  }
0x2b5: {  	[tilespmem:s22+$0x10] =	vst v18;
	v12 =	vld.idx.msk [tilespmem:v19+s7+$0x0], $0xffff;
	v11 =	vor.u32 v7, v11  }
0x2b6: {  	[tilespmem:s22+$0xFFFFFF80] =	vst v20;
	v17 =	vld [tilespmem:s24+$0xFFFFFFE0]  }
0x2b7: {  	[tilespmem:s22+$0xFFFFFF90] =	vst v22;
	v19 =	vunpack.i.l.s16.s32 v23;
	v13 =	vld.idx.msk [tilespmem:v24+s7+$0x0], $0xffff  }
0x2b8: {  	s24 =	sadd.s32 $0x80, s24;
	v18 =	vunpack.i.u.s16.s32 v23;
	v16 =	vld [tilespmem:s21+$0xFFFFFFA0];
	v19 =	vshll.u32 v19, $0x7  }
0x2b9: {  	_ =	sdelay $0x1  }
0x2ba: {  	v20 =	vunpack.i.l.s16.s32 v17  }
0x2bb: {  	v17 =	vunpack.i.u.s16.s32 v17;
	v20 =	vshll.u32 v20, $0x7  }
0x2bc: {  	v17 =	vshll.u32 v17, $0x7;
	v20 =	vor.u32 v2, v20  }
0x2bd: {  	v17 =	vor.u32 v3, v17  }
0x2be: {  	v21 =	vunpack.i.l.s16.s32 v16  }
0x2bf: {  	v16 =	vunpack.i.u.s16.s32 v16;
	v21 =	vshll.u32 v21, $0x7  }
0x2c0: {  	v16 =	vshll.u32 v16, $0x7;
	v21 =	vor.u32 v2, v21  }
0x2c1: {  	v16 =	vor.u32 v3, v16;
	v20 =	vld.idx.msk [tilespmem:v20+s7+$0x0], $0xffff  }
0x2c2: {  	v17 =	vld.idx.msk [tilespmem:v17+s7+$0x0], $0xffff;
	_ =	sdelay $0x1  }
0x2c3: {  	[tilespmem:s20+$0xFFFFFFA0] =	vst v14  }
0x2c4: {  	[tilespmem:s20+$0xFFFFFFB0] =	vst v15;
	v14 =	vld.idx.msk [tilespmem:v21+s7+$0x0], $0xffff  }
0x2c5: {  	v15 =	vld.idx.msk [tilespmem:v16+s7+$0x0], $0xffff;
	[tilespmem:s22+$0x20] =	vst v20  }
0x2c6: {  	v16 =	vld [tilespmem:s19+$0xFFFFFFB0];
	[tilespmem:s22+$0x30] =	vst v17  }
0x2c7: {  	v17 =	vld [tilespmem:s21+$0xFFFFFFF0];
	_ =	sdelay $0x1  }
0x2c8: {  	[tilespmem:s22+$0xFFFFFFA0] =	vst v14  }
0x2c9: {  	v18 =	vshll.u32 v18, $0x7;
	v14 =	vor.u32 v4, v19;
	[tilespmem:s22+$0xFFFFFFB0] =	vst v15  }
0x2ca: {  	v15 =	vor.u32 v5, v18;
	v18 =	vunpack.i.l.s16.s32 v16;
	v19 =	vld [tilespmem:s21+$0xFFFFFFB0]  }
0x2cb: {  	v18 =	vshll.u32 v18, $0x7;
	v20 =	vunpack.i.l.s16.s32 v17  }
0x2cc: {  	v18 =	vor.u32 v4, v18;
	v17 =	vunpack.i.u.s16.s32 v17;
	v20 =	vshll.u32 v20, $0x7  }
0x2cd: {  	v16 =	vunpack.i.u.s16.s32 v16;
	v17 =	vshll.u32 v17, $0x7;
	v20 =	vor.u32 v4, v20  }
0x2ce: {  	[tilespmem:s17+$0xFFFFFFC0] =	vst v12;
	v12 =	vld.idx.msk [tilespmem:v14+s7+$0x0], $0xffff;
	v14 =	vshll.u32 v16, $0x7;
	v16 =	vor.u32 v5, v17  }
0x2cf: {  	[tilespmem:s17+$0xFFFFFFD0] =	vst v13;
	v13 =	vld.idx.msk [tilespmem:v15+s7+$0x0], $0xffff;
	v14 =	vor.u32 v5, v14;
	v15 =	vunpack.i.l.s16.s32 v19  }
0x2d0: {  	v17 =	vld [tilespmem:s18+$0xFFFFFFC0];
	v19 =	vunpack.i.u.s16.s32 v19;
	v15 =	vshll.u32 v15, $0x7  }
0x2d1: {  	v18 =	vld.idx.msk [tilespmem:v18+s7+$0x0], $0xffff;
	v19 =	vshll.u32 v19, $0x7;
	v15 =	vor.u32 v4, v15  }
0x2d2: {  	v19 =	vor.u32 v5, v19;
	v20 =	vld.idx.msk [tilespmem:v20+s7+$0x0], $0xffff  }
0x2d3: {  	[tilespmem:s20+$0x40] =	vst v12;
	v12 =	vld.idx.msk [tilespmem:v16+s7+$0x0], $0xffff  }
0x2d4: {  	[tilespmem:s20+$0x50] =	vst v13;
	v13 =	vld.idx.msk [tilespmem:v14+s7+$0x0], $0xffff  }
0x2d5: {  	v14 =	vld [tilespmem:s19+$0x0]  }
0x2d6: {  	[tilespmem:s20+$0xFFFFFFC0] =	vst v18;
	v15 =	vld.idx.msk [tilespmem:v15+s7+$0x0], $0xffff  }
0x2d7: {  	v16 =	vld.idx.msk [tilespmem:v19+s7+$0x0], $0xffff;
	[tilespmem:s22+$0x40] =	vst v20  }
0x2d8: {  	v9 =	vunpack.i.l.s16.s32 v9;
	[tilespmem:s22+$0x50] =	vst v12  }
0x2d9: {  	v9 =	vshll.u32 v9, $0x7;
	[tilespmem:s20+$0xFFFFFFD0] =	vst v13;
	v12 =	vld [tilespmem:s21+$0x0]  }
0x2da: {  	v9 =	vor.u32 v6, v9;
	v13 =	vunpack.i.u.s16.s32 v14;
	v18 =	vld [tilespmem:s19+$0xFFFFFFC0]  }
0x2db: {  	v19 =	vunpack.i.l.s16.s32 v17;
	v13 =	vshll.u32 v13, $0x7;
	[tilespmem:s22+$0xFFFFFFC0] =	vst v15  }
0x2dc: {  	v11 =	vld.idx.msk [tilespmem:v11+s7+$0x0], $0xffff;
	v14 =	vunpack.i.l.s16.s32 v14;
	v15 =	vshll.u32 v19, $0x7;
	v13 =	vor.u32 v7, v13;
	[tilespmem:s22+$0xFFFFFFD0] =	vst v16  }
0x2dd: {  	v14 =	vshll.u32 v14, $0x7;
	v16 =	vunpack.i.u.s16.s32 v17;
	v15 =	vor.u32 v6, v15;
	v17 =	vld [tilespmem:s21+$0xFFFFFFC0]  }
0x2de: {  	v10 =	vld.idx.msk [tilespmem:v10+s7+$0x0], $0xffff;
	v14 =	vor.u32 v6, v14;
	v16 =	vshll.u32 v16, $0x7;
	v19 =	vunpack.i.u.s16.s32 v12  }
0x2df: {  	v9 =	vld.idx.msk [tilespmem:v9+s7+$0x0], $0xffff;
	v16 =	vor.u32 v7, v16;
	v20 =	vunpack.i.l.s16.s32 v18;
	v19 =	vshll.u32 v19, $0x7  }
0x2e0: {  	v8 =	vld.idx.msk [tilespmem:v8+s7+$0x0], $0xffff;
	v12 =	vunpack.i.l.s16.s32 v12;
	v20 =	vshll.u32 v20, $0x7;
	v19 =	vor.u32 v7, v19  }
0x2e1: {  	v18 =	vunpack.i.u.s16.s32 v18;
	v13 =	vld.idx.msk [tilespmem:v13+s7+$0x0], $0xffff;
	v12 =	vshll.u32 v12, $0x7;
	v20 =	vor.u32 v6, v20  }
0x2e2: {  	[tilespmem:s17+$0x70] =	vst v11;
	v11 =	vld.idx.msk [tilespmem:v15+s7+$0x0], $0xffff;
	v15 =	vshll.u32 v18, $0x7;
	v12 =	vor.u32 v6, v12;
	v18 =	vunpack.i.l.s16.s32 v17  }
0x2e3: {  	[tilespmem:s16+$0xFFFFFFE0] =	vst v10;
	v10 =	vld.idx.msk [tilespmem:v14+s7+$0x0], $0xffff;
	v14 =	vor.u32 v7, v15;
	v15 =	vunpack.i.u.s16.s32 v17;
	v17 =	vshll.u32 v18, $0x7  }
0x2e4: {  	[tilespmem:s17+$0x60] =	vst v9;
	v9 =	vld.idx.msk [tilespmem:v16+s7+$0x0], $0xffff;
	v15 =	vshll.u32 v15, $0x7;
	v16 =	vor.u32 v6, v17  }
0x2e5: {  	[tilespmem:s16+$0xFFFFFFF0] =	vst v8;
	v15 =	vor.u32 v7, v15;
	v8 =	vld.idx.msk [tilespmem:v19+s7+$0x0], $0xffff  }
0x2e6: {  	[tilespmem:s20+$0x70] =	vst v13;
	v13 =	vld.idx.msk [tilespmem:v20+s7+$0x0], $0xffff  }
0x2e7: {  	[tilespmem:s17+$0xFFFFFFE0] =	vst v11;
	v11 =	vld.idx.msk [tilespmem:v12+s7+$0x0], $0xffff  }
0x2e8: {  	[tilespmem:s20+$0x60] =	vst v10;
	v10 =	vld.idx.msk [tilespmem:v14+s7+$0x0], $0xffff  }
0x2e9: {  	[tilespmem:s17+$0xFFFFFFF0] =	vst v9;
	v9 =	vld.idx.msk [tilespmem:v16+s7+$0x0], $0xffff  }
0x2ea: {  	[tilespmem:s22+$0x70] =	vst v8;
	v8 =	vld.idx.msk [tilespmem:v15+s7+$0x0], $0xffff  }
0x2eb: {  	[tilespmem:s20+$0xFFFFFFE0] =	vst v13  }
0x2ec: {  	[tilespmem:s22+$0x60] =	vst v11  }
0x2ed: {  	[tilespmem:s20+$0xFFFFFFF0] =	vst v10  }
0x2ee: {  	[tilespmem:s22+$0xFFFFFFE0] =	vst v9  }
0x2ef: {  	[tilespmem:s22+$0xFFFFFFF0] =	vst v8  }
0x2f0: {  	v8 =	vld [tilespmem:$0x2C00];
	_ =	sdelay $0x4  }
0x2f1: {  	v9 =	vunpack.i.l.s16.s32 v8  }
0x2f2: {  	v8 =	vunpack.i.u.s16.s32 v8;
	v9 =	vshll.u32 v9, $0x7  }
0x2f3: {  	v10 =	vld [tilespmem:$0x2C10];
	v8 =	vshll.u32 v8, $0x7;
	v9 =	vor.u32 v0, v9  }
0x2f4: {  	v8 =	vor.u32 v1, v8;
	_ =	sdelay $0x3  }
0x2f5: {  	v11 =	vunpack.i.l.s16.s32 v10;
	v9 =	vld.idx.msk [tilespmem:v9+s7+$0x0], $0xffff  }
0x2f6: {  	v10 =	vunpack.i.u.s16.s32 v10;
	v11 =	vshll.u32 v11, $0x7;
	v8 =	vld.idx.msk [tilespmem:v8+s7+$0x0], $0xffff  }
0x2f7: {  	v12 =	vld [tilespmem:$0x2C20];
	v10 =	vshll.u32 v10, $0x7;
	v11 =	vor.u32 v2, v11  }
0x2f8: {  	v10 =	vor.u32 v3, v10;
	_ =	sdelay $0x1  }
0x2f9: {  	[tilespmem:$0x17700] =	vst v9  }
0x2fa: {  	[tilespmem:$0x17710] =	vst v8  }
0x2fb: {  	v9 =	vunpack.i.l.s16.s32 v12;
	v8 =	vld.idx.msk [tilespmem:v11+s7+$0x0], $0xffff  }
0x2fc: {  	v10 =	vld.idx.msk [tilespmem:v10+s7+$0x0], $0xffff;
	v11 =	vunpack.i.u.s16.s32 v12;
	v9 =	vshll.u32 v9, $0x7  }
0x2fd: {  	v12 =	vld [tilespmem:$0x2C30];
	v9 =	vor.u32 v4, v9;
	v11 =	vshll.u32 v11, $0x7  }
0x2fe: {  	v11 =	vor.u32 v5, v11;
	_ =	sdelay $0x1  }
0x2ff: {  	[tilespmem:$0x17720] =	vst v8  }
0x300: {  	[tilespmem:$0x17730] =	vst v10  }
0x301: {  	v8 =	vld.idx.msk [tilespmem:v9+s7+$0x0], $0xffff;
	v9 =	vunpack.i.l.s16.s32 v12  }
0x302: {  	v10 =	vld.idx.msk [tilespmem:v11+s7+$0x0], $0xffff;
	v11 =	vunpack.i.u.s16.s32 v12;
	v9 =	vshll.u32 v9, $0x7  }
0x303: {  	v9 =	vor.u32 v6, v9;
	v11 =	vshll.u32 v11, $0x7  }
0x304: {  	v11 =	vor.u32 v7, v11;
	_ =	sdelay $0x1  }
0x305: {  	[tilespmem:$0x17740] =	vst v8  }
0x306: {  	[tilespmem:$0x17750] =	vst v10  }
0x307: {  	v8 =	vld.idx.msk [tilespmem:v9+s7+$0x0], $0xffff  }
0x308: {  	v9 =	vld.idx.msk [tilespmem:v11+s7+$0x0], $0xffff;
	_ =	sdelay $0x2  }
0x309: {  	s28 =	sadd.s32 s3, s15  }
0x30a: {  	s16 =	sshrl.u32 s28, $0x3;
	[tilespmem:$0x17760] =	vst v8  }
0x30b: {  	s16 =	sadd.s32 s2, s16;
	[tilespmem:$0x17770] =	vst v9  }
0x30c: {  	[hbm4b:s16+s6] =	stream.strided.scatter [tilespmem:s9], [sflag:$0x2], $0x1D80, s25, s6, $0x38;
	[tilespmem:$0x19A00] =	vst v63  }
0x30d: {  	_ =	swait.ge [sflag:s12], $0x1D80  }
0x30e: {  	[sflag:s12] =	ssyncset.done $0x0  }
0x30f: {  	s29 =	simm.s32 $0x2CB0;
	[sflag:s12] =	ssyncadd.s32 $0xFFFFE280  }
0x310: {  	v8 =	vld [tilespmem:s29+$0xFFFFFFD0];
	_ =	sdelay $0x4  }
0x311: {  	v9 =	vunpack.i.l.s16.s32 v8  }
0x312: {  	v8 =	vunpack.i.u.s16.s32 v8;
	v9 =	vshll.u32 v9, $0x7  }
0x313: {  	v8 =	vshll.u32 v8, $0x7;
	v9 =	vor.u32 v0, v9  }
0x314: {  	v8 =	vor.u32 v1, v8;
	_ =	sdelay $0x3  }
0x315: {  	v9 =	vld.idx.msk [tilespmem:v9+s7+$0x0], $0xffff  }
0x316: {  	v8 =	vld.idx.msk [tilespmem:v8+s7+$0x0], $0xffff  }
0x317: {  	v10 =	vld [tilespmem:s29+$0xFFFFFF90];
	_ =	sdelay $0x1  }
0x318: {  	s16 =	simm.s32 $0x17A80  }
0x319: {  	[tilespmem:s16+$0x0] =	vst v9  }
0x31a: {  	[tilespmem:s16+$0x10] =	vst v8  }
0x31b: {  	v8 =	vunpack.i.l.s16.s32 v10;
	v9 =	vld [tilespmem:s29+$0xFFFFFFE0]  }
0x31c: {  	v10 =	vunpack.i.u.s16.s32 v10;
	v8 =	vshll.u32 v8, $0x7  }
0x31d: {  	s18 =	simm.s32 $0x2D30;
	v10 =	vshll.u32 v10, $0x7;
	v8 =	vor.u32 v0, v8  }
0x31e: {  	v11 =	vld [tilespmem:s18+$0xFFFFFFD0];
	v10 =	vor.u32 v1, v10;
	_ =	sdelay $0x1  }
0x31f: {  	v12 =	vunpack.i.l.s16.s32 v9  }
0x320: {  	v9 =	vunpack.i.u.s16.s32 v9;
	v12 =	vshll.u32 v12, $0x7  }
0x321: {  	v8 =	vld.idx.msk [tilespmem:v8+s7+$0x0], $0xffff;
	v9 =	vshll.u32 v9, $0x7;
	v12 =	vor.u32 v2, v12  }
0x322: {  	v13 =	vunpack.i.l.s16.s32 v11;
	v11 =	vunpack.i.u.s16.s32 v11;
	v10 =	vld.idx.msk [tilespmem:v10+s7+$0x0], $0xffff;
	v9 =	vor.u32 v3, v9  }
0x323: {  	v11 =	vshll.u32 v11, $0x7  }
0x324: {  	v13 =	vshll.u32 v13, $0x7;
	v11 =	vor.u32 v1, v11  }
0x325: {  	v14 =	vld [tilespmem:s18+$0xFFFFFF90];
	v13 =	vor.u32 v0, v13  }
0x326: {  	[tilespmem:s16+$0xFFFFFF80] =	vst v8;
	v8 =	vld.idx.msk [tilespmem:v12+s7+$0x0], $0xffff  }
0x327: {  	[tilespmem:s16+$0xFFFFFF90] =	vst v10;
	v9 =	vld.idx.msk [tilespmem:v9+s7+$0x0], $0xffff  }
0x328: {  	v10 =	vld [tilespmem:s29+$0xFFFFFFA0]  }
0x329: {  	v11 =	vld.idx.msk [tilespmem:v11+s7+$0x0], $0xffff  }
0x32a: {  	v12 =	vld.idx.msk [tilespmem:v13+s7+$0x0], $0xffff;
	v13 =	vunpack.i.l.s16.s32 v14  }
0x32b: {  	v14 =	vunpack.i.u.s16.s32 v14;
	v13 =	vshll.u32 v13, $0x7;
	[tilespmem:s16+$0x20] =	vst v8  }
0x32c: {  	v13 =	vor.u32 v0, v13;
	v8 =	vshll.u32 v14, $0x7;
	[tilespmem:s16+$0x30] =	vst v9  }
0x32d: {  	s17 =	simm.s32 $0x17B80;
	v9 =	vunpack.i.l.s16.s32 v10;
	v8 =	vor.u32 v1, v8;
	v14 =	vld [tilespmem:s29+$0xFFFFFFF0]  }
0x32e: {  	[tilespmem:s17+$0x10] =	vst v11;
	v10 =	vunpack.i.u.s16.s32 v10;
	v9 =	vshll.u32 v9, $0x7  }
0x32f: {  	[tilespmem:s17+$0x0] =	vst v12;
	v10 =	vshll.u32 v10, $0x7;
	v9 =	vor.u32 v2, v9  }
0x330: {  	v11 =	vld [tilespmem:s18+$0xFFFFFFE0];
	v10 =	vor.u32 v3, v10  }
0x331: {  	v12 =	vld.idx.msk [tilespmem:v13+s7+$0x0], $0xffff  }
0x332: {  	s19 =	simm.s32 $0x2DB0;
	v8 =	vld.idx.msk [tilespmem:v8+s7+$0x0], $0xffff;
	v13 =	vunpack.i.l.s16.s32 v14  }
0x333: {  	v15 =	vld [tilespmem:s19+$0xFFFFFFD0];
	v14 =	vunpack.i.u.s16.s32 v14;
	v13 =	vshll.u32 v13, $0x7  }
0x334: {  	v9 =	vld.idx.msk [tilespmem:v9+s7+$0x0], $0xffff;
	v14 =	vshll.u32 v14, $0x7;
	v13 =	vor.u32 v4, v13  }
0x335: {  	v16 =	vunpack.i.l.s16.s32 v11;
	v11 =	vunpack.i.u.s16.s32 v11;
	v10 =	vld.idx.msk [tilespmem:v10+s7+$0x0], $0xffff;
	v14 =	vor.u32 v5, v14  }
0x336: {  	[tilespmem:s17+$0xFFFFFF80] =	vst v12;
	v12 =	vld [tilespmem:s19+$0xFFFFFF90];
	v11 =	vshll.u32 v11, $0x7  }
0x337: {  	v16 =	vshll.u32 v16, $0x7;
	v11 =	vor.u32 v3, v11;
	[tilespmem:s17+$0xFFFFFF90] =	vst v8  }
0x338: {  	v17 =	vunpack.i.l.s16.s32 v15;
	v8 =	vor.u32 v2, v16;
	v16 =	vld [tilespmem:s18+$0xFFFFFFA0]  }
0x339: {  	[tilespmem:s16+$0xFFFFFFA0] =	vst v9;
	v9 =	vld.idx.msk [tilespmem:v13+s7+$0x0], $0xffff;
	v13 =	vshll.u32 v17, $0x7  }
0x33a: {  	[tilespmem:s16+$0xFFFFFFB0] =	vst v10;
	v10 =	vld.idx.msk [tilespmem:v14+s7+$0x0], $0xffff;
	v14 =	vunpack.i.u.s16.s32 v15;
	v13 =	vor.u32 v0, v13  }
0x33b: {  	v15 =	vld [tilespmem:s29+$0xFFFFFFB0];
	v17 =	vunpack.i.l.s16.s32 v12;
	v14 =	vshll.u32 v14, $0x7  }
0x33c: {  	v11 =	vld.idx.msk [tilespmem:v11+s7+$0x0], $0xffff;
	v17 =	vshll.u32 v17, $0x7;
	v14 =	vor.u32 v1, v14  }
0x33d: {  	v12 =	vunpack.i.u.s16.s32 v12;
	v17 =	vor.u32 v0, v17;
	v8 =	vld.idx.msk [tilespmem:v8+s7+$0x0], $0xffff  }
0x33e: {  	v12 =	vshll.u32 v12, $0x7;
	v18 =	vunpack.i.l.s16.s32 v16;
	[tilespmem:s16+$0x40] =	vst v9  }
0x33f: {  	v12 =	vor.u32 v1, v12;
	v9 =	vunpack.i.u.s16.s32 v16;
	v16 =	vshll.u32 v18, $0x7;
	[tilespmem:s16+$0x50] =	vst v10;
	v13 =	vld.idx.msk [tilespmem:v13+s7+$0x0], $0xffff  }
0x340: {  	v9 =	vshll.u32 v9, $0x7;
	v10 =	vor.u32 v2, v16;
	v16 =	vld [tilespmem:s29+$0x0]  }
0x341: {  	[tilespmem:s17+$0x30] =	vst v11;
	v11 =	vunpack.i.u.s16.s32 v15;
	v9 =	vor.u32 v3, v9;
	v14 =	vld.idx.msk [tilespmem:v14+s7+$0x0], $0xffff  }
0x342: {  	v11 =	vshll.u32 v11, $0x7;
	v17 =	vld.idx.msk [tilespmem:v17+s7+$0x0], $0xffff;
	[tilespmem:s17+$0x20] =	vst v8  }
0x343: {  	v18 =	vunpack.i.l.s16.s32 v15;
	v11 =	vor.u32 v5, v11;
	v15 =	vld [tilespmem:s18+$0xFFFFFFF0]  }
0x344: {  	s20 =	simm.s32 $0x17C80;
	v12 =	vld.idx.msk [tilespmem:v12+s7+$0x0], $0xffff;
	v8 =	vshll.u32 v18, $0x7  }
0x345: {  	v8 =	vor.u32 v4, v8;
	v10 =	vld.idx.msk [tilespmem:v10+s7+$0x0], $0xffff;
	[tilespmem:s20+$0x0] =	vst v13  }
0x346: {  	v13 =	vunpack.i.u.s16.s32 v16;
	v9 =	vld.idx.msk [tilespmem:v9+s7+$0x0], $0xffff;
	[tilespmem:s20+$0x10] =	vst v14  }
0x347: {  	v13 =	vshll.u32 v13, $0x7;
	v14 =	vld [tilespmem:s19+$0xFFFFFFE0]  }
0x348: {  	s21 =	simm.s32 $0x2E30;
	v11 =	vld.idx.msk [tilespmem:v11+s7+$0x0], $0xffff;
	v13 =	vor.u32 v7, v13;
	v18 =	vunpack.i.l.s16.s32 v15  }
0x349: {  	[tilespmem:s20+$0xFFFFFF80] =	vst v17;
	v15 =	vunpack.i.u.s16.s32 v15;
	v17 =	vshll.u32 v18, $0x7;
	v18 =	vld [tilespmem:s21+$0xFFFFFFD0]  }
0x34a: {  	v16 =	vunpack.i.l.s16.s32 v16;
	[tilespmem:s20+$0xFFFFFF90] =	vst v12;
	v8 =	vld.idx.msk [tilespmem:v8+s7+$0x0], $0xffff;
	v15 =	vshll.u32 v15, $0x7;
	v12 =	vor.u32 v4, v17  }
0x34b: {  	v16 =	vshll.u32 v16, $0x7;
	v17 =	vld [tilespmem:s19+$0xFFFFFFA0];
	v15 =	vor.u32 v5, v15  }
0x34c: {  	v16 =	vor.u32 v6, v16;
	[tilespmem:s17+$0xFFFFFFA0] =	vst v10;
	v10 =	vld [tilespmem:s21+$0xFFFFFF90];
	v19 =	vunpack.i.l.s16.s32 v14  }
0x34d: {  	[tilespmem:s17+$0xFFFFFFB0] =	vst v9;
	v13 =	vld.idx.msk [tilespmem:v13+s7+$0x0], $0xffff;
	v9 =	vunpack.i.u.s16.s32 v14;
	v14 =	vshll.u32 v19, $0x7  }
0x34e: {  	v19 =	vld [tilespmem:s18+$0xFFFFFFB0];
	v9 =	vshll.u32 v9, $0x7;
	v14 =	vor.u32 v2, v14;
	v20 =	vunpack.i.l.s16.s32 v18  }
0x34f: {  	v9 =	vor.u32 v3, v9;
	v12 =	vld.idx.msk [tilespmem:v12+s7+$0x0], $0xffff;
	v20 =	vshll.u32 v20, $0x7  }
0x350: {  	[tilespmem:s16+$0xFFFFFFC0] =	vst v8;
	v8 =	vld.idx.msk [tilespmem:v15+s7+$0x0], $0xffff;
	v15 =	vunpack.i.u.s16.s32 v18;
	v18 =	vor.u32 v0, v20  }
0x351: {  	[tilespmem:s16+$0xFFFFFFD0] =	vst v11;
	v11 =	vld.idx.msk [tilespmem:v16+s7+$0x0], $0xffff;
	v16 =	vunpack.i.l.s16.s32 v10;
	v15 =	vshll.u32 v15, $0x7  }
0x352: {  	v10 =	vunpack.i.u.s16.s32 v10;
	v20 =	vld [tilespmem:s29+$0xFFFFFFC0];
	v16 =	vshll.u32 v16, $0x7;
	v15 =	vor.u32 v1, v15  }
0x353: {  	v10 =	vshll.u32 v10, $0x7;
	v16 =	vor.u32 v0, v16;
	v14 =	vld.idx.msk [tilespmem:v14+s7+$0x0], $0xffff  }
0x354: {  	v61 =	vunpack.i.l.s16.s32 v17;
	v10 =	vor.u32 v1, v10;
	v22 =	vld.idx.msk [tilespmem:v9+s7+$0x0], $0xffff;
	[tilespmem:s17+$0x40] =	vst v12  }
0x355: {  	v9 =	vunpack.i.u.s16.s32 v17;
	v12 =	vshll.u32 v61, $0x7;
	[tilespmem:s17+$0x50] =	vst v8;
	v17 =	vld.idx.msk [tilespmem:v18+s7+$0x0], $0xffff;
	v18 =	vunpack.i.l.s16.s32 v19  }
0x356: {  	v8 =	vshll.u32 v9, $0x7;
	v12 =	vor.u32 v2, v12;
	v9 =	vld [tilespmem:s18+$0x0];
	v18 =	vshll.u32 v18, $0x7  }
0x357: {  	v62 =	vld.idx.msk [tilespmem:v15+s7+$0x0], $0xffff;
	v18 =	vor.u32 v4, v18  }
0x358: {  	v16 =	vld.idx.msk [tilespmem:v16+s7+$0x0], $0xffff;
	[tilespmem:s20+$0x20] =	vst v14  }
0x359: {  	v8 =	vor.u32 v3, v8;
	v15 =	vunpack.i.u.s16.s32 v19;
	v19 =	vld.idx.msk [tilespmem:v10+s7+$0x0], $0xffff;
	[tilespmem:s20+$0x30] =	vst v22  }
0x35a: {  	v14 =	vshll.u32 v15, $0x7;
	v23 =	vld [tilespmem:s19+$0xFFFFFFF0]  }
0x35b: {  	s22 =	simm.s32 $0x17D80;
	[tilespmem:s16+$0x60] =	vst v11;
	v63 =	vor.u32 v5, v14;
	v14 =	vld.idx.msk [tilespmem:v12+s7+$0x0], $0xffff  }
0x35c: {  	[tilespmem:s22+$0x0] =	vst v17;
	v12 =	vld.idx.msk [tilespmem:v18+s7+$0x0], $0xffff;
	v18 =	vunpack.i.u.s16.s32 v9  }
0x35d: {  	[tilespmem:s22+$0xFFFFFF80] =	vst v16;
	v16 =	vshll.u32 v18, $0x7  }
0x35e: {  	v10 =	vunpack.i.u.s16.s32 v20;
	v15 =	vld.idx.msk [tilespmem:v8+s7+$0x0], $0xffff;
	v8 =	vunpack.i.l.s16.s32 v20;
	[tilespmem:s22+$0x10] =	vst v62;
	v11 =	vor.u32 v7, v16  }
0x35f: {  	[tilespmem:s16+$0x70] =	vst v13;
	v10 =	vshll.u32 v10, $0x7;
	v13 =	vshll.u32 v8, $0x7;
	v17 =	vld [tilespmem:s21+$0xFFFFFFE0]  }
0x360: {  	v8 =	vor.u32 v7, v10;
	[tilespmem:s22+$0xFFFFFF90] =	vst v19;
	v10 =	vor.u32 v6, v13;
	v19 =	vunpack.i.l.s16.s32 v23;
	v13 =	vld.idx.msk [tilespmem:v63+s7+$0x0], $0xffff  }
0x361: {  	s23 =	simm.s32 $0x6;
	s24 =	simm.s32 $0x2EB0;
	v16 =	vld [tilespmem:s21+$0xFFFFFFA0];
	v18 =	vunpack.i.u.s16.s32 v23;
	v19 =	vshll.u32 v19, $0x7  }
.LBB2_9:
0x362: {  	v20 =	vld [tilespmem:s24+$0xFFFFFFD0];
	[tilespmem:s20+$0xFFFFFFA0] =	vst v14;
	v14 =	vor.u32 v4, v19;
	v18 =	vshll.u32 v18, $0x7;
	v9 =	vunpack.i.l.s16.s32 v9  }
0x363: {  	[tilespmem:s20+$0xFFFFFFB0] =	vst v15;
	v15 =	vor.u32 v5, v18;
	v9 =	vshll.u32 v9, $0x7;
	v11 =	vld.idx.msk [tilespmem:v11+s7+$0x0], $0xffff  }
0x364: {  	v18 =	vld [tilespmem:s24+$0xFFFFFF90];
	v19 =	vunpack.i.l.s16.s32 v17;
	[tilespmem:s17+$0xFFFFFFC0] =	vst v12;
	v9 =	vor.u32 v6, v9  }
0x365: {  	v12 =	vunpack.i.u.s16.s32 v17;
	v17 =	vshll.u32 v19, $0x7;
	v19 =	vld [tilespmem:s19+$0xFFFFFFB0]  }
0x366: {  	s23 =	sadd.s32 $0x2, s23;
	v12 =	vshll.u32 v12, $0x7;
	v21 =	vunpack.i.u.s16.s32 v16;
	v17 =	vor.u32 v2, v17;
	[tilespmem:s17+$0xFFFFFFD0] =	vst v13;
	v10 =	vld.idx.msk [tilespmem:v10+s7+$0x0], $0xffff  }
0x367: {  	p0 =	slt.u32 s23, $0x38;
	v16 =	vunpack.i.l.s16.s32 v16;
	v12 =	vor.u32 v3, v12;
	v13 =	vunpack.i.l.s16.s32 v20;
	v14 =	vld.idx.msk [tilespmem:v14+s7+$0x0], $0xffff  }
0x368: {  	v16 =	vshll.u32 v16, $0x7;
	v21 =	vshll.u32 v21, $0x7;
	v13 =	vshll.u32 v13, $0x7;
	v15 =	vld.idx.msk [tilespmem:v15+s7+$0x0], $0xffff  }
0x369: {  	v20 =	vunpack.i.u.s16.s32 v20;
	v22 =	vunpack.i.u.s16.s32 v18;
	v13 =	vor.u32 v0, v13;
	v23 =	vld.idx.msk [tilespmem:v9+s7+$0x0], $0xffff;
	[tilespmem:s17+$0x70] =	vst v11  }
0x36a: {  	v9 =	vunpack.i.l.s16.s32 v18;
	v18 =	vshll.u32 v20, $0x7;
	v11 =	vshll.u32 v22, $0x7;
	v20 =	vld [tilespmem:s18+$0xFFFFFFC0];
	s18 =	smov.u32 s19;
	s19 =	smov.u32 s21;
	s21 =	smov.u32 s24  }
0x36b: {  	v9 =	vshll.u32 v9, $0x7;
	v18 =	vor.u32 v1, v18;
	v11 =	vor.u32 v1, v11;
	v17 =	vld.idx.msk [tilespmem:v17+s7+$0x0], $0xffff  }
0x36c: {  	v16 =	vor.u32 v2, v16;
	v21 =	vor.u32 v3, v21;
	v22 =	vor.u32 v0, v9;
	v12 =	vld.idx.msk [tilespmem:v12+s7+$0x0], $0xffff  }
0x36d: {  	v9 =	vunpack.i.u.s16.s32 v19;
	v19 =	vunpack.i.l.s16.s32 v19;
	[tilespmem:s20+$0x40] =	vst v14;
	v14 =	vld.idx.msk [tilespmem:v8+s7+$0x0], $0xffff  }
0x36e: {  	v9 =	vshll.u32 v9, $0x7;
	v8 =	vshll.u32 v19, $0x7;
	v13 =	vld.idx.msk [tilespmem:v13+s7+$0x0], $0xffff;
	[tilespmem:s20+$0x50] =	vst v15  }
0x36f: {  	v24 =	vor.u32 v5, v9;
	v19 =	vor.u32 v4, v8;
	v9 =	vld [tilespmem:s18+$0x0];
	v8 =	vunpack.i.u.s16.s32 v20;
	[tilespmem:s16+$0xFFFFFFE0] =	vst v10  }
0x370: {  	v10 =	vunpack.i.l.s16.s32 v20;
	v18 =	vld.idx.msk [tilespmem:v18+s7+$0x0], $0xffff;
	v8 =	vshll.u32 v8, $0x7;
	[tilespmem:s17+$0x60] =	vst v23  }
0x371: {  	v10 =	vshll.u32 v10, $0x7;
	v20 =	vld.idx.msk [tilespmem:v22+s7+$0x0], $0xffff;
	[tilespmem:s22+$0x20] =	vst v17;
	v8 =	vor.u32 v7, v8  }
0x372: {  	v10 =	vor.u32 v6, v10;
	v22 =	vld.idx.msk [tilespmem:v11+s7+$0x0], $0xffff;
	[tilespmem:s22+$0x30] =	vst v12  }
0x373: {  	v23 =	vld [tilespmem:s19+$0xFFFFFFF0];
	[tilespmem:s16+$0xFFFFFFF0] =	vst v14;
	s16 =	smov.u32 s17;
	s17 =	smov.u32 s20;
	s20 =	smov.u32 s22  }
0x374: {  	s22 =	sadd.s32 $0x100, s22;
	v14 =	vld.idx.msk [tilespmem:v16+s7+$0x0], $0xffff;
	v11 =	vunpack.i.u.s16.s32 v9  }
.Ltmp3:
0x375: {  	[tilespmem:s22+$0x0] =	vst v13;
	v15 =	vld.idx.msk [tilespmem:v21+s7+$0x0], $0xffff;
	v11 =	vshll.u32 v11, $0x7;
	(pc) =	sbr.rel @p0 .LBB2_9-.Ltmp3, $4  }
0x376: {  	[tilespmem:s22+$0x10] =	vst v18;
	v12 =	vld.idx.msk [tilespmem:v19+s7+$0x0], $0xffff;
	v11 =	vor.u32 v7, v11  }
0x377: {  	[tilespmem:s22+$0xFFFFFF80] =	vst v20;
	v17 =	vld [tilespmem:s24+$0xFFFFFFE0]  }
0x378: {  	[tilespmem:s22+$0xFFFFFF90] =	vst v22;
	v19 =	vunpack.i.l.s16.s32 v23;
	v13 =	vld.idx.msk [tilespmem:v24+s7+$0x0], $0xffff  }
0x379: {  	s24 =	sadd.s32 $0x80, s24;
	v18 =	vunpack.i.u.s16.s32 v23;
	v16 =	vld [tilespmem:s21+$0xFFFFFFA0];
	v19 =	vshll.u32 v19, $0x7  }
0x37a: {  	_ =	sdelay $0x1  }
0x37b: {  	v20 =	vunpack.i.l.s16.s32 v17  }
0x37c: {  	v17 =	vunpack.i.u.s16.s32 v17;
	v20 =	vshll.u32 v20, $0x7  }
0x37d: {  	v17 =	vshll.u32 v17, $0x7;
	v20 =	vor.u32 v2, v20  }
0x37e: {  	v17 =	vor.u32 v3, v17  }
0x37f: {  	v21 =	vunpack.i.l.s16.s32 v16  }
0x380: {  	v16 =	vunpack.i.u.s16.s32 v16;
	v21 =	vshll.u32 v21, $0x7  }
0x381: {  	v16 =	vshll.u32 v16, $0x7;
	v21 =	vor.u32 v2, v21  }
0x382: {  	v16 =	vor.u32 v3, v16;
	v20 =	vld.idx.msk [tilespmem:v20+s7+$0x0], $0xffff  }
0x383: {  	v17 =	vld.idx.msk [tilespmem:v17+s7+$0x0], $0xffff;
	_ =	sdelay $0x1  }
0x384: {  	[tilespmem:s20+$0xFFFFFFA0] =	vst v14  }
0x385: {  	[tilespmem:s20+$0xFFFFFFB0] =	vst v15;
	v14 =	vld.idx.msk [tilespmem:v21+s7+$0x0], $0xffff  }
0x386: {  	v15 =	vld.idx.msk [tilespmem:v16+s7+$0x0], $0xffff;
	[tilespmem:s22+$0x20] =	vst v20  }
0x387: {  	v16 =	vld [tilespmem:s19+$0xFFFFFFB0];
	[tilespmem:s22+$0x30] =	vst v17  }
0x388: {  	v17 =	vld [tilespmem:s21+$0xFFFFFFF0];
	_ =	sdelay $0x1  }
0x389: {  	[tilespmem:s22+$0xFFFFFFA0] =	vst v14  }
0x38a: {  	v18 =	vshll.u32 v18, $0x7;
	v14 =	vor.u32 v4, v19;
	[tilespmem:s22+$0xFFFFFFB0] =	vst v15  }
0x38b: {  	v15 =	vor.u32 v5, v18;
	v18 =	vunpack.i.l.s16.s32 v16;
	v19 =	vld [tilespmem:s21+$0xFFFFFFB0]  }
0x38c: {  	v18 =	vshll.u32 v18, $0x7;
	v20 =	vunpack.i.l.s16.s32 v17  }
0x38d: {  	v18 =	vor.u32 v4, v18;
	v17 =	vunpack.i.u.s16.s32 v17;
	v20 =	vshll.u32 v20, $0x7  }
0x38e: {  	v16 =	vunpack.i.u.s16.s32 v16;
	v17 =	vshll.u32 v17, $0x7;
	v20 =	vor.u32 v4, v20  }
0x38f: {  	[tilespmem:s17+$0xFFFFFFC0] =	vst v12;
	v12 =	vld.idx.msk [tilespmem:v14+s7+$0x0], $0xffff;
	v14 =	vshll.u32 v16, $0x7;
	v16 =	vor.u32 v5, v17  }
0x390: {  	[tilespmem:s17+$0xFFFFFFD0] =	vst v13;
	v13 =	vld.idx.msk [tilespmem:v15+s7+$0x0], $0xffff;
	v14 =	vor.u32 v5, v14;
	v15 =	vunpack.i.l.s16.s32 v19  }
0x391: {  	v17 =	vld [tilespmem:s18+$0xFFFFFFC0];
	v19 =	vunpack.i.u.s16.s32 v19;
	v15 =	vshll.u32 v15, $0x7  }
0x392: {  	v18 =	vld.idx.msk [tilespmem:v18+s7+$0x0], $0xffff;
	v19 =	vshll.u32 v19, $0x7;
	v15 =	vor.u32 v4, v15  }
0x393: {  	v19 =	vor.u32 v5, v19;
	v20 =	vld.idx.msk [tilespmem:v20+s7+$0x0], $0xffff  }
0x394: {  	[tilespmem:s20+$0x40] =	vst v12;
	v12 =	vld.idx.msk [tilespmem:v16+s7+$0x0], $0xffff  }
0x395: {  	[tilespmem:s20+$0x50] =	vst v13;
	v13 =	vld.idx.msk [tilespmem:v14+s7+$0x0], $0xffff  }
0x396: {  	v14 =	vld [tilespmem:s19+$0x0]  }
0x397: {  	[tilespmem:s20+$0xFFFFFFC0] =	vst v18;
	v15 =	vld.idx.msk [tilespmem:v15+s7+$0x0], $0xffff  }
0x398: {  	v16 =	vld.idx.msk [tilespmem:v19+s7+$0x0], $0xffff;
	[tilespmem:s22+$0x40] =	vst v20  }
0x399: {  	v9 =	vunpack.i.l.s16.s32 v9;
	[tilespmem:s22+$0x50] =	vst v12  }
0x39a: {  	v9 =	vshll.u32 v9, $0x7;
	[tilespmem:s20+$0xFFFFFFD0] =	vst v13;
	v12 =	vld [tilespmem:s21+$0x0]  }
0x39b: {  	v9 =	vor.u32 v6, v9;
	v13 =	vunpack.i.u.s16.s32 v14;
	v18 =	vld [tilespmem:s19+$0xFFFFFFC0]  }
0x39c: {  	v19 =	vunpack.i.l.s16.s32 v17;
	v13 =	vshll.u32 v13, $0x7;
	[tilespmem:s22+$0xFFFFFFC0] =	vst v15  }
0x39d: {  	v11 =	vld.idx.msk [tilespmem:v11+s7+$0x0], $0xffff;
	v14 =	vunpack.i.l.s16.s32 v14;
	v15 =	vshll.u32 v19, $0x7;
	v13 =	vor.u32 v7, v13;
	[tilespmem:s22+$0xFFFFFFD0] =	vst v16  }
0x39e: {  	v14 =	vshll.u32 v14, $0x7;
	v16 =	vunpack.i.u.s16.s32 v17;
	v15 =	vor.u32 v6, v15;
	v17 =	vld [tilespmem:s21+$0xFFFFFFC0]  }
0x39f: {  	v10 =	vld.idx.msk [tilespmem:v10+s7+$0x0], $0xffff;
	v14 =	vor.u32 v6, v14;
	v16 =	vshll.u32 v16, $0x7;
	v19 =	vunpack.i.u.s16.s32 v12  }
0x3a0: {  	v9 =	vld.idx.msk [tilespmem:v9+s7+$0x0], $0xffff;
	v16 =	vor.u32 v7, v16;
	v20 =	vunpack.i.l.s16.s32 v18;
	v19 =	vshll.u32 v19, $0x7  }
0x3a1: {  	v8 =	vld.idx.msk [tilespmem:v8+s7+$0x0], $0xffff;
	v12 =	vunpack.i.l.s16.s32 v12;
	v20 =	vshll.u32 v20, $0x7;
	v19 =	vor.u32 v7, v19  }
0x3a2: {  	v18 =	vunpack.i.u.s16.s32 v18;
	v13 =	vld.idx.msk [tilespmem:v13+s7+$0x0], $0xffff;
	v12 =	vshll.u32 v12, $0x7;
	v20 =	vor.u32 v6, v20  }
0x3a3: {  	[tilespmem:s17+$0x70] =	vst v11;
	v11 =	vld.idx.msk [tilespmem:v15+s7+$0x0], $0xffff;
	v15 =	vshll.u32 v18, $0x7;
	v12 =	vor.u32 v6, v12;
	v18 =	vunpack.i.l.s16.s32 v17  }
0x3a4: {  	[tilespmem:s16+$0xFFFFFFE0] =	vst v10;
	v10 =	vld.idx.msk [tilespmem:v14+s7+$0x0], $0xffff;
	v14 =	vor.u32 v7, v15;
	v15 =	vunpack.i.u.s16.s32 v17;
	v17 =	vshll.u32 v18, $0x7  }
0x3a5: {  	[tilespmem:s17+$0x60] =	vst v9;
	v9 =	vld.idx.msk [tilespmem:v16+s7+$0x0], $0xffff;
	v15 =	vshll.u32 v15, $0x7;
	v16 =	vor.u32 v6, v17  }
0x3a6: {  	[tilespmem:s16+$0xFFFFFFF0] =	vst v8;
	v15 =	vor.u32 v7, v15;
	v8 =	vld.idx.msk [tilespmem:v19+s7+$0x0], $0xffff  }
0x3a7: {  	[tilespmem:s20+$0x70] =	vst v13;
	v13 =	vld.idx.msk [tilespmem:v20+s7+$0x0], $0xffff  }
0x3a8: {  	[tilespmem:s17+$0xFFFFFFE0] =	vst v11;
	v11 =	vld.idx.msk [tilespmem:v12+s7+$0x0], $0xffff  }
0x3a9: {  	[tilespmem:s20+$0x60] =	vst v10;
	v10 =	vld.idx.msk [tilespmem:v14+s7+$0x0], $0xffff  }
0x3aa: {  	[tilespmem:s17+$0xFFFFFFF0] =	vst v9;
	v9 =	vld.idx.msk [tilespmem:v16+s7+$0x0], $0xffff  }
0x3ab: {  	[tilespmem:s22+$0x70] =	vst v8;
	v8 =	vld.idx.msk [tilespmem:v15+s7+$0x0], $0xffff  }
0x3ac: {  	[tilespmem:s20+$0xFFFFFFE0] =	vst v13  }
0x3ad: {  	[tilespmem:s22+$0x60] =	vst v11  }
0x3ae: {  	[tilespmem:s20+$0xFFFFFFF0] =	vst v10  }
0x3af: {  	[tilespmem:s22+$0xFFFFFFE0] =	vst v9  }
0x3b0: {  	[tilespmem:s22+$0xFFFFFFF0] =	vst v8  }
0x3b1: {  	v8 =	vld [tilespmem:$0x3AC0];
	_ =	sdelay $0x4  }
0x3b2: {  	v9 =	vunpack.i.l.s16.s32 v8  }
0x3b3: {  	v8 =	vunpack.i.u.s16.s32 v8;
	v9 =	vshll.u32 v9, $0x7  }
0x3b4: {  	v10 =	vld [tilespmem:$0x3AD0];
	v8 =	vshll.u32 v8, $0x7;
	v9 =	vor.u32 v0, v9  }
0x3b5: {  	v8 =	vor.u32 v1, v8;
	_ =	sdelay $0x3  }
0x3b6: {  	v11 =	vunpack.i.l.s16.s32 v10;
	v9 =	vld.idx.msk [tilespmem:v9+s7+$0x0], $0xffff  }
0x3b7: {  	v10 =	vunpack.i.u.s16.s32 v10;
	v11 =	vshll.u32 v11, $0x7;
	v8 =	vld.idx.msk [tilespmem:v8+s7+$0x0], $0xffff  }
0x3b8: {  	v12 =	vld [tilespmem:$0x3AE0];
	v10 =	vshll.u32 v10, $0x7;
	v11 =	vor.u32 v2, v11  }
0x3b9: {  	v10 =	vor.u32 v3, v10;
	_ =	sdelay $0x1  }
0x3ba: {  	[tilespmem:$0x19700] =	vst v9  }
0x3bb: {  	[tilespmem:$0x19710] =	vst v8  }
0x3bc: {  	v9 =	vunpack.i.l.s16.s32 v12;
	v8 =	vld.idx.msk [tilespmem:v11+s7+$0x0], $0xffff  }
0x3bd: {  	v10 =	vld.idx.msk [tilespmem:v10+s7+$0x0], $0xffff;
	v11 =	vunpack.i.u.s16.s32 v12;
	v9 =	vshll.u32 v9, $0x7  }
0x3be: {  	v12 =	vld [tilespmem:$0x3AF0];
	v9 =	vor.u32 v4, v9;
	v11 =	vshll.u32 v11, $0x7  }
0x3bf: {  	v11 =	vor.u32 v5, v11;
	_ =	sdelay $0x1  }
0x3c0: {  	[tilespmem:$0x19720] =	vst v8  }
0x3c1: {  	[tilespmem:$0x19730] =	vst v10  }
0x3c2: {  	v8 =	vld.idx.msk [tilespmem:v9+s7+$0x0], $0xffff;
	v9 =	vunpack.i.l.s16.s32 v12  }
0x3c3: {  	v10 =	vld.idx.msk [tilespmem:v11+s7+$0x0], $0xffff;
	v11 =	vunpack.i.u.s16.s32 v12;
	v9 =	vshll.u32 v9, $0x7  }
0x3c4: {  	v9 =	vor.u32 v6, v9;
	v11 =	vshll.u32 v11, $0x7  }
0x3c5: {  	v11 =	vor.u32 v7, v11;
	_ =	sdelay $0x1  }
0x3c6: {  	[tilespmem:$0x19740] =	vst v8  }
0x3c7: {  	[tilespmem:$0x19750] =	vst v10  }
0x3c8: {  	v8 =	vld.idx.msk [tilespmem:v9+s7+$0x0], $0xffff  }
0x3c9: {  	v9 =	vld.idx.msk [tilespmem:v11+s7+$0x0], $0xffff;
	_ =	sdelay $0x2  }
0x3ca: {  	s15 =	sadd.s32 s4, s15  }
0x3cb: {  	s15 =	sshrl.u32 s15, $0x3;
	[tilespmem:$0x19760] =	vst v8  }
0x3cc: {  	s15 =	sadd.s32 s2, s15;
	[tilespmem:$0x19770] =	vst v9  }
0x3cd: {  	[hbm4b:s15+s6] =	stream.strided.scatter [tilespmem:s10], [sflag:$0x3], $0x1D80, s25, s6, $0x38;
	[tilespmem:$0x19A00] =	vst v63  }
0x3ce: {  	_ =	swait.ge [sflag:s11], $0x1D80  }
0x3cf: {  	[sflag:s11] =	ssyncset.done $0x0  }
0x3d0: {  	s29 =	simm.s32 $0x3B70;
	[sflag:s11] =	ssyncadd.s32 $0xFFFFE280  }
0x3d1: {  	v8 =	vld [tilespmem:s29+$0xFFFFFFD0];
	_ =	sdelay $0x4  }
0x3d2: {  	v9 =	vunpack.i.l.s16.s32 v8  }
0x3d3: {  	v8 =	vunpack.i.u.s16.s32 v8;
	v9 =	vshll.u32 v9, $0x7  }
0x3d4: {  	v8 =	vshll.u32 v8, $0x7;
	v9 =	vor.u32 v0, v9  }
0x3d5: {  	v8 =	vor.u32 v1, v8;
	_ =	sdelay $0x3  }
0x3d6: {  	v9 =	vld.idx.msk [tilespmem:v9+s7+$0x0], $0xffff  }
0x3d7: {  	v8 =	vld.idx.msk [tilespmem:v8+s7+$0x0], $0xffff  }
0x3d8: {  	v10 =	vld [tilespmem:s29+$0xFFFFFF90];
	_ =	sdelay $0x1  }
0x3d9: {  	s15 =	simm.s32 $0x15A80  }
0x3da: {  	[tilespmem:s15+$0x0] =	vst v9  }
0x3db: {  	[tilespmem:s15+$0x10] =	vst v8  }
0x3dc: {  	v8 =	vunpack.i.l.s16.s32 v10;
	v9 =	vld [tilespmem:s29+$0xFFFFFFE0]  }
0x3dd: {  	v10 =	vunpack.i.u.s16.s32 v10;
	v8 =	vshll.u32 v8, $0x7  }
0x3de: {  	s17 =	simm.s32 $0x3BF0;
	v10 =	vshll.u32 v10, $0x7;
	v8 =	vor.u32 v0, v8  }
0x3df: {  	v11 =	vld [tilespmem:s17+$0xFFFFFFD0];
	v10 =	vor.u32 v1, v10;
	_ =	sdelay $0x1  }
0x3e0: {  	v12 =	vunpack.i.l.s16.s32 v9  }
0x3e1: {  	v9 =	vunpack.i.u.s16.s32 v9;
	v12 =	vshll.u32 v12, $0x7  }
0x3e2: {  	v8 =	vld.idx.msk [tilespmem:v8+s7+$0x0], $0xffff;
	v9 =	vshll.u32 v9, $0x7;
	v12 =	vor.u32 v2, v12  }
0x3e3: {  	v13 =	vunpack.i.l.s16.s32 v11;
	v11 =	vunpack.i.u.s16.s32 v11;
	v10 =	vld.idx.msk [tilespmem:v10+s7+$0x0], $0xffff;
	v9 =	vor.u32 v3, v9  }
0x3e4: {  	v11 =	vshll.u32 v11, $0x7  }
0x3e5: {  	v13 =	vshll.u32 v13, $0x7;
	v11 =	vor.u32 v1, v11  }
0x3e6: {  	v14 =	vld [tilespmem:s17+$0xFFFFFF90];
	v13 =	vor.u32 v0, v13  }
0x3e7: {  	[tilespmem:s15+$0xFFFFFF80] =	vst v8;
	v8 =	vld.idx.msk [tilespmem:v12+s7+$0x0], $0xffff  }
0x3e8: {  	[tilespmem:s15+$0xFFFFFF90] =	vst v10;
	v9 =	vld.idx.msk [tilespmem:v9+s7+$0x0], $0xffff  }
0x3e9: {  	v10 =	vld [tilespmem:s29+$0xFFFFFFA0]  }
0x3ea: {  	v11 =	vld.idx.msk [tilespmem:v11+s7+$0x0], $0xffff  }
0x3eb: {  	v12 =	vld.idx.msk [tilespmem:v13+s7+$0x0], $0xffff;
	v13 =	vunpack.i.l.s16.s32 v14  }
0x3ec: {  	v14 =	vunpack.i.u.s16.s32 v14;
	v13 =	vshll.u32 v13, $0x7;
	[tilespmem:s15+$0x20] =	vst v8  }
0x3ed: {  	v13 =	vor.u32 v0, v13;
	v8 =	vshll.u32 v14, $0x7;
	[tilespmem:s15+$0x30] =	vst v9  }
0x3ee: {  	s16 =	simm.s32 $0x15B80;
	v9 =	vunpack.i.l.s16.s32 v10;
	v8 =	vor.u32 v1, v8;
	v14 =	vld [tilespmem:s29+$0xFFFFFFF0]  }
0x3ef: {  	[tilespmem:s16+$0x10] =	vst v11;
	v10 =	vunpack.i.u.s16.s32 v10;
	v9 =	vshll.u32 v9, $0x7  }
0x3f0: {  	[tilespmem:s16+$0x0] =	vst v12;
	v10 =	vshll.u32 v10, $0x7;
	v9 =	vor.u32 v2, v9  }
0x3f1: {  	v11 =	vld [tilespmem:s17+$0xFFFFFFE0];
	v10 =	vor.u32 v3, v10  }
0x3f2: {  	v12 =	vld.idx.msk [tilespmem:v13+s7+$0x0], $0xffff  }
0x3f3: {  	s18 =	simm.s32 $0x3C70;
	v8 =	vld.idx.msk [tilespmem:v8+s7+$0x0], $0xffff;
	v13 =	vunpack.i.l.s16.s32 v14  }
0x3f4: {  	v15 =	vld [tilespmem:s18+$0xFFFFFFD0];
	v14 =	vunpack.i.u.s16.s32 v14;
	v13 =	vshll.u32 v13, $0x7  }
0x3f5: {  	v9 =	vld.idx.msk [tilespmem:v9+s7+$0x0], $0xffff;
	v14 =	vshll.u32 v14, $0x7;
	v13 =	vor.u32 v4, v13  }
0x3f6: {  	v16 =	vunpack.i.l.s16.s32 v11;
	v11 =	vunpack.i.u.s16.s32 v11;
	v10 =	vld.idx.msk [tilespmem:v10+s7+$0x0], $0xffff;
	v14 =	vor.u32 v5, v14  }
0x3f7: {  	[tilespmem:s16+$0xFFFFFF80] =	vst v12;
	v12 =	vld [tilespmem:s18+$0xFFFFFF90];
	v11 =	vshll.u32 v11, $0x7  }
0x3f8: {  	v16 =	vshll.u32 v16, $0x7;
	v11 =	vor.u32 v3, v11;
	[tilespmem:s16+$0xFFFFFF90] =	vst v8  }
0x3f9: {  	v17 =	vunpack.i.l.s16.s32 v15;
	v8 =	vor.u32 v2, v16;
	v16 =	vld [tilespmem:s17+$0xFFFFFFA0]  }
0x3fa: {  	[tilespmem:s15+$0xFFFFFFA0] =	vst v9;
	v9 =	vld.idx.msk [tilespmem:v13+s7+$0x0], $0xffff;
	v13 =	vshll.u32 v17, $0x7  }
0x3fb: {  	[tilespmem:s15+$0xFFFFFFB0] =	vst v10;
	v10 =	vld.idx.msk [tilespmem:v14+s7+$0x0], $0xffff;
	v14 =	vunpack.i.u.s16.s32 v15;
	v13 =	vor.u32 v0, v13  }
0x3fc: {  	v15 =	vld [tilespmem:s29+$0xFFFFFFB0];
	v17 =	vunpack.i.l.s16.s32 v12;
	v14 =	vshll.u32 v14, $0x7  }
0x3fd: {  	v11 =	vld.idx.msk [tilespmem:v11+s7+$0x0], $0xffff;
	v17 =	vshll.u32 v17, $0x7;
	v14 =	vor.u32 v1, v14  }
0x3fe: {  	v12 =	vunpack.i.u.s16.s32 v12;
	v17 =	vor.u32 v0, v17;
	v8 =	vld.idx.msk [tilespmem:v8+s7+$0x0], $0xffff  }
0x3ff: {  	v12 =	vshll.u32 v12, $0x7;
	v18 =	vunpack.i.l.s16.s32 v16;
	[tilespmem:s15+$0x40] =	vst v9  }
0x400: {  	v12 =	vor.u32 v1, v12;
	v9 =	vunpack.i.u.s16.s32 v16;
	v16 =	vshll.u32 v18, $0x7;
	[tilespmem:s15+$0x50] =	vst v10;
	v13 =	vld.idx.msk [tilespmem:v13+s7+$0x0], $0xffff  }
0x401: {  	v9 =	vshll.u32 v9, $0x7;
	v10 =	vor.u32 v2, v16;
	v16 =	vld [tilespmem:s29+$0x0]  }
0x402: {  	[tilespmem:s16+$0x30] =	vst v11;
	v11 =	vunpack.i.u.s16.s32 v15;
	v9 =	vor.u32 v3, v9;
	v14 =	vld.idx.msk [tilespmem:v14+s7+$0x0], $0xffff  }
0x403: {  	v11 =	vshll.u32 v11, $0x7;
	v17 =	vld.idx.msk [tilespmem:v17+s7+$0x0], $0xffff;
	[tilespmem:s16+$0x20] =	vst v8  }
0x404: {  	v18 =	vunpack.i.l.s16.s32 v15;
	v11 =	vor.u32 v5, v11;
	v15 =	vld [tilespmem:s17+$0xFFFFFFF0]  }
0x405: {  	s19 =	simm.s32 $0x15C80;
	v12 =	vld.idx.msk [tilespmem:v12+s7+$0x0], $0xffff;
	v8 =	vshll.u32 v18, $0x7  }
0x406: {  	v8 =	vor.u32 v4, v8;
	v10 =	vld.idx.msk [tilespmem:v10+s7+$0x0], $0xffff;
	[tilespmem:s19+$0x0] =	vst v13  }
0x407: {  	v13 =	vunpack.i.u.s16.s32 v16;
	v9 =	vld.idx.msk [tilespmem:v9+s7+$0x0], $0xffff;
	[tilespmem:s19+$0x10] =	vst v14  }
0x408: {  	v13 =	vshll.u32 v13, $0x7;
	v14 =	vld [tilespmem:s18+$0xFFFFFFE0]  }
0x409: {  	s20 =	simm.s32 $0x3CF0;
	v11 =	vld.idx.msk [tilespmem:v11+s7+$0x0], $0xffff;
	v13 =	vor.u32 v7, v13;
	v18 =	vunpack.i.l.s16.s32 v15  }
0x40a: {  	[tilespmem:s19+$0xFFFFFF80] =	vst v17;
	v15 =	vunpack.i.u.s16.s32 v15;
	v17 =	vshll.u32 v18, $0x7;
	v18 =	vld [tilespmem:s20+$0xFFFFFFD0]  }
0x40b: {  	v16 =	vunpack.i.l.s16.s32 v16;
	[tilespmem:s19+$0xFFFFFF90] =	vst v12;
	v8 =	vld.idx.msk [tilespmem:v8+s7+$0x0], $0xffff;
	v15 =	vshll.u32 v15, $0x7;
	v12 =	vor.u32 v4, v17  }
0x40c: {  	v16 =	vshll.u32 v16, $0x7;
	v17 =	vld [tilespmem:s18+$0xFFFFFFA0];
	v15 =	vor.u32 v5, v15  }
0x40d: {  	v16 =	vor.u32 v6, v16;
	[tilespmem:s16+$0xFFFFFFA0] =	vst v10;
	v10 =	vld [tilespmem:s20+$0xFFFFFF90];
	v19 =	vunpack.i.l.s16.s32 v14  }
0x40e: {  	[tilespmem:s16+$0xFFFFFFB0] =	vst v9;
	v13 =	vld.idx.msk [tilespmem:v13+s7+$0x0], $0xffff;
	v9 =	vunpack.i.u.s16.s32 v14;
	v14 =	vshll.u32 v19, $0x7  }
0x40f: {  	v19 =	vld [tilespmem:s17+$0xFFFFFFB0];
	v9 =	vshll.u32 v9, $0x7;
	v14 =	vor.u32 v2, v14;
	v20 =	vunpack.i.l.s16.s32 v18  }
0x410: {  	v9 =	vor.u32 v3, v9;
	v12 =	vld.idx.msk [tilespmem:v12+s7+$0x0], $0xffff;
	v20 =	vshll.u32 v20, $0x7  }
0x411: {  	[tilespmem:s15+$0xFFFFFFC0] =	vst v8;
	v8 =	vld.idx.msk [tilespmem:v15+s7+$0x0], $0xffff;
	v15 =	vunpack.i.u.s16.s32 v18;
	v18 =	vor.u32 v0, v20  }
0x412: {  	[tilespmem:s15+$0xFFFFFFD0] =	vst v11;
	v11 =	vld.idx.msk [tilespmem:v16+s7+$0x0], $0xffff;
	v16 =	vunpack.i.l.s16.s32 v10;
	v15 =	vshll.u32 v15, $0x7  }
0x413: {  	v10 =	vunpack.i.u.s16.s32 v10;
	v20 =	vld [tilespmem:s29+$0xFFFFFFC0];
	v16 =	vshll.u32 v16, $0x7;
	v15 =	vor.u32 v1, v15  }
0x414: {  	v10 =	vshll.u32 v10, $0x7;
	v16 =	vor.u32 v0, v16;
	v14 =	vld.idx.msk [tilespmem:v14+s7+$0x0], $0xffff  }
0x415: {  	v61 =	vunpack.i.l.s16.s32 v17;
	v10 =	vor.u32 v1, v10;
	v22 =	vld.idx.msk [tilespmem:v9+s7+$0x0], $0xffff;
	[tilespmem:s16+$0x40] =	vst v12  }
0x416: {  	v9 =	vunpack.i.u.s16.s32 v17;
	v12 =	vshll.u32 v61, $0x7;
	[tilespmem:s16+$0x50] =	vst v8;
	v17 =	vld.idx.msk [tilespmem:v18+s7+$0x0], $0xffff;
	v18 =	vunpack.i.l.s16.s32 v19  }
0x417: {  	v8 =	vshll.u32 v9, $0x7;
	v12 =	vor.u32 v2, v12;
	v9 =	vld [tilespmem:s17+$0x0];
	v18 =	vshll.u32 v18, $0x7  }
0x418: {  	v62 =	vld.idx.msk [tilespmem:v15+s7+$0x0], $0xffff;
	v18 =	vor.u32 v4, v18  }
0x419: {  	v16 =	vld.idx.msk [tilespmem:v16+s7+$0x0], $0xffff;
	[tilespmem:s19+$0x20] =	vst v14  }
0x41a: {  	v8 =	vor.u32 v3, v8;
	v15 =	vunpack.i.u.s16.s32 v19;
	v19 =	vld.idx.msk [tilespmem:v10+s7+$0x0], $0xffff;
	[tilespmem:s19+$0x30] =	vst v22  }
0x41b: {  	v14 =	vshll.u32 v15, $0x7;
	v23 =	vld [tilespmem:s18+$0xFFFFFFF0]  }
0x41c: {  	s21 =	simm.s32 $0x15D80;
	[tilespmem:s15+$0x60] =	vst v11;
	v63 =	vor.u32 v5, v14;
	v14 =	vld.idx.msk [tilespmem:v12+s7+$0x0], $0xffff  }
0x41d: {  	[tilespmem:s21+$0x0] =	vst v17;
	v12 =	vld.idx.msk [tilespmem:v18+s7+$0x0], $0xffff;
	v18 =	vunpack.i.u.s16.s32 v9  }
0x41e: {  	[tilespmem:s21+$0xFFFFFF80] =	vst v16;
	v16 =	vshll.u32 v18, $0x7  }
0x41f: {  	v10 =	vunpack.i.u.s16.s32 v20;
	v15 =	vld.idx.msk [tilespmem:v8+s7+$0x0], $0xffff;
	v8 =	vunpack.i.l.s16.s32 v20;
	[tilespmem:s21+$0x10] =	vst v62;
	v11 =	vor.u32 v7, v16  }
0x420: {  	[tilespmem:s15+$0x70] =	vst v13;
	v10 =	vshll.u32 v10, $0x7;
	v13 =	vshll.u32 v8, $0x7;
	v17 =	vld [tilespmem:s20+$0xFFFFFFE0]  }
0x421: {  	v8 =	vor.u32 v7, v10;
	[tilespmem:s21+$0xFFFFFF90] =	vst v19;
	v10 =	vor.u32 v6, v13;
	v19 =	vunpack.i.l.s16.s32 v23;
	v13 =	vld.idx.msk [tilespmem:v63+s7+$0x0], $0xffff  }
0x422: {  	s23 =	simm.s32 $0x3D70;
	s22 =	simm.s32 $0x6;
	v16 =	vld [tilespmem:s20+$0xFFFFFFA0];
	v18 =	vunpack.i.u.s16.s32 v23;
	v19 =	vshll.u32 v19, $0x7  }
.LBB2_11:
0x423: {  	v20 =	vld [tilespmem:s23+$0xFFFFFFD0];
	[tilespmem:s19+$0xFFFFFFA0] =	vst v14;
	v14 =	vor.u32 v4, v19;
	v18 =	vshll.u32 v18, $0x7;
	v9 =	vunpack.i.l.s16.s32 v9  }
0x424: {  	[tilespmem:s19+$0xFFFFFFB0] =	vst v15;
	v15 =	vor.u32 v5, v18;
	v9 =	vshll.u32 v9, $0x7;
	v11 =	vld.idx.msk [tilespmem:v11+s7+$0x0], $0xffff  }
0x425: {  	v18 =	vld [tilespmem:s23+$0xFFFFFF90];
	v19 =	vunpack.i.l.s16.s32 v17;
	[tilespmem:s16+$0xFFFFFFC0] =	vst v12;
	v9 =	vor.u32 v6, v9  }
0x426: {  	v12 =	vunpack.i.u.s16.s32 v17;
	v17 =	vshll.u32 v19, $0x7;
	v19 =	vld [tilespmem:s18+$0xFFFFFFB0]  }
0x427: {  	s22 =	sadd.s32 $0x2, s22;
	v12 =	vshll.u32 v12, $0x7;
	v21 =	vunpack.i.u.s16.s32 v16;
	v17 =	vor.u32 v2, v17;
	[tilespmem:s16+$0xFFFFFFD0] =	vst v13;
	v10 =	vld.idx.msk [tilespmem:v10+s7+$0x0], $0xffff  }
0x428: {  	p0 =	slt.u32 s22, $0x38;
	v16 =	vunpack.i.l.s16.s32 v16;
	v12 =	vor.u32 v3, v12;
	v13 =	vunpack.i.l.s16.s32 v20;
	v14 =	vld.idx.msk [tilespmem:v14+s7+$0x0], $0xffff  }
0x429: {  	v16 =	vshll.u32 v16, $0x7;
	v21 =	vshll.u32 v21, $0x7;
	v13 =	vshll.u32 v13, $0x7;
	v15 =	vld.idx.msk [tilespmem:v15+s7+$0x0], $0xffff  }
0x42a: {  	v20 =	vunpack.i.u.s16.s32 v20;
	v22 =	vunpack.i.u.s16.s32 v18;
	v13 =	vor.u32 v0, v13;
	v23 =	vld.idx.msk [tilespmem:v9+s7+$0x0], $0xffff;
	[tilespmem:s16+$0x70] =	vst v11  }
0x42b: {  	v9 =	vunpack.i.l.s16.s32 v18;
	v18 =	vshll.u32 v20, $0x7;
	v11 =	vshll.u32 v22, $0x7;
	v20 =	vld [tilespmem:s17+$0xFFFFFFC0];
	s17 =	smov.u32 s18;
	s18 =	smov.u32 s20;
	s20 =	smov.u32 s23  }
0x42c: {  	v9 =	vshll.u32 v9, $0x7;
	v18 =	vor.u32 v1, v18;
	v11 =	vor.u32 v1, v11;
	v17 =	vld.idx.msk [tilespmem:v17+s7+$0x0], $0xffff  }
0x42d: {  	v16 =	vor.u32 v2, v16;
	v21 =	vor.u32 v3, v21;
	v22 =	vor.u32 v0, v9;
	v12 =	vld.idx.msk [tilespmem:v12+s7+$0x0], $0xffff  }
0x42e: {  	v9 =	vunpack.i.u.s16.s32 v19;
	v19 =	vunpack.i.l.s16.s32 v19;
	[tilespmem:s19+$0x40] =	vst v14;
	v14 =	vld.idx.msk [tilespmem:v8+s7+$0x0], $0xffff  }
0x42f: {  	v9 =	vshll.u32 v9, $0x7;
	v8 =	vshll.u32 v19, $0x7;
	v13 =	vld.idx.msk [tilespmem:v13+s7+$0x0], $0xffff;
	[tilespmem:s19+$0x50] =	vst v15  }
0x430: {  	v24 =	vor.u32 v5, v9;
	v19 =	vor.u32 v4, v8;
	v9 =	vld [tilespmem:s17+$0x0];
	v8 =	vunpack.i.u.s16.s32 v20;
	[tilespmem:s15+$0xFFFFFFE0] =	vst v10  }
0x431: {  	v10 =	vunpack.i.l.s16.s32 v20;
	v18 =	vld.idx.msk [tilespmem:v18+s7+$0x0], $0xffff;
	v8 =	vshll.u32 v8, $0x7;
	[tilespmem:s16+$0x60] =	vst v23  }
0x432: {  	v10 =	vshll.u32 v10, $0x7;
	v20 =	vld.idx.msk [tilespmem:v22+s7+$0x0], $0xffff;
	[tilespmem:s21+$0x20] =	vst v17;
	v8 =	vor.u32 v7, v8  }
0x433: {  	v10 =	vor.u32 v6, v10;
	v22 =	vld.idx.msk [tilespmem:v11+s7+$0x0], $0xffff;
	[tilespmem:s21+$0x30] =	vst v12  }
0x434: {  	v23 =	vld [tilespmem:s18+$0xFFFFFFF0];
	[tilespmem:s15+$0xFFFFFFF0] =	vst v14;
	s15 =	smov.u32 s16;
	s16 =	smov.u32 s19;
	s19 =	smov.u32 s21  }
0x435: {  	s21 =	sadd.s32 $0x100, s21;
	v14 =	vld.idx.msk [tilespmem:v16+s7+$0x0], $0xffff;
	v11 =	vunpack.i.u.s16.s32 v9  }
.Ltmp4:
0x436: {  	[tilespmem:s21+$0x0] =	vst v13;
	v15 =	vld.idx.msk [tilespmem:v21+s7+$0x0], $0xffff;
	v11 =	vshll.u32 v11, $0x7;
	(pc) =	sbr.rel @p0 .LBB2_11-.Ltmp4, $4  }
0x437: {  	[tilespmem:s21+$0x10] =	vst v18;
	v12 =	vld.idx.msk [tilespmem:v19+s7+$0x0], $0xffff;
	v11 =	vor.u32 v7, v11  }
0x438: {  	[tilespmem:s21+$0xFFFFFF80] =	vst v20;
	v17 =	vld [tilespmem:s23+$0xFFFFFFE0]  }
0x439: {  	[tilespmem:s21+$0xFFFFFF90] =	vst v22;
	v19 =	vunpack.i.l.s16.s32 v23;
	v13 =	vld.idx.msk [tilespmem:v24+s7+$0x0], $0xffff  }
0x43a: {  	s23 =	sadd.s32 $0x80, s23;
	v18 =	vunpack.i.u.s16.s32 v23;
	v16 =	vld [tilespmem:s20+$0xFFFFFFA0];
	v19 =	vshll.u32 v19, $0x7  }
0x43b: {  	_ =	sdelay $0x1  }
0x43c: {  	v20 =	vunpack.i.l.s16.s32 v17  }
0x43d: {  	v55 =	vunpack.i.u.s16.s32 v17;
	v20 =	vshll.u32 v20, $0x7  }
0x43e: {  	v17 =	vshll.u32 v55, $0x7;
	v20 =	vor.u32 v2, v20  }
0x43f: {  	v17 =	vor.u32 v3, v17  }
0x440: {  	v21 =	vunpack.i.l.s16.s32 v16  }
0x441: {  	v56 =	vunpack.i.u.s16.s32 v16;
	v21 =	vshll.u32 v21, $0x7  }
0x442: {  	v16 =	vshll.u32 v56, $0x7;
	v21 =	vor.u32 v2, v21  }
0x443: {  	v16 =	vor.u32 v3, v16;
	v20 =	vld.idx.msk [tilespmem:v20+s7+$0x0], $0xffff  }
0x444: {  	[tilespmem:s19+$0xFFFFFFA0] =	vst v14;
	v17 =	vld.idx.msk [tilespmem:v17+s7+$0x0], $0xffff  }
0x445: {  	[tilespmem:s19+$0xFFFFFFB0] =	vst v15  }
0x446: {  	v59 =	vld [tilespmem:s18+$0xFFFFFFB0]  }
0x447: {  	v57 =	vld.idx.msk [tilespmem:v21+s7+$0x0], $0xffff  }
0x448: {  	v58 =	vld.idx.msk [tilespmem:v16+s7+$0x0], $0xffff;
	[tilespmem:s21+$0x20] =	vst v20  }
0x449: {  	[tilespmem:s21+$0x30] =	vst v17  }
0x44a: {  	v17 =	vld [tilespmem:s20+$0xFFFFFFF0]  }
0x44b: {  	v60 =	vor.u32 v4, v19;
	v18 =	vshll.u32 v18, $0x7;
	v62 =	vunpack.i.l.s16.s32 v59  }
0x44c: {  	v61 =	vor.u32 v5, v18;
	v18 =	vshll.u32 v62, $0x7;
	v16 =	vunpack.i.u.s16.s32 v59;
	[tilespmem:s21+$0xFFFFFFA0] =	vst v57  }
0x44d: {  	v18 =	vor.u32 v4, v18;
	v26 =	vshll.u32 v16, $0x7;
	[tilespmem:s21+$0xFFFFFFB0] =	vst v58  }
0x44e: {  	v14 =	vor.u32 v5, v26;
	v63 =	vld [tilespmem:s20+$0xFFFFFFB0]  }
0x44f: {  	v24 =	vunpack.i.l.s16.s32 v17  }
0x450: {  	v25 =	vld.idx.msk [tilespmem:v60+s7+$0x0], $0xffff;
	v17 =	vunpack.i.u.s16.s32 v17;
	v20 =	vshll.u32 v24, $0x7  }
0x451: {  	v28 =	vld.idx.msk [tilespmem:v61+s7+$0x0], $0xffff;
	v17 =	vshll.u32 v17, $0x7;
	v20 =	vor.u32 v4, v20  }
0x452: {  	v18 =	vld.idx.msk [tilespmem:v18+s7+$0x0], $0xffff;
	v27 =	vor.u32 v5, v17  }
0x453: {  	[tilespmem:s16+$0xFFFFFFC0] =	vst v12;
	v32 =	vld.idx.msk [tilespmem:v14+s7+$0x0], $0xffff;
	v29 =	vunpack.i.l.s16.s32 v63  }
0x454: {  	[tilespmem:s16+$0xFFFFFFD0] =	vst v13;
	v19 =	vunpack.i.u.s16.s32 v63;
	v15 =	vshll.u32 v29, $0x7  }
0x455: {  	v30 =	vld [tilespmem:s17+$0xFFFFFFC0];
	[tilespmem:s19+$0x40] =	vst v25;
	v19 =	vshll.u32 v19, $0x7;
	v15 =	vor.u32 v4, v15  }
0x456: {  	[tilespmem:s19+$0x50] =	vst v28;
	v19 =	vor.u32 v5, v19;
	v20 =	vld.idx.msk [tilespmem:v20+s7+$0x0], $0xffff  }
0x457: {  	[tilespmem:s19+$0xFFFFFFC0] =	vst v18;
	v31 =	vld.idx.msk [tilespmem:v27+s7+$0x0], $0xffff  }
0x458: {  	v33 =	vld [tilespmem:s18+$0x0];
	[tilespmem:s19+$0xFFFFFFD0] =	vst v32  }
0x459: {  	v18 =	vld [tilespmem:s18+$0xFFFFFFC0]  }
0x45a: {  	v15 =	vld.idx.msk [tilespmem:v15+s7+$0x0], $0xffff  }
0x45b: {  	v34 =	vld.idx.msk [tilespmem:v19+s7+$0x0], $0xffff;
	[tilespmem:s21+$0x40] =	vst v20  }
0x45c: {  	v9 =	vunpack.i.l.s16.s32 v9;
	[tilespmem:s21+$0x50] =	vst v31  }
0x45d: {  	v9 =	vshll.u32 v9, $0x7;
	v38 =	vunpack.i.u.s16.s32 v30;
	v35 =	vunpack.i.u.s16.s32 v33;
	v12 =	vld [tilespmem:s20+$0x0]  }
0x45e: {  	v9 =	vor.u32 v6, v9;
	v16 =	vshll.u32 v38, $0x7;
	v13 =	vshll.u32 v35, $0x7  }
0x45f: {  	v11 =	vld.idx.msk [tilespmem:v11+s7+$0x0], $0xffff;
	v16 =	vor.u32 v7, v16;
	v14 =	vunpack.i.l.s16.s32 v33;
	v13 =	vor.u32 v7, v13;
	[tilespmem:s21+$0xFFFFFFC0] =	vst v15  }
0x460: {  	v10 =	vld.idx.msk [tilespmem:v10+s7+$0x0], $0xffff;
	v14 =	vshll.u32 v14, $0x7;
	v41 =	vunpack.i.l.s16.s32 v18;
	v18 =	vunpack.i.u.s16.s32 v18;
	[tilespmem:s21+$0xFFFFFFD0] =	vst v34  }
0x461: {  	v36 =	vunpack.i.l.s16.s32 v30;
	v14 =	vor.u32 v6, v14;
	v43 =	vshll.u32 v18, $0x7;
	v39 =	vld [tilespmem:s20+$0xFFFFFFC0]  }
0x462: {  	v8 =	vld.idx.msk [tilespmem:v8+s7+$0x0], $0xffff;
	v37 =	vshll.u32 v36, $0x7;
	v46 =	vor.u32 v7, v43;
	v40 =	vunpack.i.u.s16.s32 v12  }
0x463: {  	v9 =	vld.idx.msk [tilespmem:v9+s7+$0x0], $0xffff;
	v15 =	vor.u32 v6, v37;
	v19 =	vshll.u32 v40, $0x7  }
0x464: {  	v49 =	vld.idx.msk [tilespmem:v16+s7+$0x0], $0xffff;
	v20 =	vshll.u32 v41, $0x7;
	v19 =	vor.u32 v7, v19  }
0x465: {  	v13 =	vld.idx.msk [tilespmem:v13+s7+$0x0], $0xffff;
	v20 =	vor.u32 v6, v20;
	v12 =	vunpack.i.l.s16.s32 v12  }
0x466: {  	[tilespmem:s15+$0xFFFFFFE0] =	vst v10;
	v45 =	vld.idx.msk [tilespmem:v14+s7+$0x0], $0xffff;
	v12 =	vshll.u32 v12, $0x7;
	v44 =	vunpack.i.l.s16.s32 v39  }
0x467: {  	[tilespmem:s15+$0xFFFFFFF0] =	vst v8;
	v53 =	vld.idx.msk [tilespmem:v46+s7+$0x0], $0xffff;
	v12 =	vor.u32 v6, v12;
	v47 =	vunpack.i.u.s16.s32 v39;
	v48 =	vshll.u32 v44, $0x7  }
0x468: {  	[tilespmem:s16+$0x70] =	vst v11;
	v42 =	vld.idx.msk [tilespmem:v15+s7+$0x0], $0xffff;
	v15 =	vshll.u32 v47, $0x7;
	v50 =	vor.u32 v6, v48  }
0x469: {  	[tilespmem:s16+$0x60] =	vst v9;
	v15 =	vor.u32 v7, v15;
	v8 =	vld.idx.msk [tilespmem:v19+s7+$0x0], $0xffff  }
0x46a: {  	[tilespmem:s19+$0x70] =	vst v13;
	v51 =	vld.idx.msk [tilespmem:v20+s7+$0x0], $0xffff  }
0x46b: {  	[tilespmem:s19+$0x60] =	vst v45  }
0x46c: {  	[tilespmem:s16+$0xFFFFFFF0] =	vst v49;
	v52 =	vld.idx.msk [tilespmem:v12+s7+$0x0], $0xffff  }
0x46d: {  	[tilespmem:s19+$0xFFFFFFF0] =	vst v53;
	v54 =	vld.idx.msk [tilespmem:v50+s7+$0x0], $0xffff  }
0x46e: {  	[tilespmem:s21+$0x70] =	vst v8;
	v8 =	vld.idx.msk [tilespmem:v15+s7+$0x0], $0xffff  }
0x46f: {  	[tilespmem:s19+$0xFFFFFFE0] =	vst v51  }
0x470: {  	[tilespmem:s16+$0xFFFFFFE0] =	vst v42  }
0x471: {  	[tilespmem:s21+$0x60] =	vst v52  }
0x472: {  	[tilespmem:s21+$0xFFFFFFE0] =	vst v54  }
0x473: {  	[tilespmem:s21+$0xFFFFFFF0] =	vst v8  }
0x474: {  	v8 =	vld [tilespmem:$0x4980];
	_ =	sdelay $0x4  }
0x475: {  	v55 =	vunpack.i.l.s16.s32 v8  }
0x476: {  	v8 =	vunpack.i.u.s16.s32 v8;
	v9 =	vshll.u32 v55, $0x7  }
0x477: {  	v10 =	vld [tilespmem:$0x4990];
	v8 =	vshll.u32 v8, $0x7;
	v9 =	vor.u32 v0, v9  }
0x478: {  	v8 =	vor.u32 v1, v8;
	_ =	sdelay $0x3  }
0x479: {  	v56 =	vunpack.i.l.s16.s32 v10;
	v9 =	vld.idx.msk [tilespmem:v9+s7+$0x0], $0xffff  }
0x47a: {  	v10 =	vunpack.i.u.s16.s32 v10;
	v11 =	vshll.u32 v56, $0x7;
	v8 =	vld.idx.msk [tilespmem:v8+s7+$0x0], $0xffff  }
0x47b: {  	v57 =	vld [tilespmem:$0x49A0];
	v10 =	vshll.u32 v10, $0x7;
	v11 =	vor.u32 v2, v11  }
0x47c: {  	v10 =	vor.u32 v3, v10;
	_ =	sdelay $0x1  }
0x47d: {  	[tilespmem:$0x17700] =	vst v9  }
0x47e: {  	[tilespmem:$0x17710] =	vst v8  }
0x47f: {  	v58 =	vunpack.i.l.s16.s32 v57;
	v8 =	vld.idx.msk [tilespmem:v11+s7+$0x0], $0xffff  }
0x480: {  	v59 =	vunpack.i.u.s16.s32 v57;
	v9 =	vshll.u32 v58, $0x7;
	v10 =	vld.idx.msk [tilespmem:v10+s7+$0x0], $0xffff  }
0x481: {  	v60 =	vld [tilespmem:$0x49B0];
	v9 =	vor.u32 v4, v9;
	v11 =	vshll.u32 v59, $0x7  }
0x482: {  	v11 =	vor.u32 v5, v11;
	_ =	sdelay $0x1  }
0x483: {  	[tilespmem:$0x17720] =	vst v8  }
0x484: {  	[tilespmem:$0x17730] =	vst v10  }
0x485: {  	v61 =	vunpack.i.l.s16.s32 v60;
	v8 =	vld.idx.msk [tilespmem:v9+s7+$0x0], $0xffff  }
0x486: {  	v62 =	vunpack.i.u.s16.s32 v60;
	v10 =	vld.idx.msk [tilespmem:v11+s7+$0x0], $0xffff;
	v9 =	vshll.u32 v61, $0x7  }
0x487: {  	v11 =	vshll.u32 v62, $0x7;
	v9 =	vor.u32 v6, v9  }
0x488: {  	v11 =	vor.u32 v7, v11;
	_ =	sdelay $0x1  }
0x489: {  	[tilespmem:$0x17740] =	vst v8  }
0x48a: {  	[tilespmem:$0x17750] =	vst v10  }
0x48b: {  	v8 =	vld.idx.msk [tilespmem:v9+s7+$0x0], $0xffff  }
0x48c: {  	s13 =	sadd.s32 $0x1, s13;
	v63 =	vld.idx.msk [tilespmem:v11+s7+$0x0], $0xffff  }
0x48d: {  	p0 =	sne.s32 s13, $0x6  }
.Ltmp5:
0x48e: {  	_ = 	snop;
	(pc) =	sbr.rel @p0 .LBB2_2-.Ltmp5, $4  }
0x48f: {  	_ = 	snop  }
0x490: {  	s14 =	sor.u32 $0xB1000, s14;
	[tilespmem:$0x17760] =	vst v8  }
0x491: {  	s14 =	sadd.s32 s2, s14;
	[tilespmem:$0x17770] =	vst v63  }
0x492: {  	[hbm4b:s14+s6] =	stream.strided.scatter [tilespmem:s9], [sflag:$0x2], $0x1D80, s25, s6, $0x38;
	[tilespmem:$0x19A00] =	vst v63  }
0x493: {  	_ =	swait.ge [sflag:s11], $0x1D80  }
0x494: {  	[sflag:s11] =	ssyncset.done $0x0  }
0x495: {  	[sflag:s11] =	ssyncadd.s32 $0xFFFFE280  }
0x496: {  	_ =	swait.ge [sflag:s12], $0x1D80  }
0x497: {  	s14 =	rddreg [dreg:$0x1b]  }
0x498: {  	s13 =	rddreg [dreg:$0x17];
	s14 =	sadd.s32 $0x1, s14  }
0x499: {  	p0 =	sne.s32 s14, s13  }
.Ltmp6:
0x49a: {  	_ = 	snop;
	(pc) =	sbr.rel @p0 .LBB2_1-.Ltmp6, $3  }
0x49b: {  	_ =	sdelay $0x1  }
0x49c: {  	[sflag:s12] =	ssyncset.done $0x0  }
0x49d: {  	[sflag:s12] =	ssyncadd.s32 $0xFFFFE280  }
0x49e: {  	_ =	sfence.sel $0x180000  }
0x49f: {  	[bflag:$0x0] =	sbarrier.arrive $0xFFFF  }
0x4a0: {  	_ =	strace $0x90000047  }
0x4a1: {  	s0 =	stileid.u32;
	[bflag:$0x2] =	sbarrier.arrive $0xFFFF  }
0x4a2: {  	p0 =	sne.s32 s0, $0x0;
	s0 =	rddreg [dreg:$0x3]  }
0x4a3: {  	s0 =	sadd.s32 @!p0 $0x100000, s0  }
0x4a4: {  	[sflag:s0] =	ssyncadd.tile.s32 @!p0 $0x1;
	_ =	shalt  }
.Lfunc_end2:
_tile_overlayer_lowered:
.L_overlay_start_2:
0x4a5: {  	(tag) =	ssettag $0x2  }
0x4a6: {  	s0 =	rddreg [dreg:$0x0];
	s2 =	stileid.u32  }
0x4a7: {  	s1 =	rddreg [dreg:$0x1];
	p0 =	sne.s32 s2, $0x0  }
0x4a8: {  	s3 =	rddreg [dreg:$0x2];
	[bflag:$0x3] =	sbarrier.arrive $0xFFFF;
	s2 =	simm.s32 @!p0 $0x1C05  }
0x4a9: {  	[timem:s3], [sflag:s2] =	dma.local @!p0 [hbm:s0], s1  }
0x4aa: {  	s0 =	simm.s32 @!p0 $0x5  }
0x4ab: {  	_ =	swait.ge @!p0 [sflag:s0], s1  }
0x4ac: {  	s1 =	ssub.s32 @!p0 $0x0, s1;
	[sflag:s0] =	ssyncset.done @!p0 $0x0  }
0x4ad: {  	[sflag:s0] =	ssyncadd.s32 @!p0 s1  }
0x4ae: {  	[bflag:$0x3] =	sbarrier.arrive $0xFFFF  }
0x4af: {  	_ =	shalt  }

</sc_bundles>
